<compile_context>
chip_gen: v7x
topology: tpu7x:2x2x1
jax: 0.10.2.dev20260603
libtpu: 0.0.44.dev20260713+nightly
codegen_flags: <defaults>
</compile_context>

<pallas_src>
import functools

import jax
import jax.numpy as jnp
from jax import lax
from jax.experimental import pallas as pl
from jax.experimental.pallas import tpu as pltpu
from jax.experimental.pallas import tpu_sc as plsc

N = 10000
E = 320000
IN_DIM = 128
HID = 128
OUT_DIM = 64
W64 = 64

C = 125
NCHUNK = E // C
NSUB = 16
CPT = NCHUNK // NSUB
CD = 80
CPTD = (E // CD) // NSUB
GC = 200
NSEG = 20000
ZPT = 632
NPAD = NSUB * ZPT

_MESH = plsc.VectorSubcoreMesh(core_axis_name="c", subcore_axis_name="s")
_SC_PARAMS = pltpu.CompilerParams(
    needs_layout_passes=False, use_tc_tiling_on_sc=False
)


@functools.partial(
    pl.kernel,
    out_type=jax.ShapeDtypeStruct((2, NSUB, NPAD), jnp.float32),
    mesh=_MESH,
    compiler_params=_SC_PARAMS,
    scratch_types=[
        pltpu.VMEM((NSEG,), jnp.int32),
        pltpu.VMEM((NPAD,), jnp.float32),
    ],
)
def _sc_degree(e2_hbm, deg_hbm, idxd, hist):
    c = lax.axis_index("c")
    s = lax.axis_index("s")
    pltpu.sync_copy(e2_hbm.at[c, 1, pl.ds(s * NSEG, NSEG)], idxd)

    def zero(r, _):
        hist[pl.ds(r * 16, 16)] = jnp.zeros((16,), jnp.float32)
        return ()
    lax.fori_loop(0, NPAD // 16, zero, ())

    ones16 = jnp.ones((16,), jnp.float32)

    def body(j, _):
        for k in range(CD // 16):
            idx = idxd[pl.ds(j * CD + k * 16, 16)]
            plsc.addupdate_scatter(hist, [idx], ones16)
        return ()
    lax.fori_loop(0, NSEG // CD, body, ())
    pltpu.sync_copy(hist, deg_hbm.at[c, s])


def _make_sc_agg(passes):
  B = len(passes)

  @functools.partial(
      pl.kernel,
      out_type=jax.ShapeDtypeStruct((B, 2, NPAD, W64), jnp.float32),
      mesh=_MESH,
      compiler_params=_SC_PARAMS,
      scratch_types=[
          pltpu.VMEM((NSEG,), jnp.int32),
          pltpu.VMEM((NSEG,), jnp.int32),
          pltpu.VMEM((GC, W64), jnp.float32),
          pltpu.VMEM((GC, W64), jnp.float32),
          pltpu.VMEM_SHARED((NPAD, W64), jnp.float32),
          pltpu.SemaphoreType.DMA,
          pltpu.SemaphoreType.DMA,
      ],
  )
  def _sc_agg(e2_hbm, full_table_hbm, agg_hbm,
              idxs, idxd, rows0, rows1, acc, sem0, sem1):
    c = lax.axis_index("c")
    s = lax.axis_index("s")
    NT = NSEG // GC
    nfull = ZPT // GC
    rem = ZPT - nfull * GC

    for b, (edge_sel, table_sel) in enumerate(passes):
      src_sl, dst_sl = edge_sel(e2_hbm, c, s)
      table_hbm = table_sel(full_table_hbm, c)
      pltpu.sync_copy(src_sl, idxs)
      pltpu.sync_copy(dst_sl, idxd)

      def zrow(r, _):
          for k in range(W64 // 16):
              rows0[r, pl.ds(k * 16, 16)] = jnp.zeros((16,), jnp.float32)
          return ()
      lax.fori_loop(0, GC, zrow, ())
      for k in range(nfull):
          pltpu.sync_copy(rows0, acc.at[pl.ds(s * ZPT + k * GC, GC)])
      pltpu.sync_copy(rows0.at[pl.ds(0, rem)],
                      acc.at[pl.ds(s * ZPT + nfull * GC, rem)])
      plsc.subcore_barrier()

      def start(j, buf, sem):
          pltpu.async_copy(table_hbm.at[idxs.at[pl.ds(j, GC)]], buf, sem)

      def drain(buf, sem):
          pltpu.make_async_copy(
              table_hbm.at[idxs.at[pl.ds(0, GC)]], buf, sem
          ).wait()

      start(0, rows0, sem0)
      start(GC, rows1, sem1)

      def body(p, _):
          t0 = 2 * p
          for buf, sem, t in ((rows0, sem0, t0), (rows1, sem1, t0 + 1)):
              drain(buf, sem)
              pltpu.sync_copy(buf, acc.at[idxd.at[pl.ds(t * GC, GC)]],
                              add=True)
              start(jnp.minimum(t + 2, NT - 1) * GC, buf, sem)
          return ()
      lax.fori_loop(0, NT // 2, body, ())
      drain(rows0, sem0)
      drain(rows1, sem1)
      plsc.subcore_barrier()
      pltpu.sync_copy(acc.at[pl.ds(s * ZPT, ZPT)],
                      agg_hbm.at[b, c, pl.ds(s * ZPT, ZPT)])
      if b + 1 < B:
          plsc.subcore_barrier()

  return _sc_agg


def _edges_of(b):
    def sel(e2, c, s):
        return (e2.at[b, 0, pl.ds(s * NSEG, NSEG)],
                e2.at[b, 1, pl.ds(s * NSEG, NSEG)])
    return sel


def _edges_by_core(e2, c, s):
    return (e2.at[c, 0, pl.ds(s * NSEG, NSEG)],
            e2.at[c, 1, pl.ds(s * NSEG, NSEG)])


_agg_l1 = _make_sc_agg([(_edges_of(0), lambda t, c: t.at[0, c]),
                        (_edges_of(1), lambda t, c: t.at[1, c])])
_agg_l2 = _make_sc_agg([(_edges_by_core, lambda t, c: t.at[c])])


def _tc1_body(deg_ref, x_ref, w1a_ref, w1b_ref, hs_ref, dinv_ref):
    deg = jnp.sum(deg_ref[...], axis=2)
    dinv = lax.rsqrt(deg + 1.0)[:, :, None]
    dinv_ref[...] = dinv
    x = x_ref[...]
    ha = dinv[0] * jnp.dot(x, w1a_ref[...], preferred_element_type=jnp.float32)
    hb = dinv[1] * jnp.dot(x, w1b_ref[...], preferred_element_type=jnp.float32)
    hs_ref[...] = jnp.stack([
        jnp.stack([ha[:, :W64], ha[:, W64:]]),
        jnp.stack([hb[:, :W64], hb[:, W64:]]),
    ])


def _tc2_body(agg1_ref, hs1_ref, dinv_ref, b1_ref,
              w2a_ref, w2b_ref, hs2_ref):
    dinv = dinv_ref[...]
    agg_a = jnp.concatenate([agg1_ref[0, 0], agg1_ref[0, 1]], axis=-1)
    agg_b = jnp.concatenate([agg1_ref[1, 0], agg1_ref[1, 1]], axis=-1)
    hs_a = jnp.concatenate([hs1_ref[0, 0], hs1_ref[0, 1]], axis=-1)
    hs_b = jnp.concatenate([hs1_ref[1, 0], hs1_ref[1, 1]], axis=-1)
    xa = jax.nn.relu(dinv[0] * (agg_a + hs_a) + b1_ref[0])
    xb = jax.nn.relu(dinv[1] * (agg_b + hs_b) + b1_ref[1])
    ha = jnp.dot(xa, w2a_ref[...], preferred_element_type=jnp.float32)
    hb = jnp.dot(xb, w2b_ref[...], preferred_element_type=jnp.float32)
    hs2_ref[...] = jnp.stack([dinv[0] * ha, dinv[1] * hb])


def _tc3_body(agg_ref, hs_ref, dinv_ref, b2_ref, logits_ref, la_ref, lb_ref):
    l = dinv_ref[...] * (agg_ref[...] + hs_ref[...]) + b2_ref[...]
    la_ref[...] = l[0]
    lb_ref[...] = l[1]
    logits_ref[...] = 0.5 * l[0] + 0.5 * l[1]


_BLK = 1000
_GRID = N // _BLK


def _full2(shape):
    return pl.BlockSpec(shape, lambda i: (0, 0))


def _rows3(width):
    return pl.BlockSpec((2, _BLK, width), lambda i: (0, i, 0))


def _rows2(width):
    return pl.BlockSpec((_BLK, width), lambda i: (i, 0))


def kernel(x, edge_a, edge_b, W1a, b1a, W2a, b2a, W1b, b1b, W2b, b2b):
    e2 = jnp.stack([edge_a, edge_b])

    degp = _sc_degree(e2)[:, :, :N].transpose(0, 2, 1)

    hs1, dinv = pl.pallas_call(
        _tc1_body,
        grid=(_GRID,),
        in_specs=[pl.BlockSpec((2, _BLK, NSUB), lambda i: (0, i, 0)),
                  _rows2(IN_DIM), _full2((IN_DIM, HID)),
                  _full2((IN_DIM, HID))],
        out_specs=[pl.BlockSpec((2, 2, _BLK, W64), lambda i: (0, 0, i, 0)),
                   _rows3(1)],
        out_shape=[jax.ShapeDtypeStruct((2, 2, N, W64), jnp.float32),
                   jax.ShapeDtypeStruct((2, N, 1), jnp.float32)],
    )(degp, x, W1a, W1b)

    agg1 = _agg_l1(e2, hs1)[:, :, :N]

    b1 = jnp.stack([b1a, b1b]).reshape(2, 1, HID)
    hs2 = pl.pallas_call(
        _tc2_body,
        grid=(_GRID,),
        in_specs=[pl.BlockSpec((2, 2, _BLK, W64), lambda i: (0, 0, i, 0)),
                  pl.BlockSpec((2, 2, _BLK, W64), lambda i: (0, 0, i, 0)),
                  _rows3(1),
                  pl.BlockSpec((2, 1, HID), lambda i: (0, 0, 0)),
                  _full2((HID, OUT_DIM)), _full2((HID, OUT_DIM))],
        out_specs=_rows3(OUT_DIM),
        out_shape=jax.ShapeDtypeStruct((2, N, OUT_DIM), jnp.float32),
    )(agg1, hs1, dinv, b1, W2a, W2b)

    agg2 = _agg_l2(e2, hs2)[0][:, :N]

    b2 = jnp.stack([b2a, b2b]).reshape(2, 1, OUT_DIM)
    logits, la, lb = pl.pallas_call(
        _tc3_body,
        grid=(_GRID,),
        in_specs=[_rows3(OUT_DIM), _rows3(OUT_DIM), _rows3(1),
                  pl.BlockSpec((2, 1, OUT_DIM), lambda i: (0, 0, 0))],
        out_specs=[_rows2(OUT_DIM)] * 3,
        out_shape=[jax.ShapeDtypeStruct((N, OUT_DIM), jnp.float32)] * 3,
    )(agg2, hs2, dinv, b2)

    return (logits, la, lb)

# --- scband reference (transcript-rebuilt; emitter-appended) ---
"""Pipeline reference for scband-dual-gcn-20358144983303 (READ-ONLY COPY).

The authoritative reference and input builder live on the scoring server;
editing this copy changes nothing except your own understanding.
"""

import jax, jax.numpy as jnp
import numpy as np

N = 10000
E = 320000
IN_DIM = 128
HID = 128
OUT_DIM = 64


def _gcn_conv(x, edge_index, W, b):
    n = x.shape[0]
    src = edge_index[0]
    dst = edge_index[1]
    # add self loops (torch_geometric GCNConv default)
    loop = jnp.arange(n, dtype=src.dtype)
    src = jnp.concatenate([src, loop])
    dst = jnp.concatenate([dst, loop])
    h = x @ W
    deg = jnp.zeros((n,), jnp.float32).at[dst].add(1.0)
    dinv = jnp.where(deg > 0, jax.lax.rsqrt(deg), 0.0)
    norm = dinv[src] * dinv[dst]
    msg = jnp.take(h, src, axis=0) * norm[:, None]
    out = jnp.zeros((n, h.shape[1]), h.dtype).at[dst].add(msg)
    return out + b


def setup_inputs(seed: int = 0) -> dict:
    key = jax.random.key(seed)
    ks = jax.random.split(key, 12)
    x = jax.random.normal(ks[0], (N, IN_DIM), dtype=jnp.float32)
    edge_a = jax.random.randint(ks[1], (2, E), 0, N, dtype=jnp.int32)
    edge_b = jax.random.randint(ks[2], (2, E), 0, N, dtype=jnp.int32)
    W1a = jax.random.normal(ks[3], (IN_DIM, HID), dtype=jnp.float32) * (1.0 / np.sqrt(IN_DIM))
    b1a = jnp.zeros((HID,), jnp.float32)
    W2a = jax.random.normal(ks[4], (HID, OUT_DIM), dtype=jnp.float32) * (1.0 / np.sqrt(HID))
    b2a = jnp.zeros((OUT_DIM,), jnp.float32)
    W1b = jax.random.normal(ks[5], (IN_DIM, HID), dtype=jnp.float32) * (1.0 / np.sqrt(IN_DIM))
    b1b = jnp.zeros((HID,), jnp.float32)
    W2b = jax.random.normal(ks[6], (HID, OUT_DIM), dtype=jnp.float32) * (1.0 / np.sqrt(HID))
    b2b = jnp.zeros((OUT_DIM,), jnp.float32)
    return {"x": x, "edge_a": edge_a, "edge_b": edge_b,
            "W1a": W1a, "b1a": b1a, "W2a": W2a, "b2a": b2a,
            "W1b": W1b, "b1b": b1b, "W2b": W2b, "b2b": b2b}


def reference(x, edge_a, edge_b, W1a, b1a, W2a, b2a, W1b, b1b, W2b, b2b):
    # dropout is identity in eval mode
    xa = jax.nn.relu(_gcn_conv(x, edge_a, W1a, b1a))
    la = _gcn_conv(xa, edge_a, W2a, b2a)
    xb = jax.nn.relu(_gcn_conv(x, edge_b, W1b, b1b))
    lb = _gcn_conv(xb, edge_b, W2b, b2b)
    logits = 0.5 * la + 0.5 * lb
    return (logits, la, lb)

if __name__ == "__main__":
    import jax
    _d = setup_inputs()
    print(jax.jit(kernel)(*tuple(_d.values())))

</pallas_src>

<mosaic_0001>
#map = affine_map<(d0, d1) -> (0, 0, 0)>
module attributes {stable_mosaic.version = 14 : i64} {
  func.func @_sc_degree(%arg0: i32, %arg1: i32, %arg2: memref<2x2x320000xi32, #tpu.memory_space<hbm>>, %arg3: memref<2x16x10112xf32, #tpu.memory_space<hbm>>, %arg4: memref<20000xi32, #tpu.memory_space<vmem>>, %arg5: memref<10112xf32, #tpu.memory_space<vmem>>) attributes {dimension_semantics = [#tpu.dimension_semantics<core_parallel>, #tpu.dimension_semantics<subcore_parallel>], iteration_bounds = array<i64: 2, 16>, scalar_prefetch = 0 : i64, scratch_operands = 2 : i64, tpu.core_type = #tpu.core_type<sc_vector_subcore>, window_params = [{transform_indices = #map}, {transform_indices = #map}]} {
    %mul3A = arith.constant 20000 : i32
    %mul3A_0 = arith.muli %arg1, %mul3A : i32
    %run_scoped3A = arith.constant 1 : i32
    "tpu.region"() ({
      %run_scoped3A_11 = tpu.sem_alloc : memref<!tpu.dma_semaphore, #tpu.memory_space<semaphore_mem>>
      %dma_start3A = tpu.memref_slice %arg2[%arg0, %run_scoped3A, %mul3A_0] : memref<2x2x320000xi32, #tpu.memory_space<hbm>> -> memref<1x1x20000xi32, #tpu.memory_space<hbm>>
      %dma_start3A_12 = tpu.memref_squeeze %dma_start3A : memref<1x1x20000xi32, #tpu.memory_space<hbm>> -> memref<20000xi32, #tpu.memory_space<hbm>>
      %dma_start3A_13 = tpu.memref_slice %arg2[%arg0, %run_scoped3A, %mul3A_0] : memref<2x2x320000xi32, #tpu.memory_space<hbm>> -> memref<1x1x20000xi32, #tpu.memory_space<hbm>>
      %dma_start3A_14 = tpu.memref_squeeze %dma_start3A_13 : memref<1x1x20000xi32, #tpu.memory_space<hbm>> -> memref<20000xi32, #tpu.memory_space<hbm>>
      tpu.enqueue_dma source(%dma_start3A_14 : memref<20000xi32, #tpu.memory_space<hbm>>) target(%arg4 : memref<20000xi32, #tpu.memory_space<vmem>>) target_semaphore(%run_scoped3A_11 : memref<!tpu.dma_semaphore, #tpu.memory_space<semaphore_mem>>)
      %dma_wait3A = tpu.memref_slice %arg2[%arg0, %run_scoped3A, %mul3A_0] : memref<2x2x320000xi32, #tpu.memory_space<hbm>> -> memref<1x1x20000xi32, #tpu.memory_space<hbm>>
      %dma_wait3A_15 = tpu.memref_squeeze %dma_wait3A : memref<1x1x20000xi32, #tpu.memory_space<hbm>> -> memref<20000xi32, #tpu.memory_space<hbm>>
      %dma_wait3A_16 = tpu.memref_slice %arg2[%arg0, %run_scoped3A, %mul3A_0] : memref<2x2x320000xi32, #tpu.memory_space<hbm>> -> memref<1x1x20000xi32, #tpu.memory_space<hbm>>
      %dma_wait3A_17 = tpu.memref_squeeze %dma_wait3A_16 : memref<1x1x20000xi32, #tpu.memory_space<hbm>> -> memref<20000xi32, #tpu.memory_space<hbm>>
      tpu.wait_dma2 semaphore(%run_scoped3A_11 : memref<!tpu.dma_semaphore, #tpu.memory_space<semaphore_mem>>) src(%dma_wait3A_17 : memref<20000xi32, #tpu.memory_space<hbm>>) dst(%arg4 : memref<20000xi32, #tpu.memory_space<vmem>>)
      tpu.yield
    }) : () -> ()
    %scan3A = arith.constant 0 : i32
    %scan3A_1 = arith.constant 632 : i32
    %scan3A_2 = arith.addi %scan3A, %scan3A_1 : i32
    %scan3A_3 = arith.constant 1 : i32
    scf.for %scan3A_11 = %scan3A to %scan3A_2 step %scan3A_3  : i32 {
      %broadcast_in_dim3A_12 = arith.constant 0.000000e+00 : f32
      %broadcast_in_dim3A_13 = vector.broadcast %broadcast_in_dim3A_12 : f32 to vector<16xf32>
      %mul3A_14 = arith.constant 16 : i32
      %mul3A_15 = arith.muli %scan3A_11, %mul3A_14 : i32
      %swap3A = arith.index_cast %mul3A_15 : i32 to index
      %swap3A_16 = tpu.vector_load %arg5[%swap3A] {strides = array<i32>} : memref<10112xf32, #tpu.memory_space<vmem>>, vector<16xf32>,
      tpu.vector_store %arg5[%swap3A], %broadcast_in_dim3A_13 {strides = array<i32>} : memref<10112xf32, #tpu.memory_space<vmem>>, vector<16xf32>,
    }
    %scan3A_4 = arith.constant 632 : i32
    %broadcast_in_dim3A = arith.constant 1.000000e+00 : f32
    %broadcast_in_dim3A_5 = vector.broadcast %broadcast_in_dim3A : f32 to vector<16xf32>
    %scan3A_6 = arith.constant 0 : i32
    %scan3A_7 = arith.constant 250 : i32
    %scan3A_8 = arith.addi %scan3A_6, %scan3A_7 : i32
    %scan3A_9 = arith.constant 1 : i32
    scf.for %scan3A_11 = %scan3A_6 to %scan3A_8 step %scan3A_9  : i32 {
      %mul3A_12 = arith.constant 80 : i32
      %mul3A_13 = arith.muli %scan3A_11, %mul3A_12 : i32
      %add3A = arith.constant 0 : i32
      %add3A_14 = arith.addi %mul3A_13, %add3A : i32
      %get3A = arith.index_cast %add3A_14 : i32 to index
      %get3A_15 = tpu.vector_load %arg4[%get3A] {strides = array<i32>} : memref<20000xi32, #tpu.memory_space<vmem>>, vector<16xi32>,
      tpu.vector_store_idx %arg5[%get3A_15], %broadcast_in_dim3A_5 {add = true} : memref<10112xf32, #tpu.memory_space<vmem>>[vector<16xi32>], vector<16xf32>,
      %mul3A_16 = arith.constant 80 : i32
      %mul3A_17 = arith.muli %scan3A_11, %mul3A_16 : i32
      %add3A_18 = arith.constant 16 : i32
      %add3A_19 = arith.addi %mul3A_17, %add3A_18 : i32
      %get3A_20 = arith.index_cast %add3A_19 : i32 to index
      %get3A_21 = tpu.vector_load %arg4[%get3A_20] {strides = array<i32>} : memref<20000xi32, #tpu.memory_space<vmem>>, vector<16xi32>,
      tpu.vector_store_idx %arg5[%get3A_21], %broadcast_in_dim3A_5 {add = true} : memref<10112xf32, #tpu.memory_space<vmem>>[vector<16xi32>], vector<16xf32>,
      %mul3A_22 = arith.constant 80 : i32
      %mul3A_23 = arith.muli %scan3A_11, %mul3A_22 : i32
      %add3A_24 = arith.constant 32 : i32
      %add3A_25 = arith.addi %mul3A_23, %add3A_24 : i32
      %get3A_26 = arith.index_cast %add3A_25 : i32 to index
      %get3A_27 = tpu.vector_load %arg4[%get3A_26] {strides = array<i32>} : memref<20000xi32, #tpu.memory_space<vmem>>, vector<16xi32>,
      tpu.vector_store_idx %arg5[%get3A_27], %broadcast_in_dim3A_5 {add = true} : memref<10112xf32, #tpu.memory_space<vmem>>[vector<16xi32>], vector<16xf32>,
      %mul3A_28 = arith.constant 80 : i32
      %mul3A_29 = arith.muli %scan3A_11, %mul3A_28 : i32
      %add3A_30 = arith.constant 48 : i32
      %add3A_31 = arith.addi %mul3A_29, %add3A_30 : i32
      %get3A_32 = arith.index_cast %add3A_31 : i32 to index
      %get3A_33 = tpu.vector_load %arg4[%get3A_32] {strides = array<i32>} : memref<20000xi32, #tpu.memory_space<vmem>>, vector<16xi32>,
      tpu.vector_store_idx %arg5[%get3A_33], %broadcast_in_dim3A_5 {add = true} : memref<10112xf32, #tpu.memory_space<vmem>>[vector<16xi32>], vector<16xf32>,
      %mul3A_34 = arith.constant 80 : i32
      %mul3A_35 = arith.muli %scan3A_11, %mul3A_34 : i32
      %add3A_36 = arith.constant 64 : i32
      %add3A_37 = arith.addi %mul3A_35, %add3A_36 : i32
      %get3A_38 = arith.index_cast %add3A_37 : i32 to index
      %get3A_39 = tpu.vector_load %arg4[%get3A_38] {strides = array<i32>} : memref<20000xi32, #tpu.memory_space<vmem>>, vector<16xi32>,
      tpu.vector_store_idx %arg5[%get3A_39], %broadcast_in_dim3A_5 {add = true} : memref<10112xf32, #tpu.memory_space<vmem>>[vector<16xi32>], vector<16xf32>,
    }
    %scan3A_10 = arith.constant 250 : i32
    "tpu.region"() ({
      %run_scoped3A_11 = tpu.sem_alloc : memref<!tpu.dma_semaphore, #tpu.memory_space<semaphore_mem>>
      %dma_start3A = arith.constant 0 : i32
      %dma_start3A_12 = tpu.memref_slice %arg3[%arg0, %arg1, %dma_start3A] : memref<2x16x10112xf32, #tpu.memory_space<hbm>> -> memref<1x1x10112xf32, #tpu.memory_space<hbm>>
      %dma_start3A_13 = tpu.memref_squeeze %dma_start3A_12 : memref<1x1x10112xf32, #tpu.memory_space<hbm>> -> memref<10112xf32, #tpu.memory_space<hbm>>
      %dma_start3A_14 = arith.constant 0 : i32
      %dma_start3A_15 = tpu.memref_slice %arg3[%arg0, %arg1, %dma_start3A_14] : memref<2x16x10112xf32, #tpu.memory_space<hbm>> -> memref<1x1x10112xf32, #tpu.memory_space<hbm>>
      %dma_start3A_16 = tpu.memref_squeeze %dma_start3A_15 : memref<1x1x10112xf32, #tpu.memory_space<hbm>> -> memref<10112xf32, #tpu.memory_space<hbm>>
      tpu.enqueue_dma source(%arg5 : memref<10112xf32, #tpu.memory_space<vmem>>) target(%dma_start3A_16 : memref<10112xf32, #tpu.memory_space<hbm>>) target_semaphore(%run_scoped3A_11 : memref<!tpu.dma_semaphore, #tpu.memory_space<semaphore_mem>>)
      %dma_wait3A = arith.constant 0 : i32
      %dma_wait3A_17 = tpu.memref_slice %arg3[%arg0, %arg1, %dma_wait3A] : memref<2x16x10112xf32, #tpu.memory_space<hbm>> -> memref<1x1x10112xf32, #tpu.memory_space<hbm>>
      %dma_wait3A_18 = tpu.memref_squeeze %dma_wait3A_17 : memref<1x1x10112xf32, #tpu.memory_space<hbm>> -> memref<10112xf32, #tpu.memory_space<hbm>>
      %dma_wait3A_19 = arith.constant 0 : i32
      %dma_wait3A_20 = tpu.memref_slice %arg3[%arg0, %arg1, %dma_wait3A_19] : memref<2x16x10112xf32, #tpu.memory_space<hbm>> -> memref<1x1x10112xf32, #tpu.memory_space<hbm>>
      %dma_wait3A_21 = tpu.memref_squeeze %dma_wait3A_20 : memref<1x1x10112xf32, #tpu.memory_space<hbm>> -> memref<10112xf32, #tpu.memory_space<hbm>>
      tpu.wait_dma2 semaphore(%run_scoped3A_11 : memref<!tpu.dma_semaphore, #tpu.memory_space<semaphore_mem>>) src(%arg5 : memref<10112xf32, #tpu.memory_space<vmem>>) dst(%dma_wait3A_21 : memref<10112xf32, #tpu.memory_space<hbm>>)
      tpu.yield
    }) : () -> ()
    return
  }
}

#map = affine_map<(d0, d1) -> (0, 0, 0)>
#map1 = affine_map<(d0, d1) -> (0, 0, 0, 0)>
module attributes {stable_mosaic.version = 14 : i64} {
  func.func @_sc_agg(%arg0: i32, %arg1: i32, %arg2: memref<2x2x320000xi32, #tpu.memory_space<hbm>>, %arg3: memref<2x10000x64xf32, #tpu.memory_space<hbm>>, %arg4: memref<1x2x10112x64xf32, #tpu.memory_space<hbm>>, %arg5: memref<20000xi32, #tpu.memory_space<vmem>>, %arg6: memref<20000xi32, #tpu.memory_space<vmem>>, %arg7: memref<200x64xf32, #tpu.memory_space<vmem>>, %arg8: memref<200x64xf32, #tpu.memory_space<vmem>>, %arg9: memref<10112x64xf32, #tpu.memory_space<vmem_shared>>, %arg10: memref<!tpu.dma_semaphore, #tpu.memory_space<semaphore_mem>>, %arg11: memref<!tpu.dma_semaphore, #tpu.memory_space<semaphore_mem>>) attributes {dimension_semantics = [#tpu.dimension_semantics<core_parallel>, #tpu.dimension_semantics<subcore_parallel>], iteration_bounds = array<i64: 2, 16>, scalar_prefetch = 0 : i64, scratch_operands = 7 : i64, tpu.core_type = #tpu.core_type<sc_vector_subcore>, window_params = [{transform_indices = #map}, {transform_indices = #map}, {transform_indices = #map1}]} {
    %mul3A = arith.constant 20000 : i32
    %mul3A_0 = arith.muli %arg1, %mul3A : i32
    %mul3A_1 = arith.constant 20000 : i32
    %mul3A_2 = arith.muli %arg1, %mul3A_1 : i32
    %run_scoped3A = arith.constant 0 : i32
    "tpu.region"() ({
      %run_scoped3A_68 = tpu.sem_alloc : memref<!tpu.dma_semaphore, #tpu.memory_space<semaphore_mem>>
      %dma_start3A_69 = tpu.memref_slice %arg2[%arg0, %run_scoped3A, %mul3A_0] : memref<2x2x320000xi32, #tpu.memory_space<hbm>> -> memref<1x1x20000xi32, #tpu.memory_space<hbm>>
      %dma_start3A_70 = tpu.memref_squeeze %dma_start3A_69 : memref<1x1x20000xi32, #tpu.memory_space<hbm>> -> memref<20000xi32, #tpu.memory_space<hbm>>
      %dma_start3A_71 = tpu.memref_slice %arg2[%arg0, %run_scoped3A, %mul3A_0] : memref<2x2x320000xi32, #tpu.memory_space<hbm>> -> memref<1x1x20000xi32, #tpu.memory_space<hbm>>
      %dma_start3A_72 = tpu.memref_squeeze %dma_start3A_71 : memref<1x1x20000xi32, #tpu.memory_space<hbm>> -> memref<20000xi32, #tpu.memory_space<hbm>>
      tpu.enqueue_dma source(%dma_start3A_72 : memref<20000xi32, #tpu.memory_space<hbm>>) target(%arg5 : memref<20000xi32, #tpu.memory_space<vmem>>) target_semaphore(%run_scoped3A_68 : memref<!tpu.dma_semaphore, #tpu.memory_space<semaphore_mem>>)
      %dma_wait3A_73 = tpu.memref_slice %arg2[%arg0, %run_scoped3A, %mul3A_0] : memref<2x2x320000xi32, #tpu.memory_space<hbm>> -> memref<1x1x20000xi32, #tpu.memory_space<hbm>>
      %dma_wait3A_74 = tpu.memref_squeeze %dma_wait3A_73 : memref<1x1x20000xi32, #tpu.memory_space<hbm>> -> memref<20000xi32, #tpu.memory_space<hbm>>
      %dma_wait3A_75 = tpu.memref_slice %arg2[%arg0, %run_scoped3A, %mul3A_0] : memref<2x2x320000xi32, #tpu.memory_space<hbm>> -> memref<1x1x20000xi32, #tpu.memory_space<hbm>>
      %dma_wait3A_76 = tpu.memref_squeeze %dma_wait3A_75 : memref<1x1x20000xi32, #tpu.memory_space<hbm>> -> memref<20000xi32, #tpu.memory_space<hbm>>
      tpu.wait_dma2 semaphore(%run_scoped3A_68 : memref<!tpu.dma_semaphore, #tpu.memory_space<semaphore_mem>>) src(%dma_wait3A_76 : memref<20000xi32, #tpu.memory_space<hbm>>) dst(%arg5 : memref<20000xi32, #tpu.memory_space<vmem>>)
      tpu.yield
    }) : () -> ()
    %run_scoped3A_3 = arith.constant 1 : i32
    "tpu.region"() ({
      %run_scoped3A_68 = tpu.sem_alloc : memref<!tpu.dma_semaphore, #tpu.memory_space<semaphore_mem>>
      %dma_start3A_69 = tpu.memref_slice %arg2[%arg0, %run_scoped3A_3, %mul3A_2] : memref<2x2x320000xi32, #tpu.memory_space<hbm>> -> memref<1x1x20000xi32, #tpu.memory_space<hbm>>
      %dma_start3A_70 = tpu.memref_squeeze %dma_start3A_69 : memref<1x1x20000xi32, #tpu.memory_space<hbm>> -> memref<20000xi32, #tpu.memory_space<hbm>>
      %dma_start3A_71 = tpu.memref_slice %arg2[%arg0, %run_scoped3A_3, %mul3A_2] : memref<2x2x320000xi32, #tpu.memory_space<hbm>> -> memref<1x1x20000xi32, #tpu.memory_space<hbm>>
      %dma_start3A_72 = tpu.memref_squeeze %dma_start3A_71 : memref<1x1x20000xi32, #tpu.memory_space<hbm>> -> memref<20000xi32, #tpu.memory_space<hbm>>
      tpu.enqueue_dma source(%dma_start3A_72 : memref<20000xi32, #tpu.memory_space<hbm>>) target(%arg6 : memref<20000xi32, #tpu.memory_space<vmem>>) target_semaphore(%run_scoped3A_68 : memref<!tpu.dma_semaphore, #tpu.memory_space<semaphore_mem>>)
      %dma_wait3A_73 = tpu.memref_slice %arg2[%arg0, %run_scoped3A_3, %mul3A_2] : memref<2x2x320000xi32, #tpu.memory_space<hbm>> -> memref<1x1x20000xi32, #tpu.memory_space<hbm>>
      %dma_wait3A_74 = tpu.memref_squeeze %dma_wait3A_73 : memref<1x1x20000xi32, #tpu.memory_space<hbm>> -> memref<20000xi32, #tpu.memory_space<hbm>>
      %dma_wait3A_75 = tpu.memref_slice %arg2[%arg0, %run_scoped3A_3, %mul3A_2] : memref<2x2x320000xi32, #tpu.memory_space<hbm>> -> memref<1x1x20000xi32, #tpu.memory_space<hbm>>
      %dma_wait3A_76 = tpu.memref_squeeze %dma_wait3A_75 : memref<1x1x20000xi32, #tpu.memory_space<hbm>> -> memref<20000xi32, #tpu.memory_space<hbm>>
      tpu.wait_dma2 semaphore(%run_scoped3A_68 : memref<!tpu.dma_semaphore, #tpu.memory_space<semaphore_mem>>) src(%dma_wait3A_76 : memref<20000xi32, #tpu.memory_space<hbm>>) dst(%arg6 : memref<20000xi32, #tpu.memory_space<vmem>>)
      tpu.yield
    }) : () -> ()
    %scan3A = arith.constant 0 : i32
    %scan3A_4 = arith.constant 200 : i32
    %scan3A_5 = arith.addi %scan3A, %scan3A_4 : i32
    %scan3A_6 = arith.constant 1 : i32
    scf.for %scan3A_68 = %scan3A to %scan3A_5 step %scan3A_6  : i32 {
      %broadcast_in_dim3A = arith.constant 0.000000e+00 : f32
      %broadcast_in_dim3A_69 = vector.broadcast %broadcast_in_dim3A : f32 to vector<16xf32>
      %swap3A = arith.index_cast %scan3A_68 : i32 to index
      %swap3A_70 = arith.constant 0 : index
      %swap3A_71 = tpu.vector_load %arg7[%swap3A, %swap3A_70] {strides = array<i32>} : memref<200x64xf32, #tpu.memory_space<vmem>>, vector<16xf32>,
      tpu.vector_store %arg7[%swap3A, %swap3A_70], %broadcast_in_dim3A_69 {strides = array<i32>} : memref<200x64xf32, #tpu.memory_space<vmem>>, vector<16xf32>,
      %broadcast_in_dim3A_72 = arith.constant 0.000000e+00 : f32
      %broadcast_in_dim3A_73 = vector.broadcast %broadcast_in_dim3A_72 : f32 to vector<16xf32>
      %swap3A_74 = arith.index_cast %scan3A_68 : i32 to index
      %swap3A_75 = arith.constant 16 : index
      %swap3A_76 = tpu.vector_load %arg7[%swap3A_74, %swap3A_75] {strides = array<i32>} : memref<200x64xf32, #tpu.memory_space<vmem>>, vector<16xf32>,
      tpu.vector_store %arg7[%swap3A_74, %swap3A_75], %broadcast_in_dim3A_73 {strides = array<i32>} : memref<200x64xf32, #tpu.memory_space<vmem>>, vector<16xf32>,
      %broadcast_in_dim3A_77 = arith.constant 0.000000e+00 : f32
      %broadcast_in_dim3A_78 = vector.broadcast %broadcast_in_dim3A_77 : f32 to vector<16xf32>
      %swap3A_79 = arith.index_cast %scan3A_68 : i32 to index
      %swap3A_80 = arith.constant 32 : index
      %swap3A_81 = tpu.vector_load %arg7[%swap3A_79, %swap3A_80] {strides = array<i32>} : memref<200x64xf32, #tpu.memory_space<vmem>>, vector<16xf32>,
      tpu.vector_store %arg7[%swap3A_79, %swap3A_80], %broadcast_in_dim3A_78 {strides = array<i32>} : memref<200x64xf32, #tpu.memory_space<vmem>>, vector<16xf32>,
      %broadcast_in_dim3A_82 = arith.constant 0.000000e+00 : f32
      %broadcast_in_dim3A_83 = vector.broadcast %broadcast_in_dim3A_82 : f32 to vector<16xf32>
      %swap3A_84 = arith.index_cast %scan3A_68 : i32 to index
      %swap3A_85 = arith.constant 48 : index
      %swap3A_86 = tpu.vector_load %arg7[%swap3A_84, %swap3A_85] {strides = array<i32>} : memref<200x64xf32, #tpu.memory_space<vmem>>, vector<16xf32>,
      tpu.vector_store %arg7[%swap3A_84, %swap3A_85], %broadcast_in_dim3A_83 {strides = array<i32>} : memref<200x64xf32, #tpu.memory_space<vmem>>, vector<16xf32>,
    }
    %scan3A_7 = arith.constant 200 : i32
    %mul3A_8 = arith.constant 632 : i32
    %mul3A_9 = arith.muli %arg1, %mul3A_8 : i32
    %add3A = arith.constant 0 : i32
    %add3A_10 = arith.addi %mul3A_9, %add3A : i32
    "tpu.region"() ({
      %run_scoped3A_68 = tpu.sem_alloc : memref<!tpu.dma_semaphore, #tpu.memory_space<semaphore_mem>>
      %dma_start3A_69 = arith.constant 0 : i32
      %dma_start3A_70 = tpu.memref_slice %arg9[%add3A_10, %dma_start3A_69] : memref<10112x64xf32, #tpu.memory_space<vmem_shared>> -> memref<200x64xf32, #tpu.memory_space<vmem_shared>>
      %dma_start3A_71 = arith.constant 0 : i32
      %dma_start3A_72 = tpu.memref_slice %arg9[%add3A_10, %dma_start3A_71] : memref<10112x64xf32, #tpu.memory_space<vmem_shared>> -> memref<200x64xf32, #tpu.memory_space<vmem_shared>>
      tpu.enqueue_dma source(%arg7 : memref<200x64xf32, #tpu.memory_space<vmem>>) target(%dma_start3A_72 : memref<200x64xf32, #tpu.memory_space<vmem_shared>>) target_semaphore(%run_scoped3A_68 : memref<!tpu.dma_semaphore, #tpu.memory_space<semaphore_mem>>)
      %dma_wait3A_73 = arith.constant 0 : i32
      %dma_wait3A_74 = tpu.memref_slice %arg9[%add3A_10, %dma_wait3A_73] : memref<10112x64xf32, #tpu.memory_space<vmem_shared>> -> memref<200x64xf32, #tpu.memory_space<vmem_shared>>
      %dma_wait3A_75 = arith.constant 0 : i32
      %dma_wait3A_76 = tpu.memref_slice %arg9[%add3A_10, %dma_wait3A_75] : memref<10112x64xf32, #tpu.memory_space<vmem_shared>> -> memref<200x64xf32, #tpu.memory_space<vmem_shared>>
      tpu.wait_dma2 semaphore(%run_scoped3A_68 : memref<!tpu.dma_semaphore, #tpu.memory_space<semaphore_mem>>) src(%arg7 : memref<200x64xf32, #tpu.memory_space<vmem>>) dst(%dma_wait3A_76 : memref<200x64xf32, #tpu.memory_space<vmem_shared>>)
      tpu.yield
    }) : () -> ()
    %mul3A_11 = arith.constant 632 : i32
    %mul3A_12 = arith.muli %arg1, %mul3A_11 : i32
    %add3A_13 = arith.constant 200 : i32
    %add3A_14 = arith.addi %mul3A_12, %add3A_13 : i32
    "tpu.region"() ({
      %run_scoped3A_68 = tpu.sem_alloc : memref<!tpu.dma_semaphore, #tpu.memory_space<semaphore_mem>>
      %dma_start3A_69 = arith.constant 0 : i32
      %dma_start3A_70 = tpu.memref_slice %arg9[%add3A_14, %dma_start3A_69] : memref<10112x64xf32, #tpu.memory_space<vmem_shared>> -> memref<200x64xf32, #tpu.memory_space<vmem_shared>>
      %dma_start3A_71 = arith.constant 0 : i32
      %dma_start3A_72 = tpu.memref_slice %arg9[%add3A_14, %dma_start3A_71] : memref<10112x64xf32, #tpu.memory_space<vmem_shared>> -> memref<200x64xf32, #tpu.memory_space<vmem_shared>>
      tpu.enqueue_dma source(%arg7 : memref<200x64xf32, #tpu.memory_space<vmem>>) target(%dma_start3A_72 : memref<200x64xf32, #tpu.memory_space<vmem_shared>>) target_semaphore(%run_scoped3A_68 : memref<!tpu.dma_semaphore, #tpu.memory_space<semaphore_mem>>)
      %dma_wait3A_73 = arith.constant 0 : i32
      %dma_wait3A_74 = tpu.memref_slice %arg9[%add3A_14, %dma_wait3A_73] : memref<10112x64xf32, #tpu.memory_space<vmem_shared>> -> memref<200x64xf32, #tpu.memory_space<vmem_shared>>
      %dma_wait3A_75 = arith.constant 0 : i32
      %dma_wait3A_76 = tpu.memref_slice %arg9[%add3A_14, %dma_wait3A_75] : memref<10112x64xf32, #tpu.memory_space<vmem_shared>> -> memref<200x64xf32, #tpu.memory_space<vmem_shared>>
      tpu.wait_dma2 semaphore(%run_scoped3A_68 : memref<!tpu.dma_semaphore, #tpu.memory_space<semaphore_mem>>) src(%arg7 : memref<200x64xf32, #tpu.memory_space<vmem>>) dst(%dma_wait3A_76 : memref<200x64xf32, #tpu.memory_space<vmem_shared>>)
      tpu.yield
    }) : () -> ()
    %mul3A_15 = arith.constant 632 : i32
    %mul3A_16 = arith.muli %arg1, %mul3A_15 : i32
    %add3A_17 = arith.constant 400 : i32
    %add3A_18 = arith.addi %mul3A_16, %add3A_17 : i32
    "tpu.region"() ({
      %run_scoped3A_68 = tpu.sem_alloc : memref<!tpu.dma_semaphore, #tpu.memory_space<semaphore_mem>>
      %dma_start3A_69 = arith.constant 0 : i32
      %dma_start3A_70 = tpu.memref_slice %arg9[%add3A_18, %dma_start3A_69] : memref<10112x64xf32, #tpu.memory_space<vmem_shared>> -> memref<200x64xf32, #tpu.memory_space<vmem_shared>>
      %dma_start3A_71 = arith.constant 0 : i32
      %dma_start3A_72 = tpu.memref_slice %arg9[%add3A_18, %dma_start3A_71] : memref<10112x64xf32, #tpu.memory_space<vmem_shared>> -> memref<200x64xf32, #tpu.memory_space<vmem_shared>>
      tpu.enqueue_dma source(%arg7 : memref<200x64xf32, #tpu.memory_space<vmem>>) target(%dma_start3A_72 : memref<200x64xf32, #tpu.memory_space<vmem_shared>>) target_semaphore(%run_scoped3A_68 : memref<!tpu.dma_semaphore, #tpu.memory_space<semaphore_mem>>)
      %dma_wait3A_73 = arith.constant 0 : i32
      %dma_wait3A_74 = tpu.memref_slice %arg9[%add3A_18, %dma_wait3A_73] : memref<10112x64xf32, #tpu.memory_space<vmem_shared>> -> memref<200x64xf32, #tpu.memory_space<vmem_shared>>
      %dma_wait3A_75 = arith.constant 0 : i32
      %dma_wait3A_76 = tpu.memref_slice %arg9[%add3A_18, %dma_wait3A_75] : memref<10112x64xf32, #tpu.memory_space<vmem_shared>> -> memref<200x64xf32, #tpu.memory_space<vmem_shared>>
      tpu.wait_dma2 semaphore(%run_scoped3A_68 : memref<!tpu.dma_semaphore, #tpu.memory_space<semaphore_mem>>) src(%arg7 : memref<200x64xf32, #tpu.memory_space<vmem>>) dst(%dma_wait3A_76 : memref<200x64xf32, #tpu.memory_space<vmem_shared>>)
      tpu.yield
    }) : () -> ()
    %mul3A_19 = arith.constant 632 : i32
    %mul3A_20 = arith.muli %arg1, %mul3A_19 : i32
    %add3A_21 = arith.constant 600 : i32
    %add3A_22 = arith.addi %mul3A_20, %add3A_21 : i32
    "tpu.region"() ({
      %run_scoped3A_68 = tpu.sem_alloc : memref<!tpu.dma_semaphore, #tpu.memory_space<semaphore_mem>>
      %dma_start3A_69 = arith.constant 0 : i32
      %dma_start3A_70 = arith.constant 0 : i32
      %dma_start3A_71 = tpu.memref_slice %arg7[%dma_start3A_69, %dma_start3A_70] : memref<200x64xf32, #tpu.memory_space<vmem>> -> memref<32x64xf32, #tpu.memory_space<vmem>>
      %dma_start3A_72 = arith.constant 0 : i32
      %dma_start3A_73 = tpu.memref_slice %arg9[%add3A_22, %dma_start3A_72] : memref<10112x64xf32, #tpu.memory_space<vmem_shared>> -> memref<32x64xf32, #tpu.memory_space<vmem_shared>>
      %dma_start3A_74 = arith.constant 0 : i32
      %dma_start3A_75 = tpu.memref_slice %arg9[%add3A_22, %dma_start3A_74] : memref<10112x64xf32, #tpu.memory_space<vmem_shared>> -> memref<32x64xf32, #tpu.memory_space<vmem_shared>>
      %dma_start3A_76 = arith.constant 0 : i32
      %dma_start3A_77 = arith.constant 0 : i32
      %dma_start3A_78 = tpu.memref_slice %arg7[%dma_start3A_76, %dma_start3A_77] : memref<200x64xf32, #tpu.memory_space<vmem>> -> memref<32x64xf32, #tpu.memory_space<vmem>>
      tpu.enqueue_dma source(%dma_start3A_78 : memref<32x64xf32, #tpu.memory_space<vmem>>) target(%dma_start3A_75 : memref<32x64xf32, #tpu.memory_space<vmem_shared>>) target_semaphore(%run_scoped3A_68 : memref<!tpu.dma_semaphore, #tpu.memory_space<semaphore_mem>>)
      %dma_wait3A_79 = arith.constant 0 : i32
      %dma_wait3A_80 = arith.constant 0 : i32
      %dma_wait3A_81 = tpu.memref_slice %arg7[%dma_wait3A_79, %dma_wait3A_80] : memref<200x64xf32, #tpu.memory_space<vmem>> -> memref<32x64xf32, #tpu.memory_space<vmem>>
      %dma_wait3A_82 = arith.constant 0 : i32
      %dma_wait3A_83 = tpu.memref_slice %arg9[%add3A_22, %dma_wait3A_82] : memref<10112x64xf32, #tpu.memory_space<vmem_shared>> -> memref<32x64xf32, #tpu.memory_space<vmem_shared>>
      %dma_wait3A_84 = arith.constant 0 : i32
      %dma_wait3A_85 = tpu.memref_slice %arg9[%add3A_22, %dma_wait3A_84] : memref<10112x64xf32, #tpu.memory_space<vmem_shared>> -> memref<32x64xf32, #tpu.memory_space<vmem_shared>>
      %dma_wait3A_86 = arith.constant 0 : i32
      %dma_wait3A_87 = arith.constant 0 : i32
      %dma_wait3A_88 = tpu.memref_slice %arg7[%dma_wait3A_86, %dma_wait3A_87] : memref<200x64xf32, #tpu.memory_space<vmem>> -> memref<32x64xf32, #tpu.memory_space<vmem>>
      tpu.wait_dma2 semaphore(%run_scoped3A_68 : memref<!tpu.dma_semaphore, #tpu.memory_space<semaphore_mem>>) src(%dma_wait3A_88 : memref<32x64xf32, #tpu.memory_space<vmem>>) dst(%dma_wait3A_85 : memref<32x64xf32, #tpu.memory_space<vmem_shared>>)
      tpu.yield
    }) : () -> ()
    %barrier3A = arith.constant 0 : index
    tpu.barrier barrier_id(%barrier3A)
    %dma_start3A = arith.constant 0 : i32
    %dma_start3A_23 = tpu.memref_slice %arg5[%dma_start3A] : memref<20000xi32, #tpu.memory_space<vmem>> -> memref<200xi32, #tpu.memory_space<vmem>>
    %dma_start3A_24 = arith.constant 0 : i32
    %dma_start3A_25 = arith.constant 0 : i32
    %dma_start3A_26 = tpu.memref_slice %arg3[%arg0, %dma_start3A_24, %dma_start3A_25] : memref<2x10000x64xf32, #tpu.memory_space<hbm>> -> memref<1x10000x64xf32, #tpu.memory_space<hbm>>
    %dma_start3A_27 = tpu.memref_squeeze %dma_start3A_26 : memref<1x10000x64xf32, #tpu.memory_space<hbm>> -> memref<10000x64xf32, #tpu.memory_space<hbm>>
    %dma_start3A_28 = arith.constant 0 : i32
    %dma_start3A_29 = arith.constant 0 : i32
    %dma_start3A_30 = tpu.memref_slice %dma_start3A_27[%dma_start3A_28, %dma_start3A_29] : memref<10000x64xf32, #tpu.memory_space<hbm>> -> memref<10000x64xf32, #tpu.memory_space<hbm>>
    tpu.enqueue_indirect_dma source(%dma_start3A_30 : memref<10000x64xf32, #tpu.memory_space<hbm>>) target(%arg7 : memref<200x64xf32, #tpu.memory_space<vmem>>) offsets(%dma_start3A_23 : memref<200xi32, #tpu.memory_space<vmem>>) semaphore(%arg10 : memref<!tpu.dma_semaphore, #tpu.memory_space<semaphore_mem>>)
    %dma_start3A_31 = arith.constant 200 : i32
    %dma_start3A_32 = tpu.memref_slice %arg5[%dma_start3A_31] : memref<20000xi32, #tpu.memory_space<vmem>> -> memref<200xi32, #tpu.memory_space<vmem>>
    %dma_start3A_33 = arith.constant 0 : i32
    %dma_start3A_34 = arith.constant 0 : i32
    %dma_start3A_35 = tpu.memref_slice %arg3[%arg0, %dma_start3A_33, %dma_start3A_34] : memref<2x10000x64xf32, #tpu.memory_space<hbm>> -> memref<1x10000x64xf32, #tpu.memory_space<hbm>>
    %dma_start3A_36 = tpu.memref_squeeze %dma_start3A_35 : memref<1x10000x64xf32, #tpu.memory_space<hbm>> -> memref<10000x64xf32, #tpu.memory_space<hbm>>
    %dma_start3A_37 = arith.constant 0 : i32
    %dma_start3A_38 = arith.constant 0 : i32
    %dma_start3A_39 = tpu.memref_slice %dma_start3A_36[%dma_start3A_37, %dma_start3A_38] : memref<10000x64xf32, #tpu.memory_space<hbm>> -> memref<10000x64xf32, #tpu.memory_space<hbm>>
    tpu.enqueue_indirect_dma source(%dma_start3A_39 : memref<10000x64xf32, #tpu.memory_space<hbm>>) target(%arg8 : memref<200x64xf32, #tpu.memory_space<vmem>>) offsets(%dma_start3A_32 : memref<200xi32, #tpu.memory_space<vmem>>) semaphore(%arg11 : memref<!tpu.dma_semaphore, #tpu.memory_space<semaphore_mem>>)
    %scan3A_40 = arith.constant 0 : i32
    %scan3A_41 = arith.constant 50 : i32
    %scan3A_42 = arith.addi %scan3A_40, %scan3A_41 : i32
    %scan3A_43 = arith.constant 1 : i32
    scf.for %scan3A_68 = %scan3A_40 to %scan3A_42 step %scan3A_43  : i32 {
      %mul3A_69 = arith.constant 2 : i32
      %mul3A_70 = arith.muli %mul3A_69, %scan3A_68 : i32
      %add3A_71 = arith.constant 1 : i32
      %add3A_72 = arith.addi %mul3A_70, %add3A_71 : i32
      %dma_wait3A_73 = arith.constant 0 : i32
      %dma_wait3A_74 = tpu.memref_slice %arg5[%dma_wait3A_73] : memref<20000xi32, #tpu.memory_space<vmem>> -> memref<200xi32, #tpu.memory_space<vmem>>
      %dma_wait3A_75 = arith.constant 0 : i32
      %dma_wait3A_76 = arith.constant 0 : i32
      %dma_wait3A_77 = tpu.memref_slice %arg3[%arg0, %dma_wait3A_75, %dma_wait3A_76] : memref<2x10000x64xf32, #tpu.memory_space<hbm>> -> memref<1x10000x64xf32, #tpu.memory_space<hbm>>
      %dma_wait3A_78 = tpu.memref_squeeze %dma_wait3A_77 : memref<1x10000x64xf32, #tpu.memory_space<hbm>> -> memref<10000x64xf32, #tpu.memory_space<hbm>>
      %dma_wait3A_79 = arith.constant 0 : i32
      %dma_wait3A_80 = arith.constant 0 : i32
      %dma_wait3A_81 = tpu.memref_slice %dma_wait3A_78[%dma_wait3A_79, %dma_wait3A_80] : memref<10000x64xf32, #tpu.memory_space<hbm>> -> memref<10000x64xf32, #tpu.memory_space<hbm>>
      tpu.wait_indirect_dma semaphore(%arg10 : memref<!tpu.dma_semaphore, #tpu.memory_space<semaphore_mem>>) src(%dma_wait3A_81 : memref<10000x64xf32, #tpu.memory_space<hbm>>) dst(%arg7 : memref<200x64xf32, #tpu.memory_space<vmem>>)
      %mul3A_82 = arith.constant 200 : i32
      %mul3A_83 = arith.muli %mul3A_70, %mul3A_82 : i32
      "tpu.region"() ({
        %run_scoped3A_122 = tpu.sem_alloc : memref<!tpu.dma_semaphore, #tpu.memory_space<semaphore_mem>>
        %dma_start3A_123 = tpu.memref_slice %arg6[%mul3A_83] : memref<20000xi32, #tpu.memory_space<vmem>> -> memref<200xi32, #tpu.memory_space<vmem>>
        %dma_start3A_124 = arith.constant 0 : i32
        %dma_start3A_125 = arith.constant 0 : i32
        %dma_start3A_126 = tpu.memref_slice %arg9[%dma_start3A_124, %dma_start3A_125] : memref<10112x64xf32, #tpu.memory_space<vmem_shared>> -> memref<10112x64xf32, #tpu.memory_space<vmem_shared>>
        tpu.enqueue_indirect_dma source(%arg7 : memref<200x64xf32, #tpu.memory_space<vmem>>) target(%dma_start3A_126 : memref<10112x64xf32, #tpu.memory_space<vmem_shared>>) offsets(%dma_start3A_123 : memref<200xi32, #tpu.memory_space<vmem>>) semaphore(%run_scoped3A_122 : memref<!tpu.dma_semaphore, #tpu.memory_space<semaphore_mem>>) {add = true}
        %dma_wait3A_127 = tpu.memref_slice %arg6[%mul3A_83] : memref<20000xi32, #tpu.memory_space<vmem>> -> memref<200xi32, #tpu.memory_space<vmem>>
        %dma_wait3A_128 = arith.constant 0 : i32
        %dma_wait3A_129 = arith.constant 0 : i32
        %dma_wait3A_130 = tpu.memref_slice %arg9[%dma_wait3A_128, %dma_wait3A_129] : memref<10112x64xf32, #tpu.memory_space<vmem_shared>> -> memref<10112x64xf32, #tpu.memory_space<vmem_shared>>
        tpu.wait_indirect_dma semaphore(%run_scoped3A_122 : memref<!tpu.dma_semaphore, #tpu.memory_space<semaphore_mem>>) src(%arg7 : memref<200x64xf32, #tpu.memory_space<vmem>>) dst(%dma_wait3A_130 : memref<10112x64xf32, #tpu.memory_space<vmem_shared>>)
        tpu.yield
      }) : () -> ()
      %add3A_84 = arith.constant 2 : i32
      %add3A_85 = arith.addi %mul3A_70, %add3A_84 : i32
      %min3A = arith.constant 99 : i32
      %min3A_86 = arith.minsi %add3A_85, %min3A : i32
      %mul3A_87 = arith.constant 200 : i32
      %mul3A_88 = arith.muli %min3A_86, %mul3A_87 : i32
      %dma_start3A_89 = tpu.memref_slice %arg5[%mul3A_88] : memref<20000xi32, #tpu.memory_space<vmem>> -> memref<200xi32, #tpu.memory_space<vmem>>
      %dma_start3A_90 = arith.constant 0 : i32
      %dma_start3A_91 = arith.constant 0 : i32
      %dma_start3A_92 = tpu.memref_slice %arg3[%arg0, %dma_start3A_90, %dma_start3A_91] : memref<2x10000x64xf32, #tpu.memory_space<hbm>> -> memref<1x10000x64xf32, #tpu.memory_space<hbm>>
      %dma_start3A_93 = tpu.memref_squeeze %dma_start3A_92 : memref<1x10000x64xf32, #tpu.memory_space<hbm>> -> memref<10000x64xf32, #tpu.memory_space<hbm>>
      %dma_start3A_94 = arith.constant 0 : i32
      %dma_start3A_95 = arith.constant 0 : i32
      %dma_start3A_96 = tpu.memref_slice %dma_start3A_93[%dma_start3A_94, %dma_start3A_95] : memref<10000x64xf32, #tpu.memory_space<hbm>> -> memref<10000x64xf32, #tpu.memory_space<hbm>>
      tpu.enqueue_indirect_dma source(%dma_start3A_96 : memref<10000x64xf32, #tpu.memory_space<hbm>>) target(%arg7 : memref<200x64xf32, #tpu.memory_space<vmem>>) offsets(%dma_start3A_89 : memref<200xi32, #tpu.memory_space<vmem>>) semaphore(%arg10 : memref<!tpu.dma_semaphore, #tpu.memory_space<semaphore_mem>>)
      %dma_wait3A_97 = arith.constant 0 : i32
      %dma_wait3A_98 = tpu.memref_slice %arg5[%dma_wait3A_97] : memref<20000xi32, #tpu.memory_space<vmem>> -> memref<200xi32, #tpu.memory_space<vmem>>
      %dma_wait3A_99 = arith.constant 0 : i32
      %dma_wait3A_100 = arith.constant 0 : i32
      %dma_wait3A_101 = tpu.memref_slice %arg3[%arg0, %dma_wait3A_99, %dma_wait3A_100] : memref<2x10000x64xf32, #tpu.memory_space<hbm>> -> memref<1x10000x64xf32, #tpu.memory_space<hbm>>
      %dma_wait3A_102 = tpu.memref_squeeze %dma_wait3A_101 : memref<1x10000x64xf32, #tpu.memory_space<hbm>> -> memref<10000x64xf32, #tpu.memory_space<hbm>>
      %dma_wait3A_103 = arith.constant 0 : i32
      %dma_wait3A_104 = arith.constant 0 : i32
      %dma_wait3A_105 = tpu.memref_slice %dma_wait3A_102[%dma_wait3A_103, %dma_wait3A_104] : memref<10000x64xf32, #tpu.memory_space<hbm>> -> memref<10000x64xf32, #tpu.memory_space<hbm>>
      tpu.wait_indirect_dma semaphore(%arg11 : memref<!tpu.dma_semaphore, #tpu.memory_space<semaphore_mem>>) src(%dma_wait3A_105 : memref<10000x64xf32, #tpu.memory_space<hbm>>) dst(%arg8 : memref<200x64xf32, #tpu.memory_space<vmem>>)
      %mul3A_106 = arith.constant 200 : i32
      %mul3A_107 = arith.muli %add3A_72, %mul3A_106 : i32
      "tpu.region"() ({
        %run_scoped3A_122 = tpu.sem_alloc : memref<!tpu.dma_semaphore, #tpu.memory_space<semaphore_mem>>
        %dma_start3A_123 = tpu.memref_slice %arg6[%mul3A_107] : memref<20000xi32, #tpu.memory_space<vmem>> -> memref<200xi32, #tpu.memory_space<vmem>>
        %dma_start3A_124 = arith.constant 0 : i32
        %dma_start3A_125 = arith.constant 0 : i32
        %dma_start3A_126 = tpu.memref_slice %arg9[%dma_start3A_124, %dma_start3A_125] : memref<10112x64xf32, #tpu.memory_space<vmem_shared>> -> memref<10112x64xf32, #tpu.memory_space<vmem_shared>>
        tpu.enqueue_indirect_dma source(%arg8 : memref<200x64xf32, #tpu.memory_space<vmem>>) target(%dma_start3A_126 : memref<10112x64xf32, #tpu.memory_space<vmem_shared>>) offsets(%dma_start3A_123 : memref<200xi32, #tpu.memory_space<vmem>>) semaphore(%run_scoped3A_122 : memref<!tpu.dma_semaphore, #tpu.memory_space<semaphore_mem>>) {add = true}
        %dma_wait3A_127 = tpu.memref_slice %arg6[%mul3A_107] : memref<20000xi32, #tpu.memory_space<vmem>> -> memref<200xi32, #tpu.memory_space<vmem>>
        %dma_wait3A_128 = arith.constant 0 : i32
        %dma_wait3A_129 = arith.constant 0 : i32
        %dma_wait3A_130 = tpu.memref_slice %arg9[%dma_wait3A_128, %dma_wait3A_129] : memref<10112x64xf32, #tpu.memory_space<vmem_shared>> -> memref<10112x64xf32, #tpu.memory_space<vmem_shared>>
        tpu.wait_indirect_dma semaphore(%run_scoped3A_122 : memref<!tpu.dma_semaphore, #tpu.memory_space<semaphore_mem>>) src(%arg8 : memref<200x64xf32, #tpu.memory_space<vmem>>) dst(%dma_wait3A_130 : memref<10112x64xf32, #tpu.memory_space<vmem_shared>>)
        tpu.yield
      }) : () -> ()
      %add3A_108 = arith.constant 2 : i32
      %add3A_109 = arith.addi %add3A_72, %add3A_108 : i32
      %min3A_110 = arith.constant 99 : i32
      %min3A_111 = arith.minsi %add3A_109, %min3A_110 : i32
      %mul3A_112 = arith.constant 200 : i32
      %mul3A_113 = arith.muli %min3A_111, %mul3A_112 : i32
      %dma_start3A_114 = tpu.memref_slice %arg5[%mul3A_113] : memref<20000xi32, #tpu.memory_space<vmem>> -> memref<200xi32, #tpu.memory_space<vmem>>
      %dma_start3A_115 = arith.constant 0 : i32
      %dma_start3A_116 = arith.constant 0 : i32
      %dma_start3A_117 = tpu.memref_slice %arg3[%arg0, %dma_start3A_115, %dma_start3A_116] : memref<2x10000x64xf32, #tpu.memory_space<hbm>> -> memref<1x10000x64xf32, #tpu.memory_space<hbm>>
      %dma_start3A_118 = tpu.memref_squeeze %dma_start3A_117 : memref<1x10000x64xf32, #tpu.memory_space<hbm>> -> memref<10000x64xf32, #tpu.memory_space<hbm>>
      %dma_start3A_119 = arith.constant 0 : i32
      %dma_start3A_120 = arith.constant 0 : i32
      %dma_start3A_121 = tpu.memref_slice %dma_start3A_118[%dma_start3A_119, %dma_start3A_120] : memref<10000x64xf32, #tpu.memory_space<hbm>> -> memref<10000x64xf32, #tpu.memory_space<hbm>>
      tpu.enqueue_indirect_dma source(%dma_start3A_121 : memref<10000x64xf32, #tpu.memory_space<hbm>>) target(%arg8 : memref<200x64xf32, #tpu.memory_space<vmem>>) offsets(%dma_start3A_114 : memref<200xi32, #tpu.memory_space<vmem>>) semaphore(%arg11 : memref<!tpu.dma_semaphore, #tpu.memory_space<semaphore_mem>>)
    }
    %scan3A_44 = arith.constant 50 : i32
    %dma_wait3A = arith.constant 0 : i32
    %dma_wait3A_45 = tpu.memref_slice %arg5[%dma_wait3A] : memref<20000xi32, #tpu.memory_space<vmem>> -> memref<200xi32, #tpu.memory_space<vmem>>
    %dma_wait3A_46 = arith.constant 0 : i32
    %dma_wait3A_47 = arith.constant 0 : i32
    %dma_wait3A_48 = tpu.memref_slice %arg3[%arg0, %dma_wait3A_46, %dma_wait3A_47] : memref<2x10000x64xf32, #tpu.memory_space<hbm>> -> memref<1x10000x64xf32, #tpu.memory_space<hbm>>
    %dma_wait3A_49 = tpu.memref_squeeze %dma_wait3A_48 : memref<1x10000x64xf32, #tpu.memory_space<hbm>> -> memref<10000x64xf32, #tpu.memory_space<hbm>>
    %dma_wait3A_50 = arith.constant 0 : i32
    %dma_wait3A_51 = arith.constant 0 : i32
    %dma_wait3A_52 = tpu.memref_slice %dma_wait3A_49[%dma_wait3A_50, %dma_wait3A_51] : memref<10000x64xf32, #tpu.memory_space<hbm>> -> memref<10000x64xf32, #tpu.memory_space<hbm>>
    tpu.wait_indirect_dma semaphore(%arg10 : memref<!tpu.dma_semaphore, #tpu.memory_space<semaphore_mem>>) src(%dma_wait3A_52 : memref<10000x64xf32, #tpu.memory_space<hbm>>) dst(%arg7 : memref<200x64xf32, #tpu.memory_space<vmem>>)
    %dma_wait3A_53 = arith.constant 0 : i32
    %dma_wait3A_54 = tpu.memref_slice %arg5[%dma_wait3A_53] : memref<20000xi32, #tpu.memory_space<vmem>> -> memref<200xi32, #tpu.memory_space<vmem>>
    %dma_wait3A_55 = arith.constant 0 : i32
    %dma_wait3A_56 = arith.constant 0 : i32
    %dma_wait3A_57 = tpu.memref_slice %arg3[%arg0, %dma_wait3A_55, %dma_wait3A_56] : memref<2x10000x64xf32, #tpu.memory_space<hbm>> -> memref<1x10000x64xf32, #tpu.memory_space<hbm>>
    %dma_wait3A_58 = tpu.memref_squeeze %dma_wait3A_57 : memref<1x10000x64xf32, #tpu.memory_space<hbm>> -> memref<10000x64xf32, #tpu.memory_space<hbm>>
    %dma_wait3A_59 = arith.constant 0 : i32
    %dma_wait3A_60 = arith.constant 0 : i32
    %dma_wait3A_61 = tpu.memref_slice %dma_wait3A_58[%dma_wait3A_59, %dma_wait3A_60] : memref<10000x64xf32, #tpu.memory_space<hbm>> -> memref<10000x64xf32, #tpu.memory_space<hbm>>
    tpu.wait_indirect_dma semaphore(%arg11 : memref<!tpu.dma_semaphore, #tpu.memory_space<semaphore_mem>>) src(%dma_wait3A_61 : memref<10000x64xf32, #tpu.memory_space<hbm>>) dst(%arg8 : memref<200x64xf32, #tpu.memory_space<vmem>>)
    %barrier3A_62 = arith.constant 0 : index
    tpu.barrier barrier_id(%barrier3A_62)
    %mul3A_63 = arith.constant 632 : i32
    %mul3A_64 = arith.muli %arg1, %mul3A_63 : i32
    %mul3A_65 = arith.constant 632 : i32
    %mul3A_66 = arith.muli %arg1, %mul3A_65 : i32
    %run_scoped3A_67 = arith.constant 0 : i32
    "tpu.region"() ({
      %run_scoped3A_68 = tpu.sem_alloc : memref<!tpu.dma_semaphore, #tpu.memory_space<semaphore_mem>>
      %dma_start3A_69 = arith.constant 0 : i32
      %dma_start3A_70 = tpu.memref_slice %arg4[%run_scoped3A_67, %arg0, %mul3A_66, %dma_start3A_69] : memref<1x2x10112x64xf32, #tpu.memory_space<hbm>> -> memref<1x1x632x64xf32, #tpu.memory_space<hbm>>
      %dma_start3A_71 = tpu.memref_squeeze %dma_start3A_70 : memref<1x1x632x64xf32, #tpu.memory_space<hbm>> -> memref<632x64xf32, #tpu.memory_space<hbm>>
      %dma_start3A_72 = arith.constant 0 : i32
      %dma_start3A_73 = tpu.memref_slice %arg9[%mul3A_64, %dma_start3A_72] : memref<10112x64xf32, #tpu.memory_space<vmem_shared>> -> memref<632x64xf32, #tpu.memory_space<vmem_shared>>
      tpu.enqueue_dma source(%dma_start3A_73 : memref<632x64xf32, #tpu.memory_space<vmem_shared>>) target(%dma_start3A_71 : memref<632x64xf32, #tpu.memory_space<hbm>>) target_semaphore(%run_scoped3A_68 : memref<!tpu.dma_semaphore, #tpu.memory_space<semaphore_mem>>)
      %dma_wait3A_74 = arith.constant 0 : i32
      %dma_wait3A_75 = tpu.memref_slice %arg4[%run_scoped3A_67, %arg0, %mul3A_66, %dma_wait3A_74] : memref<1x2x10112x64xf32, #tpu.memory_space<hbm>> -> memref<1x1x632x64xf32, #tpu.memory_space<hbm>>
      %dma_wait3A_76 = tpu.memref_squeeze %dma_wait3A_75 : memref<1x1x632x64xf32, #tpu.memory_space<hbm>> -> memref<632x64xf32, #tpu.memory_space<hbm>>
      %dma_wait3A_77 = arith.constant 0 : i32
      %dma_wait3A_78 = tpu.memref_slice %arg9[%mul3A_64, %dma_wait3A_77] : memref<10112x64xf32, #tpu.memory_space<vmem_shared>> -> memref<632x64xf32, #tpu.memory_space<vmem_shared>>
      tpu.wait_dma2 semaphore(%run_scoped3A_68 : memref<!tpu.dma_semaphore, #tpu.memory_space<semaphore_mem>>) src(%dma_wait3A_78 : memref<632x64xf32, #tpu.memory_space<vmem_shared>>) dst(%dma_wait3A_76 : memref<632x64xf32, #tpu.memory_space<hbm>>)
      tpu.yield
    }) : () -> ()
    return
  }
}

#map = affine_map<(d0, d1) -> (0, 0, 0)>
#map1 = affine_map<(d0, d1) -> (0, 0, 0, 0)>
module attributes {stable_mosaic.version = 14 : i64} {
  func.func @_sc_agg(%arg0: i32, %arg1: i32, %arg2: memref<2x2x320000xi32, #tpu.memory_space<hbm>>, %arg3: memref<2x2x10000x64xf32, #tpu.memory_space<hbm>>, %arg4: memref<2x2x10112x64xf32, #tpu.memory_space<hbm>>, %arg5: memref<20000xi32, #tpu.memory_space<vmem>>, %arg6: memref<20000xi32, #tpu.memory_space<vmem>>, %arg7: memref<200x64xf32, #tpu.memory_space<vmem>>, %arg8: memref<200x64xf32, #tpu.memory_space<vmem>>, %arg9: memref<10112x64xf32, #tpu.memory_space<vmem_shared>>, %arg10: memref<!tpu.dma_semaphore, #tpu.memory_space<semaphore_mem>>, %arg11: memref<!tpu.dma_semaphore, #tpu.memory_space<semaphore_mem>>) attributes {dimension_semantics = [#tpu.dimension_semantics<core_parallel>, #tpu.dimension_semantics<subcore_parallel>], iteration_bounds = array<i64: 2, 16>, scalar_prefetch = 0 : i64, scratch_operands = 7 : i64, tpu.core_type = #tpu.core_type<sc_vector_subcore>, window_params = [{transform_indices = #map}, {transform_indices = #map1}, {transform_indices = #map1}]} {
    %mul3A = arith.constant 20000 : i32
    %mul3A_0 = arith.muli %arg1, %mul3A : i32
    %mul3A_1 = arith.constant 20000 : i32
    %mul3A_2 = arith.muli %arg1, %mul3A_1 : i32
    %run_scoped3A = arith.constant 0 : i32
    %run_scoped3A_3 = arith.constant 0 : i32
    "tpu.region"() ({
      %run_scoped3A_158 = tpu.sem_alloc : memref<!tpu.dma_semaphore, #tpu.memory_space<semaphore_mem>>
      %dma_start3A_159 = tpu.memref_slice %arg2[%run_scoped3A, %run_scoped3A_3, %mul3A_0] : memref<2x2x320000xi32, #tpu.memory_space<hbm>> -> memref<1x1x20000xi32, #tpu.memory_space<hbm>>
      %dma_start3A_160 = tpu.memref_squeeze %dma_start3A_159 : memref<1x1x20000xi32, #tpu.memory_space<hbm>> -> memref<20000xi32, #tpu.memory_space<hbm>>
      %dma_start3A_161 = tpu.memref_slice %arg2[%run_scoped3A, %run_scoped3A_3, %mul3A_0] : memref<2x2x320000xi32, #tpu.memory_space<hbm>> -> memref<1x1x20000xi32, #tpu.memory_space<hbm>>
      %dma_start3A_162 = tpu.memref_squeeze %dma_start3A_161 : memref<1x1x20000xi32, #tpu.memory_space<hbm>> -> memref<20000xi32, #tpu.memory_space<hbm>>
      tpu.enqueue_dma source(%dma_start3A_162 : memref<20000xi32, #tpu.memory_space<hbm>>) target(%arg5 : memref<20000xi32, #tpu.memory_space<vmem>>) target_semaphore(%run_scoped3A_158 : memref<!tpu.dma_semaphore, #tpu.memory_space<semaphore_mem>>)
      %dma_wait3A_163 = tpu.memref_slice %arg2[%run_scoped3A, %run_scoped3A_3, %mul3A_0] : memref<2x2x320000xi32, #tpu.memory_space<hbm>> -> memref<1x1x20000xi32, #tpu.memory_space<hbm>>
      %dma_wait3A_164 = tpu.memref_squeeze %dma_wait3A_163 : memref<1x1x20000xi32, #tpu.memory_space<hbm>> -> memref<20000xi32, #tpu.memory_space<hbm>>
      %dma_wait3A_165 = tpu.memref_slice %arg2[%run_scoped3A, %run_scoped3A_3, %mul3A_0] : memref<2x2x320000xi32, #tpu.memory_space<hbm>> -> memref<1x1x20000xi32, #tpu.memory_space<hbm>>
      %dma_wait3A_166 = tpu.memref_squeeze %dma_wait3A_165 : memref<1x1x20000xi32, #tpu.memory_space<hbm>> -> memref<20000xi32, #tpu.memory_space<hbm>>
      tpu.wait_dma2 semaphore(%run_scoped3A_158 : memref<!tpu.dma_semaphore, #tpu.memory_space<semaphore_mem>>) src(%dma_wait3A_166 : memref<20000xi32, #tpu.memory_space<hbm>>) dst(%arg5 : memref<20000xi32, #tpu.memory_space<vmem>>)
      tpu.yield
    }) : () -> ()
    %run_scoped3A_4 = arith.constant 0 : i32
    %run_scoped3A_5 = arith.constant 1 : i32
    "tpu.region"() ({
      %run_scoped3A_158 = tpu.sem_alloc : memref<!tpu.dma_semaphore, #tpu.memory_space<semaphore_mem>>
      %dma_start3A_159 = tpu.memref_slice %arg2[%run_scoped3A_4, %run_scoped3A_5, %mul3A_2] : memref<2x2x320000xi32, #tpu.memory_space<hbm>> -> memref<1x1x20000xi32, #tpu.memory_space<hbm>>
      %dma_start3A_160 = tpu.memref_squeeze %dma_start3A_159 : memref<1x1x20000xi32, #tpu.memory_space<hbm>> -> memref<20000xi32, #tpu.memory_space<hbm>>
      %dma_start3A_161 = tpu.memref_slice %arg2[%run_scoped3A_4, %run_scoped3A_5, %mul3A_2] : memref<2x2x320000xi32, #tpu.memory_space<hbm>> -> memref<1x1x20000xi32, #tpu.memory_space<hbm>>
      %dma_start3A_162 = tpu.memref_squeeze %dma_start3A_161 : memref<1x1x20000xi32, #tpu.memory_space<hbm>> -> memref<20000xi32, #tpu.memory_space<hbm>>
      tpu.enqueue_dma source(%dma_start3A_162 : memref<20000xi32, #tpu.memory_space<hbm>>) target(%arg6 : memref<20000xi32, #tpu.memory_space<vmem>>) target_semaphore(%run_scoped3A_158 : memref<!tpu.dma_semaphore, #tpu.memory_space<semaphore_mem>>)
      %dma_wait3A_163 = tpu.memref_slice %arg2[%run_scoped3A_4, %run_scoped3A_5, %mul3A_2] : memref<2x2x320000xi32, #tpu.memory_space<hbm>> -> memref<1x1x20000xi32, #tpu.memory_space<hbm>>
      %dma_wait3A_164 = tpu.memref_squeeze %dma_wait3A_163 : memref<1x1x20000xi32, #tpu.memory_space<hbm>> -> memref<20000xi32, #tpu.memory_space<hbm>>
      %dma_wait3A_165 = tpu.memref_slice %arg2[%run_scoped3A_4, %run_scoped3A_5, %mul3A_2] : memref<2x2x320000xi32, #tpu.memory_space<hbm>> -> memref<1x1x20000xi32, #tpu.memory_space<hbm>>
      %dma_wait3A_166 = tpu.memref_squeeze %dma_wait3A_165 : memref<1x1x20000xi32, #tpu.memory_space<hbm>> -> memref<20000xi32, #tpu.memory_space<hbm>>
      tpu.wait_dma2 semaphore(%run_scoped3A_158 : memref<!tpu.dma_semaphore, #tpu.memory_space<semaphore_mem>>) src(%dma_wait3A_166 : memref<20000xi32, #tpu.memory_space<hbm>>) dst(%arg6 : memref<20000xi32, #tpu.memory_space<vmem>>)
      tpu.yield
    }) : () -> ()
    %scan3A = arith.constant 0 : i32
    %scan3A_6 = arith.constant 200 : i32
    %scan3A_7 = arith.addi %scan3A, %scan3A_6 : i32
    %scan3A_8 = arith.constant 1 : i32
    scf.for %scan3A_158 = %scan3A to %scan3A_7 step %scan3A_8  : i32 {
      %broadcast_in_dim3A = arith.constant 0.000000e+00 : f32
      %broadcast_in_dim3A_159 = vector.broadcast %broadcast_in_dim3A : f32 to vector<16xf32>
      %swap3A = arith.index_cast %scan3A_158 : i32 to index
      %swap3A_160 = arith.constant 0 : index
      %swap3A_161 = tpu.vector_load %arg7[%swap3A, %swap3A_160] {strides = array<i32>} : memref<200x64xf32, #tpu.memory_space<vmem>>, vector<16xf32>,
      tpu.vector_store %arg7[%swap3A, %swap3A_160], %broadcast_in_dim3A_159 {strides = array<i32>} : memref<200x64xf32, #tpu.memory_space<vmem>>, vector<16xf32>,
      %broadcast_in_dim3A_162 = arith.constant 0.000000e+00 : f32
      %broadcast_in_dim3A_163 = vector.broadcast %broadcast_in_dim3A_162 : f32 to vector<16xf32>
      %swap3A_164 = arith.index_cast %scan3A_158 : i32 to index
      %swap3A_165 = arith.constant 16 : index
      %swap3A_166 = tpu.vector_load %arg7[%swap3A_164, %swap3A_165] {strides = array<i32>} : memref<200x64xf32, #tpu.memory_space<vmem>>, vector<16xf32>,
      tpu.vector_store %arg7[%swap3A_164, %swap3A_165], %broadcast_in_dim3A_163 {strides = array<i32>} : memref<200x64xf32, #tpu.memory_space<vmem>>, vector<16xf32>,
      %broadcast_in_dim3A_167 = arith.constant 0.000000e+00 : f32
      %broadcast_in_dim3A_168 = vector.broadcast %broadcast_in_dim3A_167 : f32 to vector<16xf32>
      %swap3A_169 = arith.index_cast %scan3A_158 : i32 to index
      %swap3A_170 = arith.constant 32 : index
      %swap3A_171 = tpu.vector_load %arg7[%swap3A_169, %swap3A_170] {strides = array<i32>} : memref<200x64xf32, #tpu.memory_space<vmem>>, vector<16xf32>,
      tpu.vector_store %arg7[%swap3A_169, %swap3A_170], %broadcast_in_dim3A_168 {strides = array<i32>} : memref<200x64xf32, #tpu.memory_space<vmem>>, vector<16xf32>,
      %broadcast_in_dim3A_172 = arith.constant 0.000000e+00 : f32
      %broadcast_in_dim3A_173 = vector.broadcast %broadcast_in_dim3A_172 : f32 to vector<16xf32>
      %swap3A_174 = arith.index_cast %scan3A_158 : i32 to index
      %swap3A_175 = arith.constant 48 : index
      %swap3A_176 = tpu.vector_load %arg7[%swap3A_174, %swap3A_175] {strides = array<i32>} : memref<200x64xf32, #tpu.memory_space<vmem>>, vector<16xf32>,
      tpu.vector_store %arg7[%swap3A_174, %swap3A_175], %broadcast_in_dim3A_173 {strides = array<i32>} : memref<200x64xf32, #tpu.memory_space<vmem>>, vector<16xf32>,
    }
    %scan3A_9 = arith.constant 200 : i32
    %mul3A_10 = arith.constant 632 : i32
    %mul3A_11 = arith.muli %arg1, %mul3A_10 : i32
    %add3A = arith.constant 0 : i32
    %add3A_12 = arith.addi %mul3A_11, %add3A : i32
    "tpu.region"() ({
      %run_scoped3A_158 = tpu.sem_alloc : memref<!tpu.dma_semaphore, #tpu.memory_space<semaphore_mem>>
      %dma_start3A_159 = arith.constant 0 : i32
      %dma_start3A_160 = tpu.memref_slice %arg9[%add3A_12, %dma_start3A_159] : memref<10112x64xf32, #tpu.memory_space<vmem_shared>> -> memref<200x64xf32, #tpu.memory_space<vmem_shared>>
      %dma_start3A_161 = arith.constant 0 : i32
      %dma_start3A_162 = tpu.memref_slice %arg9[%add3A_12, %dma_start3A_161] : memref<10112x64xf32, #tpu.memory_space<vmem_shared>> -> memref<200x64xf32, #tpu.memory_space<vmem_shared>>
      tpu.enqueue_dma source(%arg7 : memref<200x64xf32, #tpu.memory_space<vmem>>) target(%dma_start3A_162 : memref<200x64xf32, #tpu.memory_space<vmem_shared>>) target_semaphore(%run_scoped3A_158 : memref<!tpu.dma_semaphore, #tpu.memory_space<semaphore_mem>>)
      %dma_wait3A_163 = arith.constant 0 : i32
      %dma_wait3A_164 = tpu.memref_slice %arg9[%add3A_12, %dma_wait3A_163] : memref<10112x64xf32, #tpu.memory_space<vmem_shared>> -> memref<200x64xf32, #tpu.memory_space<vmem_shared>>
      %dma_wait3A_165 = arith.constant 0 : i32
      %dma_wait3A_166 = tpu.memref_slice %arg9[%add3A_12, %dma_wait3A_165] : memref<10112x64xf32, #tpu.memory_space<vmem_shared>> -> memref<200x64xf32, #tpu.memory_space<vmem_shared>>
      tpu.wait_dma2 semaphore(%run_scoped3A_158 : memref<!tpu.dma_semaphore, #tpu.memory_space<semaphore_mem>>) src(%arg7 : memref<200x64xf32, #tpu.memory_space<vmem>>) dst(%dma_wait3A_166 : memref<200x64xf32, #tpu.memory_space<vmem_shared>>)
      tpu.yield
    }) : () -> ()
    %mul3A_13 = arith.constant 632 : i32
    %mul3A_14 = arith.muli %arg1, %mul3A_13 : i32
    %add3A_15 = arith.constant 200 : i32
    %add3A_16 = arith.addi %mul3A_14, %add3A_15 : i32
    "tpu.region"() ({
      %run_scoped3A_158 = tpu.sem_alloc : memref<!tpu.dma_semaphore, #tpu.memory_space<semaphore_mem>>
      %dma_start3A_159 = arith.constant 0 : i32
      %dma_start3A_160 = tpu.memref_slice %arg9[%add3A_16, %dma_start3A_159] : memref<10112x64xf32, #tpu.memory_space<vmem_shared>> -> memref<200x64xf32, #tpu.memory_space<vmem_shared>>
      %dma_start3A_161 = arith.constant 0 : i32
      %dma_start3A_162 = tpu.memref_slice %arg9[%add3A_16, %dma_start3A_161] : memref<10112x64xf32, #tpu.memory_space<vmem_shared>> -> memref<200x64xf32, #tpu.memory_space<vmem_shared>>
      tpu.enqueue_dma source(%arg7 : memref<200x64xf32, #tpu.memory_space<vmem>>) target(%dma_start3A_162 : memref<200x64xf32, #tpu.memory_space<vmem_shared>>) target_semaphore(%run_scoped3A_158 : memref<!tpu.dma_semaphore, #tpu.memory_space<semaphore_mem>>)
      %dma_wait3A_163 = arith.constant 0 : i32
      %dma_wait3A_164 = tpu.memref_slice %arg9[%add3A_16, %dma_wait3A_163] : memref<10112x64xf32, #tpu.memory_space<vmem_shared>> -> memref<200x64xf32, #tpu.memory_space<vmem_shared>>
      %dma_wait3A_165 = arith.constant 0 : i32
      %dma_wait3A_166 = tpu.memref_slice %arg9[%add3A_16, %dma_wait3A_165] : memref<10112x64xf32, #tpu.memory_space<vmem_shared>> -> memref<200x64xf32, #tpu.memory_space<vmem_shared>>
      tpu.wait_dma2 semaphore(%run_scoped3A_158 : memref<!tpu.dma_semaphore, #tpu.memory_space<semaphore_mem>>) src(%arg7 : memref<200x64xf32, #tpu.memory_space<vmem>>) dst(%dma_wait3A_166 : memref<200x64xf32, #tpu.memory_space<vmem_shared>>)
      tpu.yield
    }) : () -> ()
    %mul3A_17 = arith.constant 632 : i32
    %mul3A_18 = arith.muli %arg1, %mul3A_17 : i32
    %add3A_19 = arith.constant 400 : i32
    %add3A_20 = arith.addi %mul3A_18, %add3A_19 : i32
    "tpu.region"() ({
      %run_scoped3A_158 = tpu.sem_alloc : memref<!tpu.dma_semaphore, #tpu.memory_space<semaphore_mem>>
      %dma_start3A_159 = arith.constant 0 : i32
      %dma_start3A_160 = tpu.memref_slice %arg9[%add3A_20, %dma_start3A_159] : memref<10112x64xf32, #tpu.memory_space<vmem_shared>> -> memref<200x64xf32, #tpu.memory_space<vmem_shared>>
      %dma_start3A_161 = arith.constant 0 : i32
      %dma_start3A_162 = tpu.memref_slice %arg9[%add3A_20, %dma_start3A_161] : memref<10112x64xf32, #tpu.memory_space<vmem_shared>> -> memref<200x64xf32, #tpu.memory_space<vmem_shared>>
      tpu.enqueue_dma source(%arg7 : memref<200x64xf32, #tpu.memory_space<vmem>>) target(%dma_start3A_162 : memref<200x64xf32, #tpu.memory_space<vmem_shared>>) target_semaphore(%run_scoped3A_158 : memref<!tpu.dma_semaphore, #tpu.memory_space<semaphore_mem>>)
      %dma_wait3A_163 = arith.constant 0 : i32
      %dma_wait3A_164 = tpu.memref_slice %arg9[%add3A_20, %dma_wait3A_163] : memref<10112x64xf32, #tpu.memory_space<vmem_shared>> -> memref<200x64xf32, #tpu.memory_space<vmem_shared>>
      %dma_wait3A_165 = arith.constant 0 : i32
      %dma_wait3A_166 = tpu.memref_slice %arg9[%add3A_20, %dma_wait3A_165] : memref<10112x64xf32, #tpu.memory_space<vmem_shared>> -> memref<200x64xf32, #tpu.memory_space<vmem_shared>>
      tpu.wait_dma2 semaphore(%run_scoped3A_158 : memref<!tpu.dma_semaphore, #tpu.memory_space<semaphore_mem>>) src(%arg7 : memref<200x64xf32, #tpu.memory_space<vmem>>) dst(%dma_wait3A_166 : memref<200x64xf32, #tpu.memory_space<vmem_shared>>)
      tpu.yield
    }) : () -> ()
    %mul3A_21 = arith.constant 632 : i32
    %mul3A_22 = arith.muli %arg1, %mul3A_21 : i32
    %add3A_23 = arith.constant 600 : i32
    %add3A_24 = arith.addi %mul3A_22, %add3A_23 : i32
    "tpu.region"() ({
      %run_scoped3A_158 = tpu.sem_alloc : memref<!tpu.dma_semaphore, #tpu.memory_space<semaphore_mem>>
      %dma_start3A_159 = arith.constant 0 : i32
      %dma_start3A_160 = arith.constant 0 : i32
      %dma_start3A_161 = tpu.memref_slice %arg7[%dma_start3A_159, %dma_start3A_160] : memref<200x64xf32, #tpu.memory_space<vmem>> -> memref<32x64xf32, #tpu.memory_space<vmem>>
      %dma_start3A_162 = arith.constant 0 : i32
      %dma_start3A_163 = tpu.memref_slice %arg9[%add3A_24, %dma_start3A_162] : memref<10112x64xf32, #tpu.memory_space<vmem_shared>> -> memref<32x64xf32, #tpu.memory_space<vmem_shared>>
      %dma_start3A_164 = arith.constant 0 : i32
      %dma_start3A_165 = tpu.memref_slice %arg9[%add3A_24, %dma_start3A_164] : memref<10112x64xf32, #tpu.memory_space<vmem_shared>> -> memref<32x64xf32, #tpu.memory_space<vmem_shared>>
      %dma_start3A_166 = arith.constant 0 : i32
      %dma_start3A_167 = arith.constant 0 : i32
      %dma_start3A_168 = tpu.memref_slice %arg7[%dma_start3A_166, %dma_start3A_167] : memref<200x64xf32, #tpu.memory_space<vmem>> -> memref<32x64xf32, #tpu.memory_space<vmem>>
      tpu.enqueue_dma source(%dma_start3A_168 : memref<32x64xf32, #tpu.memory_space<vmem>>) target(%dma_start3A_165 : memref<32x64xf32, #tpu.memory_space<vmem_shared>>) target_semaphore(%run_scoped3A_158 : memref<!tpu.dma_semaphore, #tpu.memory_space<semaphore_mem>>)
      %dma_wait3A_169 = arith.constant 0 : i32
      %dma_wait3A_170 = arith.constant 0 : i32
      %dma_wait3A_171 = tpu.memref_slice %arg7[%dma_wait3A_169, %dma_wait3A_170] : memref<200x64xf32, #tpu.memory_space<vmem>> -> memref<32x64xf32, #tpu.memory_space<vmem>>
      %dma_wait3A_172 = arith.constant 0 : i32
      %dma_wait3A_173 = tpu.memref_slice %arg9[%add3A_24, %dma_wait3A_172] : memref<10112x64xf32, #tpu.memory_space<vmem_shared>> -> memref<32x64xf32, #tpu.memory_space<vmem_shared>>
      %dma_wait3A_174 = arith.constant 0 : i32
      %dma_wait3A_175 = tpu.memref_slice %arg9[%add3A_24, %dma_wait3A_174] : memref<10112x64xf32, #tpu.memory_space<vmem_shared>> -> memref<32x64xf32, #tpu.memory_space<vmem_shared>>
      %dma_wait3A_176 = arith.constant 0 : i32
      %dma_wait3A_177 = arith.constant 0 : i32
      %dma_wait3A_178 = tpu.memref_slice %arg7[%dma_wait3A_176, %dma_wait3A_177] : memref<200x64xf32, #tpu.memory_space<vmem>> -> memref<32x64xf32, #tpu.memory_space<vmem>>
      tpu.wait_dma2 semaphore(%run_scoped3A_158 : memref<!tpu.dma_semaphore, #tpu.memory_space<semaphore_mem>>) src(%dma_wait3A_178 : memref<32x64xf32, #tpu.memory_space<vmem>>) dst(%dma_wait3A_175 : memref<32x64xf32, #tpu.memory_space<vmem_shared>>)
      tpu.yield
    }) : () -> ()
    %barrier3A = arith.constant 0 : index
    tpu.barrier barrier_id(%barrier3A)
    %dma_start3A = arith.constant 0 : i32
    %dma_start3A_25 = arith.constant 0 : i32
    %dma_start3A_26 = tpu.memref_slice %arg5[%dma_start3A_25] : memref<20000xi32, #tpu.memory_space<vmem>> -> memref<200xi32, #tpu.memory_space<vmem>>
    %dma_start3A_27 = arith.constant 0 : i32
    %dma_start3A_28 = arith.constant 0 : i32
    %dma_start3A_29 = tpu.memref_slice %arg3[%dma_start3A, %arg0, %dma_start3A_27, %dma_start3A_28] : memref<2x2x10000x64xf32, #tpu.memory_space<hbm>> -> memref<1x1x10000x64xf32, #tpu.memory_space<hbm>>
    %dma_start3A_30 = tpu.memref_squeeze %dma_start3A_29 : memref<1x1x10000x64xf32, #tpu.memory_space<hbm>> -> memref<10000x64xf32, #tpu.memory_space<hbm>>
    %dma_start3A_31 = arith.constant 0 : i32
    %dma_start3A_32 = arith.constant 0 : i32
    %dma_start3A_33 = tpu.memref_slice %dma_start3A_30[%dma_start3A_31, %dma_start3A_32] : memref<10000x64xf32, #tpu.memory_space<hbm>> -> memref<10000x64xf32, #tpu.memory_space<hbm>>
    tpu.enqueue_indirect_dma source(%dma_start3A_33 : memref<10000x64xf32, #tpu.memory_space<hbm>>) target(%arg7 : memref<200x64xf32, #tpu.memory_space<vmem>>) offsets(%dma_start3A_26 : memref<200xi32, #tpu.memory_space<vmem>>) semaphore(%arg10 : memref<!tpu.dma_semaphore, #tpu.memory_space<semaphore_mem>>)
    %dma_start3A_34 = arith.constant 0 : i32
    %dma_start3A_35 = arith.constant 200 : i32
    %dma_start3A_36 = tpu.memref_slice %arg5[%dma_start3A_35] : memref<20000xi32, #tpu.memory_space<vmem>> -> memref<200xi32, #tpu.memory_space<vmem>>
    %dma_start3A_37 = arith.constant 0 : i32
    %dma_start3A_38 = arith.constant 0 : i32
    %dma_start3A_39 = tpu.memref_slice %arg3[%dma_start3A_34, %arg0, %dma_start3A_37, %dma_start3A_38] : memref<2x2x10000x64xf32, #tpu.memory_space<hbm>> -> memref<1x1x10000x64xf32, #tpu.memory_space<hbm>>
    %dma_start3A_40 = tpu.memref_squeeze %dma_start3A_39 : memref<1x1x10000x64xf32, #tpu.memory_space<hbm>> -> memref<10000x64xf32, #tpu.memory_space<hbm>>
    %dma_start3A_41 = arith.constant 0 : i32
    %dma_start3A_42 = arith.constant 0 : i32
    %dma_start3A_43 = tpu.memref_slice %dma_start3A_40[%dma_start3A_41, %dma_start3A_42] : memref<10000x64xf32, #tpu.memory_space<hbm>> -> memref<10000x64xf32, #tpu.memory_space<hbm>>
    tpu.enqueue_indirect_dma source(%dma_start3A_43 : memref<10000x64xf32, #tpu.memory_space<hbm>>) target(%arg8 : memref<200x64xf32, #tpu.memory_space<vmem>>) offsets(%dma_start3A_36 : memref<200xi32, #tpu.memory_space<vmem>>) semaphore(%arg11 : memref<!tpu.dma_semaphore, #tpu.memory_space<semaphore_mem>>)
    %scan3A_44 = arith.constant 0 : i32
    %scan3A_45 = arith.constant 0 : i32
    %scan3A_46 = arith.constant 50 : i32
    %scan3A_47 = arith.addi %scan3A_45, %scan3A_46 : i32
    %scan3A_48 = arith.constant 1 : i32
    scf.for %scan3A_158 = %scan3A_45 to %scan3A_47 step %scan3A_48  : i32 {
      %mul3A_159 = arith.constant 2 : i32
      %mul3A_160 = arith.muli %mul3A_159, %scan3A_158 : i32
      %add3A_161 = arith.constant 1 : i32
      %add3A_162 = arith.addi %mul3A_160, %add3A_161 : i32
      %dma_wait3A_163 = arith.constant 0 : i32
      %dma_wait3A_164 = tpu.memref_slice %arg5[%dma_wait3A_163] : memref<20000xi32, #tpu.memory_space<vmem>> -> memref<200xi32, #tpu.memory_space<vmem>>
      %dma_wait3A_165 = arith.constant 0 : i32
      %dma_wait3A_166 = arith.constant 0 : i32
      %dma_wait3A_167 = tpu.memref_slice %arg3[%scan3A_44, %arg0, %dma_wait3A_165, %dma_wait3A_166] : memref<2x2x10000x64xf32, #tpu.memory_space<hbm>> -> memref<1x1x10000x64xf32, #tpu.memory_space<hbm>>
      %dma_wait3A_168 = tpu.memref_squeeze %dma_wait3A_167 : memref<1x1x10000x64xf32, #tpu.memory_space<hbm>> -> memref<10000x64xf32, #tpu.memory_space<hbm>>
      %dma_wait3A_169 = arith.constant 0 : i32
      %dma_wait3A_170 = arith.constant 0 : i32
      %dma_wait3A_171 = tpu.memref_slice %dma_wait3A_168[%dma_wait3A_169, %dma_wait3A_170] : memref<10000x64xf32, #tpu.memory_space<hbm>> -> memref<10000x64xf32, #tpu.memory_space<hbm>>
      tpu.wait_indirect_dma semaphore(%arg10 : memref<!tpu.dma_semaphore, #tpu.memory_space<semaphore_mem>>) src(%dma_wait3A_171 : memref<10000x64xf32, #tpu.memory_space<hbm>>) dst(%arg7 : memref<200x64xf32, #tpu.memory_space<vmem>>)
      %mul3A_172 = arith.constant 200 : i32
      %mul3A_173 = arith.muli %mul3A_160, %mul3A_172 : i32
      "tpu.region"() ({
        %run_scoped3A_212 = tpu.sem_alloc : memref<!tpu.dma_semaphore, #tpu.memory_space<semaphore_mem>>
        %dma_start3A_213 = tpu.memref_slice %arg6[%mul3A_173] : memref<20000xi32, #tpu.memory_space<vmem>> -> memref<200xi32, #tpu.memory_space<vmem>>
        %dma_start3A_214 = arith.constant 0 : i32
        %dma_start3A_215 = arith.constant 0 : i32
        %dma_start3A_216 = tpu.memref_slice %arg9[%dma_start3A_214, %dma_start3A_215] : memref<10112x64xf32, #tpu.memory_space<vmem_shared>> -> memref<10112x64xf32, #tpu.memory_space<vmem_shared>>
        tpu.enqueue_indirect_dma source(%arg7 : memref<200x64xf32, #tpu.memory_space<vmem>>) target(%dma_start3A_216 : memref<10112x64xf32, #tpu.memory_space<vmem_shared>>) offsets(%dma_start3A_213 : memref<200xi32, #tpu.memory_space<vmem>>) semaphore(%run_scoped3A_212 : memref<!tpu.dma_semaphore, #tpu.memory_space<semaphore_mem>>) {add = true}
        %dma_wait3A_217 = tpu.memref_slice %arg6[%mul3A_173] : memref<20000xi32, #tpu.memory_space<vmem>> -> memref<200xi32, #tpu.memory_space<vmem>>
        %dma_wait3A_218 = arith.constant 0 : i32
        %dma_wait3A_219 = arith.constant 0 : i32
        %dma_wait3A_220 = tpu.memref_slice %arg9[%dma_wait3A_218, %dma_wait3A_219] : memref<10112x64xf32, #tpu.memory_space<vmem_shared>> -> memref<10112x64xf32, #tpu.memory_space<vmem_shared>>
        tpu.wait_indirect_dma semaphore(%run_scoped3A_212 : memref<!tpu.dma_semaphore, #tpu.memory_space<semaphore_mem>>) src(%arg7 : memref<200x64xf32, #tpu.memory_space<vmem>>) dst(%dma_wait3A_220 : memref<10112x64xf32, #tpu.memory_space<vmem_shared>>)
        tpu.yield
      }) : () -> ()
      %add3A_174 = arith.constant 2 : i32
      %add3A_175 = arith.addi %mul3A_160, %add3A_174 : i32
      %min3A = arith.constant 99 : i32
      %min3A_176 = arith.minsi %add3A_175, %min3A : i32
      %mul3A_177 = arith.constant 200 : i32
      %mul3A_178 = arith.muli %min3A_176, %mul3A_177 : i32
      %dma_start3A_179 = tpu.memref_slice %arg5[%mul3A_178] : memref<20000xi32, #tpu.memory_space<vmem>> -> memref<200xi32, #tpu.memory_space<vmem>>
      %dma_start3A_180 = arith.constant 0 : i32
      %dma_start3A_181 = arith.constant 0 : i32
      %dma_start3A_182 = tpu.memref_slice %arg3[%scan3A_44, %arg0, %dma_start3A_180, %dma_start3A_181] : memref<2x2x10000x64xf32, #tpu.memory_space<hbm>> -> memref<1x1x10000x64xf32, #tpu.memory_space<hbm>>
      %dma_start3A_183 = tpu.memref_squeeze %dma_start3A_182 : memref<1x1x10000x64xf32, #tpu.memory_space<hbm>> -> memref<10000x64xf32, #tpu.memory_space<hbm>>
      %dma_start3A_184 = arith.constant 0 : i32
      %dma_start3A_185 = arith.constant 0 : i32
      %dma_start3A_186 = tpu.memref_slice %dma_start3A_183[%dma_start3A_184, %dma_start3A_185] : memref<10000x64xf32, #tpu.memory_space<hbm>> -> memref<10000x64xf32, #tpu.memory_space<hbm>>
      tpu.enqueue_indirect_dma source(%dma_start3A_186 : memref<10000x64xf32, #tpu.memory_space<hbm>>) target(%arg7 : memref<200x64xf32, #tpu.memory_space<vmem>>) offsets(%dma_start3A_179 : memref<200xi32, #tpu.memory_space<vmem>>) semaphore(%arg10 : memref<!tpu.dma_semaphore, #tpu.memory_space<semaphore_mem>>)
      %dma_wait3A_187 = arith.constant 0 : i32
      %dma_wait3A_188 = tpu.memref_slice %arg5[%dma_wait3A_187] : memref<20000xi32, #tpu.memory_space<vmem>> -> memref<200xi32, #tpu.memory_space<vmem>>
      %dma_wait3A_189 = arith.constant 0 : i32
      %dma_wait3A_190 = arith.constant 0 : i32
      %dma_wait3A_191 = tpu.memref_slice %arg3[%scan3A_44, %arg0, %dma_wait3A_189, %dma_wait3A_190] : memref<2x2x10000x64xf32, #tpu.memory_space<hbm>> -> memref<1x1x10000x64xf32, #tpu.memory_space<hbm>>
      %dma_wait3A_192 = tpu.memref_squeeze %dma_wait3A_191 : memref<1x1x10000x64xf32, #tpu.memory_space<hbm>> -> memref<10000x64xf32, #tpu.memory_space<hbm>>
      %dma_wait3A_193 = arith.constant 0 : i32
      %dma_wait3A_194 = arith.constant 0 : i32
      %dma_wait3A_195 = tpu.memref_slice %dma_wait3A_192[%dma_wait3A_193, %dma_wait3A_194] : memref<10000x64xf32, #tpu.memory_space<hbm>> -> memref<10000x64xf32, #tpu.memory_space<hbm>>
      tpu.wait_indirect_dma semaphore(%arg11 : memref<!tpu.dma_semaphore, #tpu.memory_space<semaphore_mem>>) src(%dma_wait3A_195 : memref<10000x64xf32, #tpu.memory_space<hbm>>) dst(%arg8 : memref<200x64xf32, #tpu.memory_space<vmem>>)
      %mul3A_196 = arith.constant 200 : i32
      %mul3A_197 = arith.muli %add3A_162, %mul3A_196 : i32
      "tpu.region"() ({
        %run_scoped3A_212 = tpu.sem_alloc : memref<!tpu.dma_semaphore, #tpu.memory_space<semaphore_mem>>
        %dma_start3A_213 = tpu.memref_slice %arg6[%mul3A_197] : memref<20000xi32, #tpu.memory_space<vmem>> -> memref<200xi32, #tpu.memory_space<vmem>>
        %dma_start3A_214 = arith.constant 0 : i32
        %dma_start3A_215 = arith.constant 0 : i32
        %dma_start3A_216 = tpu.memref_slice %arg9[%dma_start3A_214, %dma_start3A_215] : memref<10112x64xf32, #tpu.memory_space<vmem_shared>> -> memref<10112x64xf32, #tpu.memory_space<vmem_shared>>
        tpu.enqueue_indirect_dma source(%arg8 : memref<200x64xf32, #tpu.memory_space<vmem>>) target(%dma_start3A_216 : memref<10112x64xf32, #tpu.memory_space<vmem_shared>>) offsets(%dma_start3A_213 : memref<200xi32, #tpu.memory_space<vmem>>) semaphore(%run_scoped3A_212 : memref<!tpu.dma_semaphore, #tpu.memory_space<semaphore_mem>>) {add = true}
        %dma_wait3A_217 = tpu.memref_slice %arg6[%mul3A_197] : memref<20000xi32, #tpu.memory_space<vmem>> -> memref<200xi32, #tpu.memory_space<vmem>>
        %dma_wait3A_218 = arith.constant 0 : i32
        %dma_wait3A_219 = arith.constant 0 : i32
        %dma_wait3A_220 = tpu.memref_slice %arg9[%dma_wait3A_218, %dma_wait3A_219] : memref<10112x64xf32, #tpu.memory_space<vmem_shared>> -> memref<10112x64xf32, #tpu.memory_space<vmem_shared>>
        tpu.wait_indirect_dma semaphore(%run_scoped3A_212 : memref<!tpu.dma_semaphore, #tpu.memory_space<semaphore_mem>>) src(%arg8 : memref<200x64xf32, #tpu.memory_space<vmem>>) dst(%dma_wait3A_220 : memref<10112x64xf32, #tpu.memory_space<vmem_shared>>)
        tpu.yield
      }) : () -> ()
      %add3A_198 = arith.constant 2 : i32
      %add3A_199 = arith.addi %add3A_162, %add3A_198 : i32
      %min3A_200 = arith.constant 99 : i32
      %min3A_201 = arith.minsi %add3A_199, %min3A_200 : i32
      %mul3A_202 = arith.constant 200 : i32
      %mul3A_203 = arith.muli %min3A_201, %mul3A_202 : i32
      %dma_start3A_204 = tpu.memref_slice %arg5[%mul3A_203] : memref<20000xi32, #tpu.memory_space<vmem>> -> memref<200xi32, #tpu.memory_space<vmem>>
      %dma_start3A_205 = arith.constant 0 : i32
      %dma_start3A_206 = arith.constant 0 : i32
      %dma_start3A_207 = tpu.memref_slice %arg3[%scan3A_44, %arg0, %dma_start3A_205, %dma_start3A_206] : memref<2x2x10000x64xf32, #tpu.memory_space<hbm>> -> memref<1x1x10000x64xf32, #tpu.memory_space<hbm>>
      %dma_start3A_208 = tpu.memref_squeeze %dma_start3A_207 : memref<1x1x10000x64xf32, #tpu.memory_space<hbm>> -> memref<10000x64xf32, #tpu.memory_space<hbm>>
      %dma_start3A_209 = arith.constant 0 : i32
      %dma_start3A_210 = arith.constant 0 : i32
      %dma_start3A_211 = tpu.memref_slice %dma_start3A_208[%dma_start3A_209, %dma_start3A_210] : memref<10000x64xf32, #tpu.memory_space<hbm>> -> memref<10000x64xf32, #tpu.memory_space<hbm>>
      tpu.enqueue_indirect_dma source(%dma_start3A_211 : memref<10000x64xf32, #tpu.memory_space<hbm>>) target(%arg8 : memref<200x64xf32, #tpu.memory_space<vmem>>) offsets(%dma_start3A_204 : memref<200xi32, #tpu.memory_space<vmem>>) semaphore(%arg11 : memref<!tpu.dma_semaphore, #tpu.memory_space<semaphore_mem>>)
    }
    %scan3A_49 = arith.constant 50 : i32
    %dma_wait3A = arith.constant 0 : i32
    %dma_wait3A_50 = arith.constant 0 : i32
    %dma_wait3A_51 = tpu.memref_slice %arg5[%dma_wait3A_50] : memref<20000xi32, #tpu.memory_space<vmem>> -> memref<200xi32, #tpu.memory_space<vmem>>
    %dma_wait3A_52 = arith.constant 0 : i32
    %dma_wait3A_53 = arith.constant 0 : i32
    %dma_wait3A_54 = tpu.memref_slice %arg3[%dma_wait3A, %arg0, %dma_wait3A_52, %dma_wait3A_53] : memref<2x2x10000x64xf32, #tpu.memory_space<hbm>> -> memref<1x1x10000x64xf32, #tpu.memory_space<hbm>>
    %dma_wait3A_55 = tpu.memref_squeeze %dma_wait3A_54 : memref<1x1x10000x64xf32, #tpu.memory_space<hbm>> -> memref<10000x64xf32, #tpu.memory_space<hbm>>
    %dma_wait3A_56 = arith.constant 0 : i32
    %dma_wait3A_57 = arith.constant 0 : i32
    %dma_wait3A_58 = tpu.memref_slice %dma_wait3A_55[%dma_wait3A_56, %dma_wait3A_57] : memref<10000x64xf32, #tpu.memory_space<hbm>> -> memref<10000x64xf32, #tpu.memory_space<hbm>>
    tpu.wait_indirect_dma semaphore(%arg10 : memref<!tpu.dma_semaphore, #tpu.memory_space<semaphore_mem>>) src(%dma_wait3A_58 : memref<10000x64xf32, #tpu.memory_space<hbm>>) dst(%arg7 : memref<200x64xf32, #tpu.memory_space<vmem>>)
    %dma_wait3A_59 = arith.constant 0 : i32
    %dma_wait3A_60 = arith.constant 0 : i32
    %dma_wait3A_61 = tpu.memref_slice %arg5[%dma_wait3A_60] : memref<20000xi32, #tpu.memory_space<vmem>> -> memref<200xi32, #tpu.memory_space<vmem>>
    %dma_wait3A_62 = arith.constant 0 : i32
    %dma_wait3A_63 = arith.constant 0 : i32
    %dma_wait3A_64 = tpu.memref_slice %arg3[%dma_wait3A_59, %arg0, %dma_wait3A_62, %dma_wait3A_63] : memref<2x2x10000x64xf32, #tpu.memory_space<hbm>> -> memref<1x1x10000x64xf32, #tpu.memory_space<hbm>>
    %dma_wait3A_65 = tpu.memref_squeeze %dma_wait3A_64 : memref<1x1x10000x64xf32, #tpu.memory_space<hbm>> -> memref<10000x64xf32, #tpu.memory_space<hbm>>
    %dma_wait3A_66 = arith.constant 0 : i32
    %dma_wait3A_67 = arith.constant 0 : i32
    %dma_wait3A_68 = tpu.memref_slice %dma_wait3A_65[%dma_wait3A_66, %dma_wait3A_67] : memref<10000x64xf32, #tpu.memory_space<hbm>> -> memref<10000x64xf32, #tpu.memory_space<hbm>>
    tpu.wait_indirect_dma semaphore(%arg11 : memref<!tpu.dma_semaphore, #tpu.memory_space<semaphore_mem>>) src(%dma_wait3A_68 : memref<10000x64xf32, #tpu.memory_space<hbm>>) dst(%arg8 : memref<200x64xf32, #tpu.memory_space<vmem>>)
    %barrier3A_69 = arith.constant 0 : index
    tpu.barrier barrier_id(%barrier3A_69)
    %mul3A_70 = arith.constant 632 : i32
    %mul3A_71 = arith.muli %arg1, %mul3A_70 : i32
    %mul3A_72 = arith.constant 632 : i32
    %mul3A_73 = arith.muli %arg1, %mul3A_72 : i32
    %run_scoped3A_74 = arith.constant 0 : i32
    "tpu.region"() ({
      %run_scoped3A_158 = tpu.sem_alloc : memref<!tpu.dma_semaphore, #tpu.memory_space<semaphore_mem>>
      %dma_start3A_159 = arith.constant 0 : i32
      %dma_start3A_160 = tpu.memref_slice %arg4[%run_scoped3A_74, %arg0, %mul3A_73, %dma_start3A_159] : memref<2x2x10112x64xf32, #tpu.memory_space<hbm>> -> memref<1x1x632x64xf32, #tpu.memory_space<hbm>>
      %dma_start3A_161 = tpu.memref_squeeze %dma_start3A_160 : memref<1x1x632x64xf32, #tpu.memory_space<hbm>> -> memref<632x64xf32, #tpu.memory_space<hbm>>
      %dma_start3A_162 = arith.constant 0 : i32
      %dma_start3A_163 = tpu.memref_slice %arg9[%mul3A_71, %dma_start3A_162] : memref<10112x64xf32, #tpu.memory_space<vmem_shared>> -> memref<632x64xf32, #tpu.memory_space<vmem_shared>>
      tpu.enqueue_dma source(%dma_start3A_163 : memref<632x64xf32, #tpu.memory_space<vmem_shared>>) target(%dma_start3A_161 : memref<632x64xf32, #tpu.memory_space<hbm>>) target_semaphore(%run_scoped3A_158 : memref<!tpu.dma_semaphore, #tpu.memory_space<semaphore_mem>>)
      %dma_wait3A_164 = arith.constant 0 : i32
      %dma_wait3A_165 = tpu.memref_slice %arg4[%run_scoped3A_74, %arg0, %mul3A_73, %dma_wait3A_164] : memref<2x2x10112x64xf32, #tpu.memory_space<hbm>> -> memref<1x1x632x64xf32, #tpu.memory_space<hbm>>
      %dma_wait3A_166 = tpu.memref_squeeze %dma_wait3A_165 : memref<1x1x632x64xf32, #tpu.memory_space<hbm>> -> memref<632x64xf32, #tpu.memory_space<hbm>>
      %dma_wait3A_167 = arith.constant 0 : i32
      %dma_wait3A_168 = tpu.memref_slice %arg9[%mul3A_71, %dma_wait3A_167] : memref<10112x64xf32, #tpu.memory_space<vmem_shared>> -> memref<632x64xf32, #tpu.memory_space<vmem_shared>>
      tpu.wait_dma2 semaphore(%run_scoped3A_158 : memref<!tpu.dma_semaphore, #tpu.memory_space<semaphore_mem>>) src(%dma_wait3A_168 : memref<632x64xf32, #tpu.memory_space<vmem_shared>>) dst(%dma_wait3A_166 : memref<632x64xf32, #tpu.memory_space<hbm>>)
      tpu.yield
    }) : () -> ()
    %barrier3A_75 = arith.constant 0 : index
    tpu.barrier barrier_id(%barrier3A_75)
    %mul3A_76 = arith.constant 20000 : i32
    %mul3A_77 = arith.muli %arg1, %mul3A_76 : i32
    %mul3A_78 = arith.constant 20000 : i32
    %mul3A_79 = arith.muli %arg1, %mul3A_78 : i32
    %run_scoped3A_80 = arith.constant 1 : i32
    %run_scoped3A_81 = arith.constant 0 : i32
    "tpu.region"() ({
      %run_scoped3A_158 = tpu.sem_alloc : memref<!tpu.dma_semaphore, #tpu.memory_space<semaphore_mem>>
      %dma_start3A_159 = tpu.memref_slice %arg2[%run_scoped3A_80, %run_scoped3A_81, %mul3A_77] : memref<2x2x320000xi32, #tpu.memory_space<hbm>> -> memref<1x1x20000xi32, #tpu.memory_space<hbm>>
      %dma_start3A_160 = tpu.memref_squeeze %dma_start3A_159 : memref<1x1x20000xi32, #tpu.memory_space<hbm>> -> memref<20000xi32, #tpu.memory_space<hbm>>
      %dma_start3A_161 = tpu.memref_slice %arg2[%run_scoped3A_80, %run_scoped3A_81, %mul3A_77] : memref<2x2x320000xi32, #tpu.memory_space<hbm>> -> memref<1x1x20000xi32, #tpu.memory_space<hbm>>
      %dma_start3A_162 = tpu.memref_squeeze %dma_start3A_161 : memref<1x1x20000xi32, #tpu.memory_space<hbm>> -> memref<20000xi32, #tpu.memory_space<hbm>>
      tpu.enqueue_dma source(%dma_start3A_162 : memref<20000xi32, #tpu.memory_space<hbm>>) target(%arg5 : memref<20000xi32, #tpu.memory_space<vmem>>) target_semaphore(%run_scoped3A_158 : memref<!tpu.dma_semaphore, #tpu.memory_space<semaphore_mem>>)
      %dma_wait3A_163 = tpu.memref_slice %arg2[%run_scoped3A_80, %run_scoped3A_81, %mul3A_77] : memref<2x2x320000xi32, #tpu.memory_space<hbm>> -> memref<1x1x20000xi32, #tpu.memory_space<hbm>>
      %dma_wait3A_164 = tpu.memref_squeeze %dma_wait3A_163 : memref<1x1x20000xi32, #tpu.memory_space<hbm>> -> memref<20000xi32, #tpu.memory_space<hbm>>
      %dma_wait3A_165 = tpu.memref_slice %arg2[%run_scoped3A_80, %run_scoped3A_81, %mul3A_77] : memref<2x2x320000xi32, #tpu.memory_space<hbm>> -> memref<1x1x20000xi32, #tpu.memory_space<hbm>>
      %dma_wait3A_166 = tpu.memref_squeeze %dma_wait3A_165 : memref<1x1x20000xi32, #tpu.memory_space<hbm>> -> memref<20000xi32, #tpu.memory_space<hbm>>
      tpu.wait_dma2 semaphore(%run_scoped3A_158 : memref<!tpu.dma_semaphore, #tpu.memory_space<semaphore_mem>>) src(%dma_wait3A_166 : memref<20000xi32, #tpu.memory_space<hbm>>) dst(%arg5 : memref<20000xi32, #tpu.memory_space<vmem>>)
      tpu.yield
    }) : () -> ()
    %run_scoped3A_82 = arith.constant 1 : i32
    %run_scoped3A_83 = arith.constant 1 : i32
    "tpu.region"() ({
      %run_scoped3A_158 = tpu.sem_alloc : memref<!tpu.dma_semaphore, #tpu.memory_space<semaphore_mem>>
      %dma_start3A_159 = tpu.memref_slice %arg2[%run_scoped3A_82, %run_scoped3A_83, %mul3A_79] : memref<2x2x320000xi32, #tpu.memory_space<hbm>> -> memref<1x1x20000xi32, #tpu.memory_space<hbm>>
      %dma_start3A_160 = tpu.memref_squeeze %dma_start3A_159 : memref<1x1x20000xi32, #tpu.memory_space<hbm>> -> memref<20000xi32, #tpu.memory_space<hbm>>
      %dma_start3A_161 = tpu.memref_slice %arg2[%run_scoped3A_82, %run_scoped3A_83, %mul3A_79] : memref<2x2x320000xi32, #tpu.memory_space<hbm>> -> memref<1x1x20000xi32, #tpu.memory_space<hbm>>
      %dma_start3A_162 = tpu.memref_squeeze %dma_start3A_161 : memref<1x1x20000xi32, #tpu.memory_space<hbm>> -> memref<20000xi32, #tpu.memory_space<hbm>>
      tpu.enqueue_dma source(%dma_start3A_162 : memref<20000xi32, #tpu.memory_space<hbm>>) target(%arg6 : memref<20000xi32, #tpu.memory_space<vmem>>) target_semaphore(%run_scoped3A_158 : memref<!tpu.dma_semaphore, #tpu.memory_space<semaphore_mem>>)
      %dma_wait3A_163 = tpu.memref_slice %arg2[%run_scoped3A_82, %run_scoped3A_83, %mul3A_79] : memref<2x2x320000xi32, #tpu.memory_space<hbm>> -> memref<1x1x20000xi32, #tpu.memory_space<hbm>>
      %dma_wait3A_164 = tpu.memref_squeeze %dma_wait3A_163 : memref<1x1x20000xi32, #tpu.memory_space<hbm>> -> memref<20000xi32, #tpu.memory_space<hbm>>
      %dma_wait3A_165 = tpu.memref_slice %arg2[%run_scoped3A_82, %run_scoped3A_83, %mul3A_79] : memref<2x2x320000xi32, #tpu.memory_space<hbm>> -> memref<1x1x20000xi32, #tpu.memory_space<hbm>>
      %dma_wait3A_166 = tpu.memref_squeeze %dma_wait3A_165 : memref<1x1x20000xi32, #tpu.memory_space<hbm>> -> memref<20000xi32, #tpu.memory_space<hbm>>
      tpu.wait_dma2 semaphore(%run_scoped3A_158 : memref<!tpu.dma_semaphore, #tpu.memory_space<semaphore_mem>>) src(%dma_wait3A_166 : memref<20000xi32, #tpu.memory_space<hbm>>) dst(%arg6 : memref<20000xi32, #tpu.memory_space<vmem>>)
      tpu.yield
    }) : () -> ()
    %scan3A_84 = arith.constant 0 : i32
    %scan3A_85 = arith.constant 200 : i32
    %scan3A_86 = arith.addi %scan3A_84, %scan3A_85 : i32
    %scan3A_87 = arith.constant 1 : i32
    scf.for %scan3A_158 = %scan3A_84 to %scan3A_86 step %scan3A_87  : i32 {
      %broadcast_in_dim3A = arith.constant 0.000000e+00 : f32
      %broadcast_in_dim3A_159 = vector.broadcast %broadcast_in_dim3A : f32 to vector<16xf32>
      %swap3A = arith.index_cast %scan3A_158 : i32 to index
      %swap3A_160 = arith.constant 0 : index
      %swap3A_161 = tpu.vector_load %arg7[%swap3A, %swap3A_160] {strides = array<i32>} : memref<200x64xf32, #tpu.memory_space<vmem>>, vector<16xf32>,
      tpu.vector_store %arg7[%swap3A, %swap3A_160], %broadcast_in_dim3A_159 {strides = array<i32>} : memref<200x64xf32, #tpu.memory_space<vmem>>, vector<16xf32>,
      %broadcast_in_dim3A_162 = arith.constant 0.000000e+00 : f32
      %broadcast_in_dim3A_163 = vector.broadcast %broadcast_in_dim3A_162 : f32 to vector<16xf32>
      %swap3A_164 = arith.index_cast %scan3A_158 : i32 to index
      %swap3A_165 = arith.constant 16 : index
      %swap3A_166 = tpu.vector_load %arg7[%swap3A_164, %swap3A_165] {strides = array<i32>} : memref<200x64xf32, #tpu.memory_space<vmem>>, vector<16xf32>,
      tpu.vector_store %arg7[%swap3A_164, %swap3A_165], %broadcast_in_dim3A_163 {strides = array<i32>} : memref<200x64xf32, #tpu.memory_space<vmem>>, vector<16xf32>,
      %broadcast_in_dim3A_167 = arith.constant 0.000000e+00 : f32
      %broadcast_in_dim3A_168 = vector.broadcast %broadcast_in_dim3A_167 : f32 to vector<16xf32>
      %swap3A_169 = arith.index_cast %scan3A_158 : i32 to index
      %swap3A_170 = arith.constant 32 : index
      %swap3A_171 = tpu.vector_load %arg7[%swap3A_169, %swap3A_170] {strides = array<i32>} : memref<200x64xf32, #tpu.memory_space<vmem>>, vector<16xf32>,
      tpu.vector_store %arg7[%swap3A_169, %swap3A_170], %broadcast_in_dim3A_168 {strides = array<i32>} : memref<200x64xf32, #tpu.memory_space<vmem>>, vector<16xf32>,
      %broadcast_in_dim3A_172 = arith.constant 0.000000e+00 : f32
      %broadcast_in_dim3A_173 = vector.broadcast %broadcast_in_dim3A_172 : f32 to vector<16xf32>
      %swap3A_174 = arith.index_cast %scan3A_158 : i32 to index
      %swap3A_175 = arith.constant 48 : index
      %swap3A_176 = tpu.vector_load %arg7[%swap3A_174, %swap3A_175] {strides = array<i32>} : memref<200x64xf32, #tpu.memory_space<vmem>>, vector<16xf32>,
      tpu.vector_store %arg7[%swap3A_174, %swap3A_175], %broadcast_in_dim3A_173 {strides = array<i32>} : memref<200x64xf32, #tpu.memory_space<vmem>>, vector<16xf32>,
    }
    %scan3A_88 = arith.constant 200 : i32
    %mul3A_89 = arith.constant 632 : i32
    %mul3A_90 = arith.muli %arg1, %mul3A_89 : i32
    %add3A_91 = arith.constant 0 : i32
    %add3A_92 = arith.addi %mul3A_90, %add3A_91 : i32
    "tpu.region"() ({
      %run_scoped3A_158 = tpu.sem_alloc : memref<!tpu.dma_semaphore, #tpu.memory_space<semaphore_mem>>
      %dma_start3A_159 = arith.constant 0 : i32
      %dma_start3A_160 = tpu.memref_slice %arg9[%add3A_92, %dma_start3A_159] : memref<10112x64xf32, #tpu.memory_space<vmem_shared>> -> memref<200x64xf32, #tpu.memory_space<vmem_shared>>
      %dma_start3A_161 = arith.constant 0 : i32
      %dma_start3A_162 = tpu.memref_slice %arg9[%add3A_92, %dma_start3A_161] : memref<10112x64xf32, #tpu.memory_space<vmem_shared>> -> memref<200x64xf32, #tpu.memory_space<vmem_shared>>
      tpu.enqueue_dma source(%arg7 : memref<200x64xf32, #tpu.memory_space<vmem>>) target(%dma_start3A_162 : memref<200x64xf32, #tpu.memory_space<vmem_shared>>) target_semaphore(%run_scoped3A_158 : memref<!tpu.dma_semaphore, #tpu.memory_space<semaphore_mem>>)
      %dma_wait3A_163 = arith.constant 0 : i32
      %dma_wait3A_164 = tpu.memref_slice %arg9[%add3A_92, %dma_wait3A_163] : memref<10112x64xf32, #tpu.memory_space<vmem_shared>> -> memref<200x64xf32, #tpu.memory_space<vmem_shared>>
      %dma_wait3A_165 = arith.constant 0 : i32
      %dma_wait3A_166 = tpu.memref_slice %arg9[%add3A_92, %dma_wait3A_165] : memref<10112x64xf32, #tpu.memory_space<vmem_shared>> -> memref<200x64xf32, #tpu.memory_space<vmem_shared>>
      tpu.wait_dma2 semaphore(%run_scoped3A_158 : memref<!tpu.dma_semaphore, #tpu.memory_space<semaphore_mem>>) src(%arg7 : memref<200x64xf32, #tpu.memory_space<vmem>>) dst(%dma_wait3A_166 : memref<200x64xf32, #tpu.memory_space<vmem_shared>>)
      tpu.yield
    }) : () -> ()
    %mul3A_93 = arith.constant 632 : i32
    %mul3A_94 = arith.muli %arg1, %mul3A_93 : i32
    %add3A_95 = arith.constant 200 : i32
    %add3A_96 = arith.addi %mul3A_94, %add3A_95 : i32
    "tpu.region"() ({
      %run_scoped3A_158 = tpu.sem_alloc : memref<!tpu.dma_semaphore, #tpu.memory_space<semaphore_mem>>
      %dma_start3A_159 = arith.constant 0 : i32
      %dma_start3A_160 = tpu.memref_slice %arg9[%add3A_96, %dma_start3A_159] : memref<10112x64xf32, #tpu.memory_space<vmem_shared>> -> memref<200x64xf32, #tpu.memory_space<vmem_shared>>
      %dma_start3A_161 = arith.constant 0 : i32
      %dma_start3A_162 = tpu.memref_slice %arg9[%add3A_96, %dma_start3A_161] : memref<10112x64xf32, #tpu.memory_space<vmem_shared>> -> memref<200x64xf32, #tpu.memory_space<vmem_shared>>
      tpu.enqueue_dma source(%arg7 : memref<200x64xf32, #tpu.memory_space<vmem>>) target(%dma_start3A_162 : memref<200x64xf32, #tpu.memory_space<vmem_shared>>) target_semaphore(%run_scoped3A_158 : memref<!tpu.dma_semaphore, #tpu.memory_space<semaphore_mem>>)
      %dma_wait3A_163 = arith.constant 0 : i32
      %dma_wait3A_164 = tpu.memref_slice %arg9[%add3A_96, %dma_wait3A_163] : memref<10112x64xf32, #tpu.memory_space<vmem_shared>> -> memref<200x64xf32, #tpu.memory_space<vmem_shared>>
      %dma_wait3A_165 = arith.constant 0 : i32
      %dma_wait3A_166 = tpu.memref_slice %arg9[%add3A_96, %dma_wait3A_165] : memref<10112x64xf32, #tpu.memory_space<vmem_shared>> -> memref<200x64xf32, #tpu.memory_space<vmem_shared>>
      tpu.wait_dma2 semaphore(%run_scoped3A_158 : memref<!tpu.dma_semaphore, #tpu.memory_space<semaphore_mem>>) src(%arg7 : memref<200x64xf32, #tpu.memory_space<vmem>>) dst(%dma_wait3A_166 : memref<200x64xf32, #tpu.memory_space<vmem_shared>>)
      tpu.yield
    }) : () -> ()
    %mul3A_97 = arith.constant 632 : i32
    %mul3A_98 = arith.muli %arg1, %mul3A_97 : i32
    %add3A_99 = arith.constant 400 : i32
    %add3A_100 = arith.addi %mul3A_98, %add3A_99 : i32
    "tpu.region"() ({
      %run_scoped3A_158 = tpu.sem_alloc : memref<!tpu.dma_semaphore, #tpu.memory_space<semaphore_mem>>
      %dma_start3A_159 = arith.constant 0 : i32
      %dma_start3A_160 = tpu.memref_slice %arg9[%add3A_100, %dma_start3A_159] : memref<10112x64xf32, #tpu.memory_space<vmem_shared>> -> memref<200x64xf32, #tpu.memory_space<vmem_shared>>
      %dma_start3A_161 = arith.constant 0 : i32
      %dma_start3A_162 = tpu.memref_slice %arg9[%add3A_100, %dma_start3A_161] : memref<10112x64xf32, #tpu.memory_space<vmem_shared>> -> memref<200x64xf32, #tpu.memory_space<vmem_shared>>
      tpu.enqueue_dma source(%arg7 : memref<200x64xf32, #tpu.memory_space<vmem>>) target(%dma_start3A_162 : memref<200x64xf32, #tpu.memory_space<vmem_shared>>) target_semaphore(%run_scoped3A_158 : memref<!tpu.dma_semaphore, #tpu.memory_space<semaphore_mem>>)
      %dma_wait3A_163 = arith.constant 0 : i32
      %dma_wait3A_164 = tpu.memref_slice %arg9[%add3A_100, %dma_wait3A_163] : memref<10112x64xf32, #tpu.memory_space<vmem_shared>> -> memref<200x64xf32, #tpu.memory_space<vmem_shared>>
      %dma_wait3A_165 = arith.constant 0 : i32
      %dma_wait3A_166 = tpu.memref_slice %arg9[%add3A_100, %dma_wait3A_165] : memref<10112x64xf32, #tpu.memory_space<vmem_shared>> -> memref<200x64xf32, #tpu.memory_space<vmem_shared>>
      tpu.wait_dma2 semaphore(%run_scoped3A_158 : memref<!tpu.dma_semaphore, #tpu.memory_space<semaphore_mem>>) src(%arg7 : memref<200x64xf32, #tpu.memory_space<vmem>>) dst(%dma_wait3A_166 : memref<200x64xf32, #tpu.memory_space<vmem_shared>>)
      tpu.yield
    }) : () -> ()
    %mul3A_101 = arith.constant 632 : i32
    %mul3A_102 = arith.muli %arg1, %mul3A_101 : i32
    %add3A_103 = arith.constant 600 : i32
    %add3A_104 = arith.addi %mul3A_102, %add3A_103 : i32
    "tpu.region"() ({
      %run_scoped3A_158 = tpu.sem_alloc : memref<!tpu.dma_semaphore, #tpu.memory_space<semaphore_mem>>
      %dma_start3A_159 = arith.constant 0 : i32
      %dma_start3A_160 = arith.constant 0 : i32
      %dma_start3A_161 = tpu.memref_slice %arg7[%dma_start3A_159, %dma_start3A_160] : memref<200x64xf32, #tpu.memory_space<vmem>> -> memref<32x64xf32, #tpu.memory_space<vmem>>
      %dma_start3A_162 = arith.constant 0 : i32
      %dma_start3A_163 = tpu.memref_slice %arg9[%add3A_104, %dma_start3A_162] : memref<10112x64xf32, #tpu.memory_space<vmem_shared>> -> memref<32x64xf32, #tpu.memory_space<vmem_shared>>
      %dma_start3A_164 = arith.constant 0 : i32
      %dma_start3A_165 = tpu.memref_slice %arg9[%add3A_104, %dma_start3A_164] : memref<10112x64xf32, #tpu.memory_space<vmem_shared>> -> memref<32x64xf32, #tpu.memory_space<vmem_shared>>
      %dma_start3A_166 = arith.constant 0 : i32
      %dma_start3A_167 = arith.constant 0 : i32
      %dma_start3A_168 = tpu.memref_slice %arg7[%dma_start3A_166, %dma_start3A_167] : memref<200x64xf32, #tpu.memory_space<vmem>> -> memref<32x64xf32, #tpu.memory_space<vmem>>
      tpu.enqueue_dma source(%dma_start3A_168 : memref<32x64xf32, #tpu.memory_space<vmem>>) target(%dma_start3A_165 : memref<32x64xf32, #tpu.memory_space<vmem_shared>>) target_semaphore(%run_scoped3A_158 : memref<!tpu.dma_semaphore, #tpu.memory_space<semaphore_mem>>)
      %dma_wait3A_169 = arith.constant 0 : i32
      %dma_wait3A_170 = arith.constant 0 : i32
      %dma_wait3A_171 = tpu.memref_slice %arg7[%dma_wait3A_169, %dma_wait3A_170] : memref<200x64xf32, #tpu.memory_space<vmem>> -> memref<32x64xf32, #tpu.memory_space<vmem>>
      %dma_wait3A_172 = arith.constant 0 : i32
      %dma_wait3A_173 = tpu.memref_slice %arg9[%add3A_104, %dma_wait3A_172] : memref<10112x64xf32, #tpu.memory_space<vmem_shared>> -> memref<32x64xf32, #tpu.memory_space<vmem_shared>>
      %dma_wait3A_174 = arith.constant 0 : i32
      %dma_wait3A_175 = tpu.memref_slice %arg9[%add3A_104, %dma_wait3A_174] : memref<10112x64xf32, #tpu.memory_space<vmem_shared>> -> memref<32x64xf32, #tpu.memory_space<vmem_shared>>
      %dma_wait3A_176 = arith.constant 0 : i32
      %dma_wait3A_177 = arith.constant 0 : i32
      %dma_wait3A_178 = tpu.memref_slice %arg7[%dma_wait3A_176, %dma_wait3A_177] : memref<200x64xf32, #tpu.memory_space<vmem>> -> memref<32x64xf32, #tpu.memory_space<vmem>>
      tpu.wait_dma2 semaphore(%run_scoped3A_158 : memref<!tpu.dma_semaphore, #tpu.memory_space<semaphore_mem>>) src(%dma_wait3A_178 : memref<32x64xf32, #tpu.memory_space<vmem>>) dst(%dma_wait3A_175 : memref<32x64xf32, #tpu.memory_space<vmem_shared>>)
      tpu.yield
    }) : () -> ()
    %barrier3A_105 = arith.constant 0 : index
    tpu.barrier barrier_id(%barrier3A_105)
    %dma_start3A_106 = arith.constant 1 : i32
    %dma_start3A_107 = arith.constant 0 : i32
    %dma_start3A_108 = tpu.memref_slice %arg5[%dma_start3A_107] : memref<20000xi32, #tpu.memory_space<vmem>> -> memref<200xi32, #tpu.memory_space<vmem>>
    %dma_start3A_109 = arith.constant 0 : i32
    %dma_start3A_110 = arith.constant 0 : i32
    %dma_start3A_111 = tpu.memref_slice %arg3[%dma_start3A_106, %arg0, %dma_start3A_109, %dma_start3A_110] : memref<2x2x10000x64xf32, #tpu.memory_space<hbm>> -> memref<1x1x10000x64xf32, #tpu.memory_space<hbm>>
    %dma_start3A_112 = tpu.memref_squeeze %dma_start3A_111 : memref<1x1x10000x64xf32, #tpu.memory_space<hbm>> -> memref<10000x64xf32, #tpu.memory_space<hbm>>
    %dma_start3A_113 = arith.constant 0 : i32
    %dma_start3A_114 = arith.constant 0 : i32
    %dma_start3A_115 = tpu.memref_slice %dma_start3A_112[%dma_start3A_113, %dma_start3A_114] : memref<10000x64xf32, #tpu.memory_space<hbm>> -> memref<10000x64xf32, #tpu.memory_space<hbm>>
    tpu.enqueue_indirect_dma source(%dma_start3A_115 : memref<10000x64xf32, #tpu.memory_space<hbm>>) target(%arg7 : memref<200x64xf32, #tpu.memory_space<vmem>>) offsets(%dma_start3A_108 : memref<200xi32, #tpu.memory_space<vmem>>) semaphore(%arg10 : memref<!tpu.dma_semaphore, #tpu.memory_space<semaphore_mem>>)
    %dma_start3A_116 = arith.constant 1 : i32
    %dma_start3A_117 = arith.constant 200 : i32
    %dma_start3A_118 = tpu.memref_slice %arg5[%dma_start3A_117] : memref<20000xi32, #tpu.memory_space<vmem>> -> memref<200xi32, #tpu.memory_space<vmem>>
    %dma_start3A_119 = arith.constant 0 : i32
    %dma_start3A_120 = arith.constant 0 : i32
    %dma_start3A_121 = tpu.memref_slice %arg3[%dma_start3A_116, %arg0, %dma_start3A_119, %dma_start3A_120] : memref<2x2x10000x64xf32, #tpu.memory_space<hbm>> -> memref<1x1x10000x64xf32, #tpu.memory_space<hbm>>
    %dma_start3A_122 = tpu.memref_squeeze %dma_start3A_121 : memref<1x1x10000x64xf32, #tpu.memory_space<hbm>> -> memref<10000x64xf32, #tpu.memory_space<hbm>>
    %dma_start3A_123 = arith.constant 0 : i32
    %dma_start3A_124 = arith.constant 0 : i32
    %dma_start3A_125 = tpu.memref_slice %dma_start3A_122[%dma_start3A_123, %dma_start3A_124] : memref<10000x64xf32, #tpu.memory_space<hbm>> -> memref<10000x64xf32, #tpu.memory_space<hbm>>
    tpu.enqueue_indirect_dma source(%dma_start3A_125 : memref<10000x64xf32, #tpu.memory_space<hbm>>) target(%arg8 : memref<200x64xf32, #tpu.memory_space<vmem>>) offsets(%dma_start3A_118 : memref<200xi32, #tpu.memory_space<vmem>>) semaphore(%arg11 : memref<!tpu.dma_semaphore, #tpu.memory_space<semaphore_mem>>)
    %scan3A_126 = arith.constant 1 : i32
    %scan3A_127 = arith.constant 0 : i32
    %scan3A_128 = arith.constant 50 : i32
    %scan3A_129 = arith.addi %scan3A_127, %scan3A_128 : i32
    %scan3A_130 = arith.constant 1 : i32
    scf.for %scan3A_158 = %scan3A_127 to %scan3A_129 step %scan3A_130  : i32 {
      %mul3A_159 = arith.constant 2 : i32
      %mul3A_160 = arith.muli %mul3A_159, %scan3A_158 : i32
      %add3A_161 = arith.constant 1 : i32
      %add3A_162 = arith.addi %mul3A_160, %add3A_161 : i32
      %dma_wait3A_163 = arith.constant 0 : i32
      %dma_wait3A_164 = tpu.memref_slice %arg5[%dma_wait3A_163] : memref<20000xi32, #tpu.memory_space<vmem>> -> memref<200xi32, #tpu.memory_space<vmem>>
      %dma_wait3A_165 = arith.constant 0 : i32
      %dma_wait3A_166 = arith.constant 0 : i32
      %dma_wait3A_167 = tpu.memref_slice %arg3[%scan3A_126, %arg0, %dma_wait3A_165, %dma_wait3A_166] : memref<2x2x10000x64xf32, #tpu.memory_space<hbm>> -> memref<1x1x10000x64xf32, #tpu.memory_space<hbm>>
      %dma_wait3A_168 = tpu.memref_squeeze %dma_wait3A_167 : memref<1x1x10000x64xf32, #tpu.memory_space<hbm>> -> memref<10000x64xf32, #tpu.memory_space<hbm>>
      %dma_wait3A_169 = arith.constant 0 : i32
      %dma_wait3A_170 = arith.constant 0 : i32
      %dma_wait3A_171 = tpu.memref_slice %dma_wait3A_168[%dma_wait3A_169, %dma_wait3A_170] : memref<10000x64xf32, #tpu.memory_space<hbm>> -> memref<10000x64xf32, #tpu.memory_space<hbm>>
      tpu.wait_indirect_dma semaphore(%arg10 : memref<!tpu.dma_semaphore, #tpu.memory_space<semaphore_mem>>) src(%dma_wait3A_171 : memref<10000x64xf32, #tpu.memory_space<hbm>>) dst(%arg7 : memref<200x64xf32, #tpu.memory_space<vmem>>)
      %mul3A_172 = arith.constant 200 : i32
      %mul3A_173 = arith.muli %mul3A_160, %mul3A_172 : i32
      "tpu.region"() ({
        %run_scoped3A_212 = tpu.sem_alloc : memref<!tpu.dma_semaphore, #tpu.memory_space<semaphore_mem>>
        %dma_start3A_213 = tpu.memref_slice %arg6[%mul3A_173] : memref<20000xi32, #tpu.memory_space<vmem>> -> memref<200xi32, #tpu.memory_space<vmem>>
        %dma_start3A_214 = arith.constant 0 : i32
        %dma_start3A_215 = arith.constant 0 : i32
        %dma_start3A_216 = tpu.memref_slice %arg9[%dma_start3A_214, %dma_start3A_215] : memref<10112x64xf32, #tpu.memory_space<vmem_shared>> -> memref<10112x64xf32, #tpu.memory_space<vmem_shared>>
        tpu.enqueue_indirect_dma source(%arg7 : memref<200x64xf32, #tpu.memory_space<vmem>>) target(%dma_start3A_216 : memref<10112x64xf32, #tpu.memory_space<vmem_shared>>) offsets(%dma_start3A_213 : memref<200xi32, #tpu.memory_space<vmem>>) semaphore(%run_scoped3A_212 : memref<!tpu.dma_semaphore, #tpu.memory_space<semaphore_mem>>) {add = true}
        %dma_wait3A_217 = tpu.memref_slice %arg6[%mul3A_173] : memref<20000xi32, #tpu.memory_space<vmem>> -> memref<200xi32, #tpu.memory_space<vmem>>
        %dma_wait3A_218 = arith.constant 0 : i32
        %dma_wait3A_219 = arith.constant 0 : i32
        %dma_wait3A_220 = tpu.memref_slice %arg9[%dma_wait3A_218, %dma_wait3A_219] : memref<10112x64xf32, #tpu.memory_space<vmem_shared>> -> memref<10112x64xf32, #tpu.memory_space<vmem_shared>>
        tpu.wait_indirect_dma semaphore(%run_scoped3A_212 : memref<!tpu.dma_semaphore, #tpu.memory_space<semaphore_mem>>) src(%arg7 : memref<200x64xf32, #tpu.memory_space<vmem>>) dst(%dma_wait3A_220 : memref<10112x64xf32, #tpu.memory_space<vmem_shared>>)
        tpu.yield
      }) : () -> ()
      %add3A_174 = arith.constant 2 : i32
      %add3A_175 = arith.addi %mul3A_160, %add3A_174 : i32
      %min3A = arith.constant 99 : i32
      %min3A_176 = arith.minsi %add3A_175, %min3A : i32
      %mul3A_177 = arith.constant 200 : i32
      %mul3A_178 = arith.muli %min3A_176, %mul3A_177 : i32
      %dma_start3A_179 = tpu.memref_slice %arg5[%mul3A_178] : memref<20000xi32, #tpu.memory_space<vmem>> -> memref<200xi32, #tpu.memory_space<vmem>>
      %dma_start3A_180 = arith.constant 0 : i32
      %dma_start3A_181 = arith.constant 0 : i32
      %dma_start3A_182 = tpu.memref_slice %arg3[%scan3A_126, %arg0, %dma_start3A_180, %dma_start3A_181] : memref<2x2x10000x64xf32, #tpu.memory_space<hbm>> -> memref<1x1x10000x64xf32, #tpu.memory_space<hbm>>
      %dma_start3A_183 = tpu.memref_squeeze %dma_start3A_182 : memref<1x1x10000x64xf32, #tpu.memory_space<hbm>> -> memref<10000x64xf32, #tpu.memory_space<hbm>>
      %dma_start3A_184 = arith.constant 0 : i32
      %dma_start3A_185 = arith.constant 0 : i32
      %dma_start3A_186 = tpu.memref_slice %dma_start3A_183[%dma_start3A_184, %dma_start3A_185] : memref<10000x64xf32, #tpu.memory_space<hbm>> -> memref<10000x64xf32, #tpu.memory_space<hbm>>
      tpu.enqueue_indirect_dma source(%dma_start3A_186 : memref<10000x64xf32, #tpu.memory_space<hbm>>) target(%arg7 : memref<200x64xf32, #tpu.memory_space<vmem>>) offsets(%dma_start3A_179 : memref<200xi32, #tpu.memory_space<vmem>>) semaphore(%arg10 : memref<!tpu.dma_semaphore, #tpu.memory_space<semaphore_mem>>)
      %dma_wait3A_187 = arith.constant 0 : i32
      %dma_wait3A_188 = tpu.memref_slice %arg5[%dma_wait3A_187] : memref<20000xi32, #tpu.memory_space<vmem>> -> memref<200xi32, #tpu.memory_space<vmem>>
      %dma_wait3A_189 = arith.constant 0 : i32
      %dma_wait3A_190 = arith.constant 0 : i32
      %dma_wait3A_191 = tpu.memref_slice %arg3[%scan3A_126, %arg0, %dma_wait3A_189, %dma_wait3A_190] : memref<2x2x10000x64xf32, #tpu.memory_space<hbm>> -> memref<1x1x10000x64xf32, #tpu.memory_space<hbm>>
      %dma_wait3A_192 = tpu.memref_squeeze %dma_wait3A_191 : memref<1x1x10000x64xf32, #tpu.memory_space<hbm>> -> memref<10000x64xf32, #tpu.memory_space<hbm>>
      %dma_wait3A_193 = arith.constant 0 : i32
      %dma_wait3A_194 = arith.constant 0 : i32
      %dma_wait3A_195 = tpu.memref_slice %dma_wait3A_192[%dma_wait3A_193, %dma_wait3A_194] : memref<10000x64xf32, #tpu.memory_space<hbm>> -> memref<10000x64xf32, #tpu.memory_space<hbm>>
      tpu.wait_indirect_dma semaphore(%arg11 : memref<!tpu.dma_semaphore, #tpu.memory_space<semaphore_mem>>) src(%dma_wait3A_195 : memref<10000x64xf32, #tpu.memory_space<hbm>>) dst(%arg8 : memref<200x64xf32, #tpu.memory_space<vmem>>)
      %mul3A_196 = arith.constant 200 : i32
      %mul3A_197 = arith.muli %add3A_162, %mul3A_196 : i32
      "tpu.region"() ({
        %run_scoped3A_212 = tpu.sem_alloc : memref<!tpu.dma_semaphore, #tpu.memory_space<semaphore_mem>>
        %dma_start3A_213 = tpu.memref_slice %arg6[%mul3A_197] : memref<20000xi32, #tpu.memory_space<vmem>> -> memref<200xi32, #tpu.memory_space<vmem>>
        %dma_start3A_214 = arith.constant 0 : i32
        %dma_start3A_215 = arith.constant 0 : i32
        %dma_start3A_216 = tpu.memref_slice %arg9[%dma_start3A_214, %dma_start3A_215] : memref<10112x64xf32, #tpu.memory_space<vmem_shared>> -> memref<10112x64xf32, #tpu.memory_space<vmem_shared>>
        tpu.enqueue_indirect_dma source(%arg8 : memref<200x64xf32, #tpu.memory_space<vmem>>) target(%dma_start3A_216 : memref<10112x64xf32, #tpu.memory_space<vmem_shared>>) offsets(%dma_start3A_213 : memref<200xi32, #tpu.memory_space<vmem>>) semaphore(%run_scoped3A_212 : memref<!tpu.dma_semaphore, #tpu.memory_space<semaphore_mem>>) {add = true}
        %dma_wait3A_217 = tpu.memref_slice %arg6[%mul3A_197] : memref<20000xi32, #tpu.memory_space<vmem>> -> memref<200xi32, #tpu.memory_space<vmem>>
        %dma_wait3A_218 = arith.constant 0 : i32
        %dma_wait3A_219 = arith.constant 0 : i32
        %dma_wait3A_220 = tpu.memref_slice %arg9[%dma_wait3A_218, %dma_wait3A_219] : memref<10112x64xf32, #tpu.memory_space<vmem_shared>> -> memref<10112x64xf32, #tpu.memory_space<vmem_shared>>
        tpu.wait_indirect_dma semaphore(%run_scoped3A_212 : memref<!tpu.dma_semaphore, #tpu.memory_space<semaphore_mem>>) src(%arg8 : memref<200x64xf32, #tpu.memory_space<vmem>>) dst(%dma_wait3A_220 : memref<10112x64xf32, #tpu.memory_space<vmem_shared>>)
        tpu.yield
      }) : () -> ()
      %add3A_198 = arith.constant 2 : i32
      %add3A_199 = arith.addi %add3A_162, %add3A_198 : i32
      %min3A_200 = arith.constant 99 : i32
      %min3A_201 = arith.minsi %add3A_199, %min3A_200 : i32
      %mul3A_202 = arith.constant 200 : i32
      %mul3A_203 = arith.muli %min3A_201, %mul3A_202 : i32
      %dma_start3A_204 = tpu.memref_slice %arg5[%mul3A_203] : memref<20000xi32, #tpu.memory_space<vmem>> -> memref<200xi32, #tpu.memory_space<vmem>>
      %dma_start3A_205 = arith.constant 0 : i32
      %dma_start3A_206 = arith.constant 0 : i32
      %dma_start3A_207 = tpu.memref_slice %arg3[%scan3A_126, %arg0, %dma_start3A_205, %dma_start3A_206] : memref<2x2x10000x64xf32, #tpu.memory_space<hbm>> -> memref<1x1x10000x64xf32, #tpu.memory_space<hbm>>
      %dma_start3A_208 = tpu.memref_squeeze %dma_start3A_207 : memref<1x1x10000x64xf32, #tpu.memory_space<hbm>> -> memref<10000x64xf32, #tpu.memory_space<hbm>>
      %dma_start3A_209 = arith.constant 0 : i32
      %dma_start3A_210 = arith.constant 0 : i32
      %dma_start3A_211 = tpu.memref_slice %dma_start3A_208[%dma_start3A_209, %dma_start3A_210] : memref<10000x64xf32, #tpu.memory_space<hbm>> -> memref<10000x64xf32, #tpu.memory_space<hbm>>
      tpu.enqueue_indirect_dma source(%dma_start3A_211 : memref<10000x64xf32, #tpu.memory_space<hbm>>) target(%arg8 : memref<200x64xf32, #tpu.memory_space<vmem>>) offsets(%dma_start3A_204 : memref<200xi32, #tpu.memory_space<vmem>>) semaphore(%arg11 : memref<!tpu.dma_semaphore, #tpu.memory_space<semaphore_mem>>)
    }
    %scan3A_131 = arith.constant 50 : i32
    %dma_wait3A_132 = arith.constant 1 : i32
    %dma_wait3A_133 = arith.constant 0 : i32
    %dma_wait3A_134 = tpu.memref_slice %arg5[%dma_wait3A_133] : memref<20000xi32, #tpu.memory_space<vmem>> -> memref<200xi32, #tpu.memory_space<vmem>>
    %dma_wait3A_135 = arith.constant 0 : i32
    %dma_wait3A_136 = arith.constant 0 : i32
    %dma_wait3A_137 = tpu.memref_slice %arg3[%dma_wait3A_132, %arg0, %dma_wait3A_135, %dma_wait3A_136] : memref<2x2x10000x64xf32, #tpu.memory_space<hbm>> -> memref<1x1x10000x64xf32, #tpu.memory_space<hbm>>
    %dma_wait3A_138 = tpu.memref_squeeze %dma_wait3A_137 : memref<1x1x10000x64xf32, #tpu.memory_space<hbm>> -> memref<10000x64xf32, #tpu.memory_space<hbm>>
    %dma_wait3A_139 = arith.constant 0 : i32
    %dma_wait3A_140 = arith.constant 0 : i32
    %dma_wait3A_141 = tpu.memref_slice %dma_wait3A_138[%dma_wait3A_139, %dma_wait3A_140] : memref<10000x64xf32, #tpu.memory_space<hbm>> -> memref<10000x64xf32, #tpu.memory_space<hbm>>
    tpu.wait_indirect_dma semaphore(%arg10 : memref<!tpu.dma_semaphore, #tpu.memory_space<semaphore_mem>>) src(%dma_wait3A_141 : memref<10000x64xf32, #tpu.memory_space<hbm>>) dst(%arg7 : memref<200x64xf32, #tpu.memory_space<vmem>>)
    %dma_wait3A_142 = arith.constant 1 : i32
    %dma_wait3A_143 = arith.constant 0 : i32
    %dma_wait3A_144 = tpu.memref_slice %arg5[%dma_wait3A_143] : memref<20000xi32, #tpu.memory_space<vmem>> -> memref<200xi32, #tpu.memory_space<vmem>>
    %dma_wait3A_145 = arith.constant 0 : i32
    %dma_wait3A_146 = arith.constant 0 : i32
    %dma_wait3A_147 = tpu.memref_slice %arg3[%dma_wait3A_142, %arg0, %dma_wait3A_145, %dma_wait3A_146] : memref<2x2x10000x64xf32, #tpu.memory_space<hbm>> -> memref<1x1x10000x64xf32, #tpu.memory_space<hbm>>
    %dma_wait3A_148 = tpu.memref_squeeze %dma_wait3A_147 : memref<1x1x10000x64xf32, #tpu.memory_space<hbm>> -> memref<10000x64xf32, #tpu.memory_space<hbm>>
    %dma_wait3A_149 = arith.constant 0 : i32
    %dma_wait3A_150 = arith.constant 0 : i32
    %dma_wait3A_151 = tpu.memref_slice %dma_wait3A_148[%dma_wait3A_149, %dma_wait3A_150] : memref<10000x64xf32, #tpu.memory_space<hbm>> -> memref<10000x64xf32, #tpu.memory_space<hbm>>
    tpu.wait_indirect_dma semaphore(%arg11 : memref<!tpu.dma_semaphore, #tpu.memory_space<semaphore_mem>>) src(%dma_wait3A_151 : memref<10000x64xf32, #tpu.memory_space<hbm>>) dst(%arg8 : memref<200x64xf32, #tpu.memory_space<vmem>>)
    %barrier3A_152 = arith.constant 0 : index
    tpu.barrier barrier_id(%barrier3A_152)
    %mul3A_153 = arith.constant 632 : i32
    %mul3A_154 = arith.muli %arg1, %mul3A_153 : i32
    %mul3A_155 = arith.constant 632 : i32
    %mul3A_156 = arith.muli %arg1, %mul3A_155 : i32
    %run_scoped3A_157 = arith.constant 1 : i32
    "tpu.region"() ({
      %run_scoped3A_158 = tpu.sem_alloc : memref<!tpu.dma_semaphore, #tpu.memory_space<semaphore_mem>>
      %dma_start3A_159 = arith.constant 0 : i32
      %dma_start3A_160 = tpu.memref_slice %arg4[%run_scoped3A_157, %arg0, %mul3A_156, %dma_start3A_159] : memref<2x2x10112x64xf32, #tpu.memory_space<hbm>> -> memref<1x1x632x64xf32, #tpu.memory_space<hbm>>
      %dma_start3A_161 = tpu.memref_squeeze %dma_start3A_160 : memref<1x1x632x64xf32, #tpu.memory_space<hbm>> -> memref<632x64xf32, #tpu.memory_space<hbm>>
      %dma_start3A_162 = arith.constant 0 : i32
      %dma_start3A_163 = tpu.memref_slice %arg9[%mul3A_154, %dma_start3A_162] : memref<10112x64xf32, #tpu.memory_space<vmem_shared>> -> memref<632x64xf32, #tpu.memory_space<vmem_shared>>
      tpu.enqueue_dma source(%dma_start3A_163 : memref<632x64xf32, #tpu.memory_space<vmem_shared>>) target(%dma_start3A_161 : memref<632x64xf32, #tpu.memory_space<hbm>>) target_semaphore(%run_scoped3A_158 : memref<!tpu.dma_semaphore, #tpu.memory_space<semaphore_mem>>)
      %dma_wait3A_164 = arith.constant 0 : i32
      %dma_wait3A_165 = tpu.memref_slice %arg4[%run_scoped3A_157, %arg0, %mul3A_156, %dma_wait3A_164] : memref<2x2x10112x64xf32, #tpu.memory_space<hbm>> -> memref<1x1x632x64xf32, #tpu.memory_space<hbm>>
      %dma_wait3A_166 = tpu.memref_squeeze %dma_wait3A_165 : memref<1x1x632x64xf32, #tpu.memory_space<hbm>> -> memref<632x64xf32, #tpu.memory_space<hbm>>
      %dma_wait3A_167 = arith.constant 0 : i32
      %dma_wait3A_168 = tpu.memref_slice %arg9[%mul3A_154, %dma_wait3A_167] : memref<10112x64xf32, #tpu.memory_space<vmem_shared>> -> memref<632x64xf32, #tpu.memory_space<vmem_shared>>
      tpu.wait_dma2 semaphore(%run_scoped3A_158 : memref<!tpu.dma_semaphore, #tpu.memory_space<semaphore_mem>>) src(%dma_wait3A_168 : memref<632x64xf32, #tpu.memory_space<vmem_shared>>) dst(%dma_wait3A_166 : memref<632x64xf32, #tpu.memory_space<hbm>>)
      tpu.yield
    }) : () -> ()
    return
  }
}

module attributes {stable_mosaic.version = 14 : i64} {
  func.func @_tc1_body(%arg0: i32, %arg1: memref<2x1000x16xf32, #tpu.memory_space<vmem>>, %arg2: memref<1000x128xf32, #tpu.memory_space<vmem>>, %arg3: memref<128x128xf32, #tpu.memory_space<vmem>>, %arg4: memref<128x128xf32, #tpu.memory_space<vmem>>, %arg5: memref<2x2x1000x64xf32, #tpu.memory_space<vmem>>, %arg6: memref<2x1000x1xf32, #tpu.memory_space<vmem>>) attributes {dimension_semantics = [#tpu.dimension_semantics<arbitrary>], iteration_bounds = array<i64: 10>, scalar_prefetch = 0 : i64, scratch_operands = 0 : i64, tpu.core_type = #tpu.core_type<tc>, window_params = [{transform_indices = @transform_0, window_bounds = array<i64: 2, 1000, 16>}, {transform_indices = @transform_1, window_bounds = array<i64: 1000, 128>}, {pipeline_mode = #tpu.pipeline_mode<synchronous>, transform_indices = @transform_2, window_bounds = array<i64: 128, 128>}, {pipeline_mode = #tpu.pipeline_mode<synchronous>, transform_indices = @transform_3, window_bounds = array<i64: 128, 128>}, {transform_indices = @transform_4, window_bounds = array<i64: 2, 2, 1000, 64>}, {transform_indices = @transform_5, window_bounds = array<i64: 2, 1000, 1>}]} {
    %get3A = arith.constant 0 : index
    %get3A_0 = arith.constant 0 : index
    %get3A_1 = arith.constant 0 : index
    %get3A_2 = vector.load %arg1[%get3A, %get3A_0, %get3A_1] : memref<2x1000x16xf32, #tpu.memory_space<vmem>>, vector<2x1000x16xf32>
    %reduce_sum3A = arith.constant dense<0.000000e+00> : vector<2x1000xf32>
    %reduce_sum3A_3 = vector.multi_reduction <add>, %get3A_2, %reduce_sum3A [2] : vector<2x1000x16xf32> to vector<2x1000xf32>
    %add3A = arith.constant 1.000000e+00 : f32
    %add3A_4 = vector.broadcast %add3A : f32 to vector<2x1000xf32>
    %add3A_5 = arith.addf %reduce_sum3A_3, %add3A_4 : vector<2x1000xf32>
    %rsqrt3A = math.rsqrt %add3A_5 : vector<2x1000xf32>
    %broadcast_in_dim3A = vector.shape_cast %rsqrt3A : vector<2x1000xf32> to vector<2x1000x1xf32>
    %swap3A = arith.constant 0 : index
    %swap3A_6 = arith.constant 0 : index
    %swap3A_7 = arith.constant 0 : index
    %swap3A_8 = vector.load %arg6[%swap3A, %swap3A_6, %swap3A_7] : memref<2x1000x1xf32, #tpu.memory_space<vmem>>, vector<2x1000x1xf32>
    tpu.vector_store %arg6[%swap3A, %swap3A_6, %swap3A_7], %broadcast_in_dim3A {strides = array<i32>} : memref<2x1000x1xf32, #tpu.memory_space<vmem>>, vector<2x1000x1xf32>,
    %get3A_9 = arith.constant 0 : index
    %get3A_10 = arith.constant 0 : index
    %get3A_11 = vector.load %arg2[%get3A_9, %get3A_10] : memref<1000x128xf32, #tpu.memory_space<vmem>>, vector<1000x128xf32>
    %slice3A = vector.extract_strided_slice %broadcast_in_dim3A {offsets = [0, 0, 0], sizes = [1, 1000, 1], strides = [1, 1, 1]} : vector<2x1000x1xf32> to vector<1x1000x1xf32>
    %squeeze3A = vector.shape_cast %slice3A : vector<1x1000x1xf32> to vector<1000x1xf32>
    %get3A_12 = arith.constant 0 : index
    %get3A_13 = arith.constant 0 : index
    %get3A_14 = vector.load %arg3[%get3A_12, %get3A_13] : memref<128x128xf32, #tpu.memory_space<vmem>>, vector<128x128xf32>
    %dot_general3A = arith.constant dense<0.000000e+00> : vector<1000x128xf32>
    %dot_general3A_15 = tpu.matmul %get3A_11, %get3A_14, %dot_general3A {dimension_numbers = #tpu.dot_dimension_numbers<[1], [0], [0], [1], [0, 0, 1, 1], [], []>, transpose_lhs_hint = false} : vector<1000x128xf32>, vector<128x128xf32>, vector<1000x128xf32> -> vector<1000x128xf32>
    %mul3A = vector.broadcast %squeeze3A : vector<1000x1xf32> to vector<1000x128xf32>
    %mul3A_16 = arith.mulf %mul3A, %dot_general3A_15 : vector<1000x128xf32>
    %slice3A_17 = vector.extract_strided_slice %broadcast_in_dim3A {offsets = [1, 0, 0], sizes = [1, 1000, 1], strides = [1, 1, 1]} : vector<2x1000x1xf32> to vector<1x1000x1xf32>
    %squeeze3A_18 = vector.shape_cast %slice3A_17 : vector<1x1000x1xf32> to vector<1000x1xf32>
    %get3A_19 = arith.constant 0 : index
    %get3A_20 = arith.constant 0 : index
    %get3A_21 = vector.load %arg4[%get3A_19, %get3A_20] : memref<128x128xf32, #tpu.memory_space<vmem>>, vector<128x128xf32>
    %dot_general3A_22 = arith.constant dense<0.000000e+00> : vector<1000x128xf32>
    %dot_general3A_23 = tpu.matmul %get3A_11, %get3A_21, %dot_general3A_22 {dimension_numbers = #tpu.dot_dimension_numbers<[1], [0], [0], [1], [0, 0, 1, 1], [], []>, transpose_lhs_hint = false} : vector<1000x128xf32>, vector<128x128xf32>, vector<1000x128xf32> -> vector<1000x128xf32>
    %mul3A_24 = vector.broadcast %squeeze3A_18 : vector<1000x1xf32> to vector<1000x128xf32>
    %mul3A_25 = arith.mulf %mul3A_24, %dot_general3A_23 : vector<1000x128xf32>
    %slice3A_26 = vector.extract_strided_slice %mul3A_16 {offsets = [0, 0], sizes = [1000, 64], strides = [1, 1]} : vector<1000x128xf32> to vector<1000x64xf32>
    %slice3A_27 = vector.extract_strided_slice %mul3A_16 {offsets = [0, 64], sizes = [1000, 64], strides = [1, 1]} : vector<1000x128xf32> to vector<1000x64xf32>
    %stack3A = vector.shape_cast %slice3A_26 : vector<1000x64xf32> to vector<1x1000x64xf32>
    %stack3A_28 = vector.shape_cast %slice3A_27 : vector<1000x64xf32> to vector<1x1000x64xf32>
    %stack3A_29 = tpu.concatenate %stack3A, %stack3A_28 in 0 : vector<1x1000x64xf32>, vector<1x1000x64xf32> -> vector<2x1000x64xf32>
    %slice3A_30 = vector.extract_strided_slice %mul3A_25 {offsets = [0, 0], sizes = [1000, 64], strides = [1, 1]} : vector<1000x128xf32> to vector<1000x64xf32>
    %slice3A_31 = vector.extract_strided_slice %mul3A_25 {offsets = [0, 64], sizes = [1000, 64], strides = [1, 1]} : vector<1000x128xf32> to vector<1000x64xf32>
    %stack3A_32 = vector.shape_cast %slice3A_30 : vector<1000x64xf32> to vector<1x1000x64xf32>
    %stack3A_33 = vector.shape_cast %slice3A_31 : vector<1000x64xf32> to vector<1x1000x64xf32>
    %stack3A_34 = tpu.concatenate %stack3A_32, %stack3A_33 in 0 : vector<1x1000x64xf32>, vector<1x1000x64xf32> -> vector<2x1000x64xf32>
    %stack3A_35 = vector.shape_cast %stack3A_29 : vector<2x1000x64xf32> to vector<1x2x1000x64xf32>
    %stack3A_36 = vector.shape_cast %stack3A_34 : vector<2x1000x64xf32> to vector<1x2x1000x64xf32>
    %stack3A_37 = tpu.concatenate %stack3A_35, %stack3A_36 in 0 : vector<1x2x1000x64xf32>, vector<1x2x1000x64xf32> -> vector<2x2x1000x64xf32>
    %swap3A_38 = arith.constant 0 : index
    %swap3A_39 = arith.constant 0 : index
    %swap3A_40 = arith.constant 0 : index
    %swap3A_41 = arith.constant 0 : index
    %swap3A_42 = vector.load %arg5[%swap3A_38, %swap3A_39, %swap3A_40, %swap3A_41] : memref<2x2x1000x64xf32, #tpu.memory_space<vmem>>, vector<2x2x1000x64xf32>
    tpu.vector_store %arg5[%swap3A_38, %swap3A_39, %swap3A_40, %swap3A_41], %stack3A_37 {strides = array<i32>} : memref<2x2x1000x64xf32, #tpu.memory_space<vmem>>, vector<2x2x1000x64xf32>,
    return
  }
  func.func @transform_0(%arg0: i32) -> (i32, i32, i32) {
    %c0_i32 = arith.constant 0 : i32
    %c0_i32_0 = arith.constant 0 : i32
    %c0_i32_1 = arith.constant 0 : i32
    return %c0_i32, %arg0, %c0_i32_0 : i32, i32, i32
  }
  func.func @transform_1(%arg0: i32) -> (i32, i32) {
    %c0_i32 = arith.constant 0 : i32
    %c0_i32_0 = arith.constant 0 : i32
    return %arg0, %c0_i32 : i32, i32
  }
  func.func @transform_2(%arg0: i32) -> (i32, i32) {
    %c0_i32 = arith.constant 0 : i32
    %c0_i32_0 = arith.constant 0 : i32
    %c0_i32_1 = arith.constant 0 : i32
    return %c0_i32, %c0_i32_0 : i32, i32
  }
  func.func @transform_3(%arg0: i32) -> (i32, i32) {
    %c0_i32 = arith.constant 0 : i32
    %c0_i32_0 = arith.constant 0 : i32
    %c0_i32_1 = arith.constant 0 : i32
    return %c0_i32, %c0_i32_0 : i32, i32
  }
  func.func @transform_4(%arg0: i32) -> (i32, i32, i32, i32) {
    %c0_i32 = arith.constant 0 : i32
    %c0_i32_0 = arith.constant 0 : i32
    %c0_i32_1 = arith.constant 0 : i32
    %c0_i32_2 = arith.constant 0 : i32
    return %c0_i32, %c0_i32_0, %arg0, %c0_i32_1 : i32, i32, i32, i32
  }
  func.func @transform_5(%arg0: i32) -> (i32, i32, i32) {
    %c0_i32 = arith.constant 0 : i32
    %c0_i32_0 = arith.constant 0 : i32
    %c0_i32_1 = arith.constant 0 : i32
    return %c0_i32, %arg0, %c0_i32_0 : i32, i32, i32
  }
}

module attributes {stable_mosaic.version = 14 : i64} {
  func.func @_tc2_body(%arg0: i32, %arg1: memref<2x2x1000x64xf32, #tpu.memory_space<vmem>>, %arg2: memref<2x2x1000x64xf32, #tpu.memory_space<vmem>>, %arg3: memref<2x1000x1xf32, #tpu.memory_space<vmem>>, %arg4: memref<2x1x128xf32, #tpu.memory_space<vmem>>, %arg5: memref<128x64xf32, #tpu.memory_space<vmem>>, %arg6: memref<128x64xf32, #tpu.memory_space<vmem>>, %arg7: memref<2x1000x64xf32, #tpu.memory_space<vmem>>) attributes {dimension_semantics = [#tpu.dimension_semantics<arbitrary>], iteration_bounds = array<i64: 10>, scalar_prefetch = 0 : i64, scratch_operands = 0 : i64, tpu.core_type = #tpu.core_type<tc>, window_params = [{transform_indices = @transform_0, window_bounds = array<i64: 2, 2, 1000, 64>}, {transform_indices = @transform_1, window_bounds = array<i64: 2, 2, 1000, 64>}, {transform_indices = @transform_2, window_bounds = array<i64: 2, 1000, 1>}, {pipeline_mode = #tpu.pipeline_mode<synchronous>, transform_indices = @transform_3, window_bounds = array<i64: 2, 1, 128>}, {pipeline_mode = #tpu.pipeline_mode<synchronous>, transform_indices = @transform_4, window_bounds = array<i64: 128, 64>}, {pipeline_mode = #tpu.pipeline_mode<synchronous>, transform_indices = @transform_5, window_bounds = array<i64: 128, 64>}, {transform_indices = @transform_6, window_bounds = array<i64: 2, 1000, 64>}]} {
    %get3A = arith.constant 0 : index
    %get3A_0 = arith.constant 0 : index
    %get3A_1 = arith.constant 0 : index
    %get3A_2 = vector.load %arg3[%get3A, %get3A_0, %get3A_1] : memref<2x1000x1xf32, #tpu.memory_space<vmem>>, vector<2x1000x1xf32>
    %get3A_3 = arith.constant 0 : index
    %get3A_4 = arith.constant 0 : index
    %get3A_5 = arith.constant 0 : index
    %get3A_6 = arith.constant 0 : index
    %get3A_7 = vector.load %arg1[%get3A_3, %get3A_4, %get3A_5, %get3A_6] : memref<2x2x1000x64xf32, #tpu.memory_space<vmem>>, vector<1x1x1000x64xf32>
    %get3A_8 = vector.shape_cast %get3A_7 : vector<1x1x1000x64xf32> to vector<1000x64xf32>
    %get3A_9 = arith.constant 0 : index
    %get3A_10 = arith.constant 1 : index
    %get3A_11 = arith.constant 0 : index
    %get3A_12 = arith.constant 0 : index
    %get3A_13 = vector.load %arg1[%get3A_9, %get3A_10, %get3A_11, %get3A_12] : memref<2x2x1000x64xf32, #tpu.memory_space<vmem>>, vector<1x1x1000x64xf32>
    %get3A_14 = vector.shape_cast %get3A_13 : vector<1x1x1000x64xf32> to vector<1000x64xf32>
    %concatenate3A = tpu.concatenate %get3A_8, %get3A_14 in 1 : vector<1000x64xf32>, vector<1000x64xf32> -> vector<1000x128xf32>
    %get3A_15 = arith.constant 1 : index
    %get3A_16 = arith.constant 0 : index
    %get3A_17 = arith.constant 0 : index
    %get3A_18 = arith.constant 0 : index
    %get3A_19 = vector.load %arg1[%get3A_15, %get3A_16, %get3A_17, %get3A_18] : memref<2x2x1000x64xf32, #tpu.memory_space<vmem>>, vector<1x1x1000x64xf32>
    %get3A_20 = vector.shape_cast %get3A_19 : vector<1x1x1000x64xf32> to vector<1000x64xf32>
    %get3A_21 = arith.constant 1 : index
    %get3A_22 = arith.constant 1 : index
    %get3A_23 = arith.constant 0 : index
    %get3A_24 = arith.constant 0 : index
    %get3A_25 = vector.load %arg1[%get3A_21, %get3A_22, %get3A_23, %get3A_24] : memref<2x2x1000x64xf32, #tpu.memory_space<vmem>>, vector<1x1x1000x64xf32>
    %get3A_26 = vector.shape_cast %get3A_25 : vector<1x1x1000x64xf32> to vector<1000x64xf32>
    %concatenate3A_27 = tpu.concatenate %get3A_20, %get3A_26 in 1 : vector<1000x64xf32>, vector<1000x64xf32> -> vector<1000x128xf32>
    %get3A_28 = arith.constant 0 : index
    %get3A_29 = arith.constant 0 : index
    %get3A_30 = arith.constant 0 : index
    %get3A_31 = arith.constant 0 : index
    %get3A_32 = vector.load %arg2[%get3A_28, %get3A_29, %get3A_30, %get3A_31] : memref<2x2x1000x64xf32, #tpu.memory_space<vmem>>, vector<1x1x1000x64xf32>
    %get3A_33 = vector.shape_cast %get3A_32 : vector<1x1x1000x64xf32> to vector<1000x64xf32>
    %get3A_34 = arith.constant 0 : index
    %get3A_35 = arith.constant 1 : index
    %get3A_36 = arith.constant 0 : index
    %get3A_37 = arith.constant 0 : index
    %get3A_38 = vector.load %arg2[%get3A_34, %get3A_35, %get3A_36, %get3A_37] : memref<2x2x1000x64xf32, #tpu.memory_space<vmem>>, vector<1x1x1000x64xf32>
    %get3A_39 = vector.shape_cast %get3A_38 : vector<1x1x1000x64xf32> to vector<1000x64xf32>
    %concatenate3A_40 = tpu.concatenate %get3A_33, %get3A_39 in 1 : vector<1000x64xf32>, vector<1000x64xf32> -> vector<1000x128xf32>
    %get3A_41 = arith.constant 1 : index
    %get3A_42 = arith.constant 0 : index
    %get3A_43 = arith.constant 0 : index
    %get3A_44 = arith.constant 0 : index
    %get3A_45 = vector.load %arg2[%get3A_41, %get3A_42, %get3A_43, %get3A_44] : memref<2x2x1000x64xf32, #tpu.memory_space<vmem>>, vector<1x1x1000x64xf32>
    %get3A_46 = vector.shape_cast %get3A_45 : vector<1x1x1000x64xf32> to vector<1000x64xf32>
    %get3A_47 = arith.constant 1 : index
    %get3A_48 = arith.constant 1 : index
    %get3A_49 = arith.constant 0 : index
    %get3A_50 = arith.constant 0 : index
    %get3A_51 = vector.load %arg2[%get3A_47, %get3A_48, %get3A_49, %get3A_50] : memref<2x2x1000x64xf32, #tpu.memory_space<vmem>>, vector<1x1x1000x64xf32>
    %get3A_52 = vector.shape_cast %get3A_51 : vector<1x1x1000x64xf32> to vector<1000x64xf32>
    %concatenate3A_53 = tpu.concatenate %get3A_46, %get3A_52 in 1 : vector<1000x64xf32>, vector<1000x64xf32> -> vector<1000x128xf32>
    %slice3A = vector.extract_strided_slice %get3A_2 {offsets = [0, 0, 0], sizes = [1, 1000, 1], strides = [1, 1, 1]} : vector<2x1000x1xf32> to vector<1x1000x1xf32>
    %squeeze3A = vector.shape_cast %slice3A : vector<1x1000x1xf32> to vector<1000x1xf32>
    %add3A = arith.addf %concatenate3A, %concatenate3A_40 : vector<1000x128xf32>
    %mul3A = vector.broadcast %squeeze3A : vector<1000x1xf32> to vector<1000x128xf32>
    %mul3A_54 = arith.mulf %mul3A, %add3A : vector<1000x128xf32>
    %get3A_55 = arith.constant 0 : index
    %get3A_56 = arith.constant 0 : index
    %get3A_57 = arith.constant 0 : index
    %get3A_58 = vector.load %arg4[%get3A_55, %get3A_56, %get3A_57] : memref<2x1x128xf32, #tpu.memory_space<vmem>>, vector<1x1x128xf32>
    %get3A_59 = vector.shape_cast %get3A_58 : vector<1x1x128xf32> to vector<1x128xf32>
    %add3A_60 = vector.broadcast %get3A_59 : vector<1x128xf32> to vector<1000x128xf32>
    %add3A_61 = arith.addf %mul3A_54, %add3A_60 : vector<1000x128xf32>
    %max3A = arith.constant 0.000000e+00 : f32
    %max3A_62 = vector.broadcast %max3A : f32 to vector<1000x128xf32>
    %max3A_63 = arith.maximumf %add3A_61, %max3A_62 : vector<1000x128xf32>
    %slice3A_64 = vector.extract_strided_slice %get3A_2 {offsets = [1, 0, 0], sizes = [1, 1000, 1], strides = [1, 1, 1]} : vector<2x1000x1xf32> to vector<1x1000x1xf32>
    %squeeze3A_65 = vector.shape_cast %slice3A_64 : vector<1x1000x1xf32> to vector<1000x1xf32>
    %add3A_66 = arith.addf %concatenate3A_27, %concatenate3A_53 : vector<1000x128xf32>
    %mul3A_67 = vector.broadcast %squeeze3A_65 : vector<1000x1xf32> to vector<1000x128xf32>
    %mul3A_68 = arith.mulf %mul3A_67, %add3A_66 : vector<1000x128xf32>
    %get3A_69 = arith.constant 1 : index
    %get3A_70 = arith.constant 0 : index
    %get3A_71 = arith.constant 0 : index
    %get3A_72 = vector.load %arg4[%get3A_69, %get3A_70, %get3A_71] : memref<2x1x128xf32, #tpu.memory_space<vmem>>, vector<1x1x128xf32>
    %get3A_73 = vector.shape_cast %get3A_72 : vector<1x1x128xf32> to vector<1x128xf32>
    %add3A_74 = vector.broadcast %get3A_73 : vector<1x128xf32> to vector<1000x128xf32>
    %add3A_75 = arith.addf %mul3A_68, %add3A_74 : vector<1000x128xf32>
    %max3A_76 = arith.constant 0.000000e+00 : f32
    %max3A_77 = vector.broadcast %max3A_76 : f32 to vector<1000x128xf32>
    %max3A_78 = arith.maximumf %add3A_75, %max3A_77 : vector<1000x128xf32>
    %get3A_79 = arith.constant 0 : index
    %get3A_80 = arith.constant 0 : index
    %get3A_81 = vector.load %arg5[%get3A_79, %get3A_80] : memref<128x64xf32, #tpu.memory_space<vmem>>, vector<128x64xf32>
    %dot_general3A = arith.constant dense<0.000000e+00> : vector<1000x64xf32>
    %dot_general3A_82 = tpu.matmul %max3A_63, %get3A_81, %dot_general3A {dimension_numbers = #tpu.dot_dimension_numbers<[1], [0], [0], [1], [0, 0, 1, 1], [], []>, transpose_lhs_hint = false} : vector<1000x128xf32>, vector<128x64xf32>, vector<1000x64xf32> -> vector<1000x64xf32>
    %get3A_83 = arith.constant 0 : index
    %get3A_84 = arith.constant 0 : index
    %get3A_85 = vector.load %arg6[%get3A_83, %get3A_84] : memref<128x64xf32, #tpu.memory_space<vmem>>, vector<128x64xf32>
    %dot_general3A_86 = arith.constant dense<0.000000e+00> : vector<1000x64xf32>
    %dot_general3A_87 = tpu.matmul %max3A_78, %get3A_85, %dot_general3A_86 {dimension_numbers = #tpu.dot_dimension_numbers<[1], [0], [0], [1], [0, 0, 1, 1], [], []>, transpose_lhs_hint = false} : vector<1000x128xf32>, vector<128x64xf32>, vector<1000x64xf32> -> vector<1000x64xf32>
    %slice3A_88 = vector.extract_strided_slice %get3A_2 {offsets = [0, 0, 0], sizes = [1, 1000, 1], strides = [1, 1, 1]} : vector<2x1000x1xf32> to vector<1x1000x1xf32>
    %squeeze3A_89 = vector.shape_cast %slice3A_88 : vector<1x1000x1xf32> to vector<1000x1xf32>
    %mul3A_90 = vector.broadcast %squeeze3A_89 : vector<1000x1xf32> to vector<1000x64xf32>
    %mul3A_91 = arith.mulf %mul3A_90, %dot_general3A_82 : vector<1000x64xf32>
    %slice3A_92 = vector.extract_strided_slice %get3A_2 {offsets = [1, 0, 0], sizes = [1, 1000, 1], strides = [1, 1, 1]} : vector<2x1000x1xf32> to vector<1x1000x1xf32>
    %squeeze3A_93 = vector.shape_cast %slice3A_92 : vector<1x1000x1xf32> to vector<1000x1xf32>
    %mul3A_94 = vector.broadcast %squeeze3A_93 : vector<1000x1xf32> to vector<1000x64xf32>
    %mul3A_95 = arith.mulf %mul3A_94, %dot_general3A_87 : vector<1000x64xf32>
    %stack3A = vector.shape_cast %mul3A_91 : vector<1000x64xf32> to vector<1x1000x64xf32>
    %stack3A_96 = vector.shape_cast %mul3A_95 : vector<1000x64xf32> to vector<1x1000x64xf32>
    %stack3A_97 = tpu.concatenate %stack3A, %stack3A_96 in 0 : vector<1x1000x64xf32>, vector<1x1000x64xf32> -> vector<2x1000x64xf32>
    %swap3A = arith.constant 0 : index
    %swap3A_98 = arith.constant 0 : index
    %swap3A_99 = arith.constant 0 : index
    %swap3A_100 = vector.load %arg7[%swap3A, %swap3A_98, %swap3A_99] : memref<2x1000x64xf32, #tpu.memory_space<vmem>>, vector<2x1000x64xf32>
    tpu.vector_store %arg7[%swap3A, %swap3A_98, %swap3A_99], %stack3A_97 {strides = array<i32>} : memref<2x1000x64xf32, #tpu.memory_space<vmem>>, vector<2x1000x64xf32>,
    return
  }
  func.func @transform_0(%arg0: i32) -> (i32, i32, i32, i32) {
    %c0_i32 = arith.constant 0 : i32
    %c0_i32_0 = arith.constant 0 : i32
    %c0_i32_1 = arith.constant 0 : i32
    %c0_i32_2 = arith.constant 0 : i32
    return %c0_i32, %c0_i32_0, %arg0, %c0_i32_1 : i32, i32, i32, i32
  }
  func.func @transform_1(%arg0: i32) -> (i32, i32, i32, i32) {
    %c0_i32 = arith.constant 0 : i32
    %c0_i32_0 = arith.constant 0 : i32
    %c0_i32_1 = arith.constant 0 : i32
    %c0_i32_2 = arith.constant 0 : i32
    return %c0_i32, %c0_i32_0, %arg0, %c0_i32_1 : i32, i32, i32, i32
  }
  func.func @transform_2(%arg0: i32) -> (i32, i32, i32) {
    %c0_i32 = arith.constant 0 : i32
    %c0_i32_0 = arith.constant 0 : i32
    %c0_i32_1 = arith.constant 0 : i32
    return %c0_i32, %arg0, %c0_i32_0 : i32, i32, i32
  }
  func.func @transform_3(%arg0: i32) -> (i32, i32, i32) {
    %c0_i32 = arith.constant 0 : i32
    %c0_i32_0 = arith.constant 0 : i32
    %c0_i32_1 = arith.constant 0 : i32
    %c0_i32_2 = arith.constant 0 : i32
    return %c0_i32, %c0_i32_0, %c0_i32_1 : i32, i32, i32
  }
  func.func @transform_4(%arg0: i32) -> (i32, i32) {
    %c0_i32 = arith.constant 0 : i32
    %c0_i32_0 = arith.constant 0 : i32
    %c0_i32_1 = arith.constant 0 : i32
    return %c0_i32, %c0_i32_0 : i32, i32
  }
  func.func @transform_5(%arg0: i32) -> (i32, i32) {
    %c0_i32 = arith.constant 0 : i32
    %c0_i32_0 = arith.constant 0 : i32
    %c0_i32_1 = arith.constant 0 : i32
    return %c0_i32, %c0_i32_0 : i32, i32
  }
  func.func @transform_6(%arg0: i32) -> (i32, i32, i32) {
    %c0_i32 = arith.constant 0 : i32
    %c0_i32_0 = arith.constant 0 : i32
    %c0_i32_1 = arith.constant 0 : i32
    return %c0_i32, %arg0, %c0_i32_0 : i32, i32, i32
  }
}

module attributes {stable_mosaic.version = 14 : i64} {
  func.func @_tc3_body(%arg0: i32, %arg1: memref<2x1000x64xf32, #tpu.memory_space<vmem>>, %arg2: memref<2x1000x64xf32, #tpu.memory_space<vmem>>, %arg3: memref<2x1000x1xf32, #tpu.memory_space<vmem>>, %arg4: memref<2x1x64xf32, #tpu.memory_space<vmem>>, %arg5: memref<1000x64xf32, #tpu.memory_space<vmem>>, %arg6: memref<1000x64xf32, #tpu.memory_space<vmem>>, %arg7: memref<1000x64xf32, #tpu.memory_space<vmem>>) attributes {dimension_semantics = [#tpu.dimension_semantics<arbitrary>], iteration_bounds = array<i64: 10>, scalar_prefetch = 0 : i64, scratch_operands = 0 : i64, tpu.core_type = #tpu.core_type<tc>, window_params = [{transform_indices = @transform_0, window_bounds = array<i64: 2, 1000, 64>}, {transform_indices = @transform_1, window_bounds = array<i64: 2, 1000, 64>}, {transform_indices = @transform_2, window_bounds = array<i64: 2, 1000, 1>}, {pipeline_mode = #tpu.pipeline_mode<synchronous>, transform_indices = @transform_3, window_bounds = array<i64: 2, 1, 64>}, {transform_indices = @transform_4, window_bounds = array<i64: 1000, 64>}, {transform_indices = @transform_5, window_bounds = array<i64: 1000, 64>}, {transform_indices = @transform_6, window_bounds = array<i64: 1000, 64>}]} {
    %get3A = arith.constant 0 : index
    %get3A_0 = arith.constant 0 : index
    %get3A_1 = arith.constant 0 : index
    %get3A_2 = vector.load %arg3[%get3A, %get3A_0, %get3A_1] : memref<2x1000x1xf32, #tpu.memory_space<vmem>>, vector<2x1000x1xf32>
    %get3A_3 = arith.constant 0 : index
    %get3A_4 = arith.constant 0 : index
    %get3A_5 = arith.constant 0 : index
    %get3A_6 = vector.load %arg1[%get3A_3, %get3A_4, %get3A_5] : memref<2x1000x64xf32, #tpu.memory_space<vmem>>, vector<2x1000x64xf32>
    %get3A_7 = arith.constant 0 : index
    %get3A_8 = arith.constant 0 : index
    %get3A_9 = arith.constant 0 : index
    %get3A_10 = vector.load %arg2[%get3A_7, %get3A_8, %get3A_9] : memref<2x1000x64xf32, #tpu.memory_space<vmem>>, vector<2x1000x64xf32>
    %add3A = arith.addf %get3A_6, %get3A_10 : vector<2x1000x64xf32>
    %mul3A = vector.broadcast %get3A_2 : vector<2x1000x1xf32> to vector<2x1000x64xf32>
    %mul3A_11 = arith.mulf %mul3A, %add3A : vector<2x1000x64xf32>
    %get3A_12 = arith.constant 0 : index
    %get3A_13 = arith.constant 0 : index
    %get3A_14 = arith.constant 0 : index
    %get3A_15 = vector.load %arg4[%get3A_12, %get3A_13, %get3A_14] : memref<2x1x64xf32, #tpu.memory_space<vmem>>, vector<2x1x64xf32>
    %add3A_16 = vector.broadcast %get3A_15 : vector<2x1x64xf32> to vector<2x1000x64xf32>
    %add3A_17 = arith.addf %mul3A_11, %add3A_16 : vector<2x1000x64xf32>
    %slice3A = vector.extract_strided_slice %add3A_17 {offsets = [0, 0, 0], sizes = [1, 1000, 64], strides = [1, 1, 1]} : vector<2x1000x64xf32> to vector<1x1000x64xf32>
    %squeeze3A = vector.shape_cast %slice3A : vector<1x1000x64xf32> to vector<1000x64xf32>
    %swap3A = arith.constant 0 : index
    %swap3A_18 = arith.constant 0 : index
    %swap3A_19 = vector.load %arg6[%swap3A, %swap3A_18] : memref<1000x64xf32, #tpu.memory_space<vmem>>, vector<1000x64xf32>
    tpu.vector_store %arg6[%swap3A, %swap3A_18], %squeeze3A {strides = array<i32>} : memref<1000x64xf32, #tpu.memory_space<vmem>>, vector<1000x64xf32>,
    %slice3A_20 = vector.extract_strided_slice %add3A_17 {offsets = [1, 0, 0], sizes = [1, 1000, 64], strides = [1, 1, 1]} : vector<2x1000x64xf32> to vector<1x1000x64xf32>
    %squeeze3A_21 = vector.shape_cast %slice3A_20 : vector<1x1000x64xf32> to vector<1000x64xf32>
    %swap3A_22 = arith.constant 0 : index
    %swap3A_23 = arith.constant 0 : index
    %swap3A_24 = vector.load %arg7[%swap3A_22, %swap3A_23] : memref<1000x64xf32, #tpu.memory_space<vmem>>, vector<1000x64xf32>
    tpu.vector_store %arg7[%swap3A_22, %swap3A_23], %squeeze3A_21 {strides = array<i32>} : memref<1000x64xf32, #tpu.memory_space<vmem>>, vector<1000x64xf32>,
    %slice3A_25 = vector.extract_strided_slice %add3A_17 {offsets = [0, 0, 0], sizes = [1, 1000, 64], strides = [1, 1, 1]} : vector<2x1000x64xf32> to vector<1x1000x64xf32>
    %squeeze3A_26 = vector.shape_cast %slice3A_25 : vector<1x1000x64xf32> to vector<1000x64xf32>
    %mul3A_27 = arith.constant 5.000000e-01 : f32
    %mul3A_28 = vector.broadcast %mul3A_27 : f32 to vector<1000x64xf32>
    %mul3A_29 = arith.mulf %mul3A_28, %squeeze3A_26 : vector<1000x64xf32>
    %slice3A_30 = vector.extract_strided_slice %add3A_17 {offsets = [1, 0, 0], sizes = [1, 1000, 64], strides = [1, 1, 1]} : vector<2x1000x64xf32> to vector<1x1000x64xf32>
    %squeeze3A_31 = vector.shape_cast %slice3A_30 : vector<1x1000x64xf32> to vector<1000x64xf32>
    %mul3A_32 = arith.constant 5.000000e-01 : f32
    %mul3A_33 = vector.broadcast %mul3A_32 : f32 to vector<1000x64xf32>
    %mul3A_34 = arith.mulf %mul3A_33, %squeeze3A_31 : vector<1000x64xf32>
    %add3A_35 = arith.addf %mul3A_29, %mul3A_34 : vector<1000x64xf32>
    %swap3A_36 = arith.constant 0 : index
    %swap3A_37 = arith.constant 0 : index
    %swap3A_38 = vector.load %arg5[%swap3A_36, %swap3A_37] : memref<1000x64xf32, #tpu.memory_space<vmem>>, vector<1000x64xf32>
    tpu.vector_store %arg5[%swap3A_36, %swap3A_37], %add3A_35 {strides = array<i32>} : memref<1000x64xf32, #tpu.memory_space<vmem>>, vector<1000x64xf32>,
    return
  }
  func.func @transform_0(%arg0: i32) -> (i32, i32, i32) {
    %c0_i32 = arith.constant 0 : i32
    %c0_i32_0 = arith.constant 0 : i32
    %c0_i32_1 = arith.constant 0 : i32
    return %c0_i32, %arg0, %c0_i32_0 : i32, i32, i32
  }
  func.func @transform_1(%arg0: i32) -> (i32, i32, i32) {
    %c0_i32 = arith.constant 0 : i32
    %c0_i32_0 = arith.constant 0 : i32
    %c0_i32_1 = arith.constant 0 : i32
    return %c0_i32, %arg0, %c0_i32_0 : i32, i32, i32
  }
  func.func @transform_2(%arg0: i32) -> (i32, i32, i32) {
    %c0_i32 = arith.constant 0 : i32
    %c0_i32_0 = arith.constant 0 : i32
    %c0_i32_1 = arith.constant 0 : i32
    return %c0_i32, %arg0, %c0_i32_0 : i32, i32, i32
  }
  func.func @transform_3(%arg0: i32) -> (i32, i32, i32) {
    %c0_i32 = arith.constant 0 : i32
    %c0_i32_0 = arith.constant 0 : i32
    %c0_i32_1 = arith.constant 0 : i32
    %c0_i32_2 = arith.constant 0 : i32
    return %c0_i32, %c0_i32_0, %c0_i32_1 : i32, i32, i32
  }
  func.func @transform_4(%arg0: i32) -> (i32, i32) {
    %c0_i32 = arith.constant 0 : i32
    %c0_i32_0 = arith.constant 0 : i32
    return %arg0, %c0_i32 : i32, i32
  }
  func.func @transform_5(%arg0: i32) -> (i32, i32) {
    %c0_i32 = arith.constant 0 : i32
    %c0_i32_0 = arith.constant 0 : i32
    return %arg0, %c0_i32 : i32, i32
  }
  func.func @transform_6(%arg0: i32) -> (i32, i32) {
    %c0_i32 = arith.constant 0 : i32
    %c0_i32_0 = arith.constant 0 : i32
    return %arg0, %c0_i32 : i32, i32
  }
}

</mosaic_0001>

<sc_bundles>
// kernel: kernel.11.cloned.1.call-start
scs
__scs_entry_jumppad:
0x0: {  	(pc) =	sbr.rel $0x88, $3  }
0x1: {  	(tag) =	ssettag $0x0;
	lr =	simm.s32 $0x1  }
0x2: {  	[smem:$0x3F96] =	sst lr;
	_ =	strace $0xD0000000  }
0x3: {  	_ = 	snop  }
0x4: {  	_ = 	snop  }
0x5: {  	_ = 	snop  }
0x6: {  	_ = 	snop  }
0x7: {  	_ = 	snop  }
__scs_overlays_trampoline_lowered:
0x8: {  	[smem:$0x3FA5] =	sst s0  }
0x9: {  	[smem:$0x3FA6] =	sst s1  }
0xa: {  	[smem:$0x3FA7] =	sst s2  }
0xb: {  	[smem:$0x3FA8] =	sst s3  }
0xc: {  	[smem:$0x3FA9] =	sst s4  }
0xd: {  	[smem:$0x3FAA] =	sst s5  }
0xe: {  	[smem:$0x3FAB] =	sst s6  }
0xf: {  	[smem:$0x3FAC] =	sst s7  }
0x10: {  	[smem:$0x3FAD] =	sst s8  }
0x11: {  	[smem:$0x3FAE] =	sst s9;
	s0 =	simm.s32 @!p0 $0x0  }
0x12: {  	s1 =	sld [smem:$0x3F94];
	s0 =	simm.s32 @p0 $0x1  }
0x13: {  	[smem:$0x3FAF] =	sst s0;
	s0 =	simm.s32 @!p1 $0x0  }
0x14: {  	s2 =	sld [smem:$0x3F93];
	s0 =	simm.s32 @p1 $0x1  }
0x15: {  	[smem:$0x3FB0] =	sst s0;
	s0 =	simm.s32 @!p2 $0x0  }
0x16: {  	s3 =	sld [smem:$0x3FDB];
	s0 =	simm.s32 @p2 $0x1  }
0x17: {  	s4 =	simm.s32 $0x1BF5;
	[smem:$0x3FB2] =	sst s0  }
0x18: {  	s0 =	sld [smem:$0x3F95];
	_ =	swait.ge [sflag:s4], $0x0  }
0x19: {  	s7 =	sld [smem:$0x3F96]  }
0x1a: {  	s8 =	sadd.s32 $0xFFFFE003, lr  }
0x1b: {  	s9 =	sadd.s32 $0xFFFFFEF7, lr;
	s5 =	simm.s32 $0xFFFFFFFF;
	p2 =	slt.u32 s8, $0xFFFFF086  }
0x1c: {  	p1 =	slt.u32 s9, $0xF7A;
	s5 =	simm.s32 @!p2 $0x0  }
0x1d: {  	s5 =	simm.s32 @p1 $0x1;
	p0 =	seq.s32 s7, s2  }
0x1e: {  	s7 =	smul.u32 @!p0 $0xF7A, s2;
	p2 =	seq.s32 @!p0 s5, $0x0  }
0x1f: {  	s9 =	smul.u32 $0xF7A, s1;
	s8 =	simm.s32 @!p0 $0x1BF5;
	p2 =	por !p2, p0  }
0x20: {  	[sflag:s8] =	ssyncset.s32 @!p0 $0xFFFFF086;
	s6 =	sadd.s32 @!p0 s3, s7;
	s7 =	simm.s32 @!p0 $0x108  }
0x21: {  	s3 =	sadd.s32 s3, s9;
	s6 =	sadd.s32 @!p0 $0x88, s6;
	s7 =	simm.s32 @p2 $0x1082  }
0x22: {  	[simem:s7], [sflag:s8] =	dma.local @!p0 [hbm:s6], $0xF7A  }
0x23: {  	s9 =	sor.u32 $0xD0000000, s2;
	s6 =	simm.s32 $0x108;
	_ =	swait.ge @!p0 [sflag:s8], $0x0  }
0x24: {  	s3 =	sadd.s32 $0x88, s3;
	s6 =	simm.s32 @!p1 $0x1082;
	[sflag:s4] =	ssyncset.s32 $0xFFFFF086  }
0x25: {  	[simem:s6], [sflag:s4] =	dma.local [hbm:s3], $0xF7A  }
0x26: {  	[smem:$0x3F96] =	sst s1;
	(tag) =	ssettag s2;
	_ =	strace s9  }
0x27: {  	s1 =	sld [smem:$0x3FA6]  }
0x28: {  	s2 =	sld [smem:$0x3FA7]  }
0x29: {  	s4 =	sld [smem:$0x3FA9]  }
0x2a: {  	p0 =	seq.s32 s5, $0x0;
	s5 =	sld [smem:$0x3FAA]  }
0x2b: {  	s6 =	sld [smem:$0x3FAB]  }
0x2c: {  	s7 =	sld [smem:$0x3FAC]  }
0x2d: {  	s3 =	simm.s32 $0x108;
	s8 =	sld [smem:$0x3FAD]  }
0x2e: {  	s3 =	simm.s32 @!p0 $0x1082;
	s9 =	sld [smem:$0x3FAE]  }
0x2f: {  	lr =	sadd.s32 s0, s3;
	s0 =	sld [smem:$0x3FA5]  }
0x30: {  	s3 =	sld [smem:$0x3FA8]  }
0x31: {  	[smem:$0x3FB1] =	sst s10  }
0x32: {  	s10 =	sld [smem:$0x3FAF];
	_ =	sdelay $0x3  }
0x33: {  	p0 =	seq.s32 s10, $0x1;
	s10 =	sld [smem:$0x3FB1];
	_ =	sdelay $0x3  }
0x34: {  	[smem:$0x3FB1] =	sst s10  }
0x35: {  	s10 =	sld [smem:$0x3FB0];
	_ =	sdelay $0x3  }
0x36: {  	p1 =	seq.s32 s10, $0x1;
	s10 =	sld [smem:$0x3FB1];
	_ =	sdelay $0x3  }
0x37: {  	[smem:$0x3FB1] =	sst s10  }
0x38: {  	s10 =	sld [smem:$0x3FB2]  }
0x39: {  	_ = 	snop;
	(pc) =	sbr.ind lr, $3  }
0x3a: {  	_ = 	snop  }
0x3b: {  	_ = 	snop  }
0x3c: {  	p2 =	seq.s32 s10, $0x1;
	s10 =	sld [smem:$0x3FB1]  }
0x3d: {  	_ =	shalt  }
0x3e: {  	_ =	shalt  }
0x3f: {  	_ =	shalt  }
0x40: {  	_ =	shalt  }
0x41: {  	_ =	shalt  }
0x42: {  	_ =	shalt  }
0x43: {  	_ =	shalt  }
0x44: {  	_ =	shalt  }
0x45: {  	_ =	shalt  }
0x46: {  	_ =	shalt  }
0x47: {  	_ =	shalt  }
0x48: {  	_ =	shalt  }
0x49: {  	_ =	shalt  }
0x4a: {  	_ =	shalt  }
0x4b: {  	_ =	shalt  }
0x4c: {  	_ =	shalt  }
0x4d: {  	_ =	shalt  }
0x4e: {  	_ =	shalt  }
0x4f: {  	_ =	shalt  }
0x50: {  	_ =	shalt  }
0x51: {  	_ =	shalt  }
0x52: {  	_ =	shalt  }
0x53: {  	_ =	shalt  }
0x54: {  	_ =	shalt  }
0x55: {  	_ =	shalt  }
0x56: {  	_ =	shalt  }
0x57: {  	_ =	shalt  }
0x58: {  	_ =	shalt  }
0x59: {  	_ =	shalt  }
0x5a: {  	_ =	shalt  }
0x5b: {  	_ =	shalt  }
0x5c: {  	_ =	shalt  }
0x5d: {  	_ =	shalt  }
0x5e: {  	_ =	shalt  }
0x5f: {  	_ =	shalt  }
0x60: {  	_ =	shalt  }
0x61: {  	_ =	shalt  }
0x62: {  	_ =	shalt  }
0x63: {  	_ =	shalt  }
0x64: {  	_ =	shalt  }
0x65: {  	_ =	shalt  }
0x66: {  	_ =	shalt  }
0x67: {  	_ =	shalt  }
0x68: {  	_ =	shalt  }
0x69: {  	_ =	shalt  }
0x6a: {  	_ =	shalt  }
0x6b: {  	_ =	shalt  }
0x6c: {  	_ =	shalt  }
0x6d: {  	_ =	shalt  }
0x6e: {  	_ =	shalt  }
0x6f: {  	_ =	shalt  }
0x70: {  	_ =	shalt  }
0x71: {  	_ =	shalt  }
0x72: {  	_ =	shalt  }
0x73: {  	_ =	shalt  }
0x74: {  	_ =	shalt  }
0x75: {  	_ =	shalt  }
0x76: {  	_ =	shalt  }
0x77: {  	_ =	shalt  }
0x78: {  	_ =	shalt  }
0x79: {  	_ =	shalt  }
0x7a: {  	_ =	shalt  }
0x7b: {  	_ =	shalt  }
0x7c: {  	_ =	shalt  }
0x7d: {  	_ =	shalt  }
0x7e: {  	_ =	shalt  }
0x7f: {  	_ =	shalt  }
0x80: {  	_ =	shalt  }
0x81: {  	_ =	shalt  }
0x82: {  	_ =	shalt  }
0x83: {  	_ =	shalt  }
0x84: {  	_ =	shalt  }
0x85: {  	_ =	shalt  }
0x86: {  	_ =	shalt  }
0x87: {  	_ =	shalt  }
.Lfunc_end0:
.L_simem_size_0:
called_computation.1_lowered:
.L_overlay_start_0:
0x88: {  	s2 =	sld [smem:$0x3FD9]  }
0x89: {  	s3 =	sld [smem:$0x3FFE];
	_ =	sdelay $0x1  }
0x8a: {  	s1 =	srdreg.scid  }
0x8b: {  	s0 =	sand.u32 $0x1, s1  }
0x8c: {  	s16 =	sshll.u32 s0, $0xA;
	s2 =	sadd.s32 s3, s2  }
0x8d: {  	s2 =	sadd.s32 s2, s16  }
0x8e: {  	[smem:$0x3FBD] =	sst s2  }
0x8f: {  	_ = 	snop  }
0x90: {  	(tm) =	ssettm $0x1  }
0x91: {  	s17 =	sld [smem:$0x3FFB];
	_ =	sdelay $0x3  }
0x92: {  	_ =	strace s17  }
0x93: {  	s2 =	sld [smem:$0x3FFC];
	_ =	sdelay $0x3  }
0x94: {  	_ =	strace s2  }
0x95: {  	s2 =	sld [smem:$0x3FFD];
	_ =	sdelay $0x3  }
0x96: {  	_ =	strace s2  }
0x97: {  	_ =	strace $0x8FFFFFFF  }
0x98: {  	s18 =	sld [smem:$0x3FDB];
	_ =	sdelay $0x1  }
0x99: {  	s19 =	simm.s32 $_scs_section_size  }
0x9a: {  	s4 =	simm.s32 $_size__tile_overlayer_lowered;
	s5 =	simm.s32 $_tile_overlayer_lowered  }
0x9b: {  	s22 =	simm.s32 $0x1BFF;
	s21 =	sshll.u32 s5, $0x1;
	s2 =	sadd.s32 s19, s18  }
0x9c: {  	s6 =	simm.s32 $0x0;
	s20 =	sshll.u32 s4, $0x1;
	s4 =	sadd.s32 s21, s2  }
0x9d: {  	[timem:s6], [sflag:s22] =	dma.local [hbm:s4], s20  }
0x9e: {  	_ =	swait.ge [sflag:s22], s20  }
0x9f: {  	s3 =	ssub.s32 $0x0, s20;
	[sflag:s22] =	ssyncset.done $0x0  }
0xa0: {  	[sflag:s22] =	ssyncadd.s32 s3;
	_ =	sdelay $0x1  }
0xa1: {  	s23 =	simm.s32 $0x1B8B  }
0xa2: {  	_ =	swait.ge [sflag:s23], $0x1  }
0xa3: {  	[sflag:s23] =	ssyncset.done $0x0  }
0xa4: {  	s25 =	simm.s32 $0x1B8E;
	s24 =	sld [smem:$0x3FFE];
	[sflag:s23] =	ssyncadd.s32 $0xFFFFFFFF  }
0xa5: {  	s26 =	simm.s32 $execute0_lowered;
	[smem:$0x3FD2] =	sst s25  }
0xa6: {  	s4 =	sshll.u32 s26, $0x1;
	_ =	strace $0x80000049;
	[dreg:$0x1] =	wrdreg $0xFFFFFFFF  }
0xa7: {  	s28 =	simm.s32 $_size_execute0_lowered;
	s2 =	sadd.s32 s2, s4;
	[dreg:$0x0] =	wrdreg $0x0  }
0xa8: {  	s4 =	sshll.u32 s28, $0x1;
	[dreg:$0x2] =	wrdreg s2  }
0xa9: {  	[dreg:$0x3] =	wrdreg s4  }
0xaa: {  	[dreg:$0x4] =	wrdreg $0xC0  }
0xab: {  	_ =	task [dreg:s6], $0x5FFFF  }
0xac: {  	[dreg:$0x1] =	wrdreg $0xFFFFFFFF  }
0xad: {  	[dreg:$0x0] =	wrdreg $0x60  }
0xae: {  	[dreg:$0x2] =	wrdreg s24  }
0xaf: {  	[dreg:$0x3] =	wrdreg $0x100400  }
0xb0: {  	[dreg:$0x4] =	wrdreg $0x9  }
0xb1: {  	_ =	task.clear_ibuf [dreg:s6], $0x5FFFF;
	_ =	strace $0x90000049  }
0xb2: {  	s29 =	simm.s32 $0x9;
	_ =	strace $0x8000004B  }
0xb3: {  	_ =	swait.ge [sflag:s29], $0x1  }
0xb4: {  	[sflag:s29] =	ssyncadd.s32 $0xFFFFFFFF  }
0xb5: {  	_ =	strace $0x9000004B  }
0xb6: {  	_ =	sfence  }
0xb7: {  	s30 =	sld [smem:$0x0];
	_ =	sdelay $0x2  }
0xb8: {  	s31 =	sshll.u32 s1, $0xD;
	s1 =	sshrl.u32 s1, $0x2  }
0xb9: {  	s3 =	sand.u32 $0x4000, s31;
	s1 =	sadd.s32 s1, s30  }
0xba: {  	s0 =	sor.u32 s3, s0;
	s1 =	sshll.u32 s1, $0x11  }
0xbb: {  	s0 =	sor.u32 s1, s0  }
0xbc: {  	s0 =	sadd.s32 $0x8F2B, s0  }
0xbd: {  	[sflag:s0] =	ssyncadd.remote.s32 $0x1  }
0xbe: {  	_ =	sfence.sel $0xFFFF  }
0xbf: {  	[dreg:$0x0] =	wrdreg $0xFFFFFFFF;
	(pc) =	sbr.abs _section_cstart, $3  }
0xc0: {  	[dreg:$0x1] =	wrdreg $0xFFFFFFFF  }
0xc1: {  	_ =	task.clear_ibuf [dreg:s6], $0x2FFFF;
	_ =	strace $0x9FFFFFFF  }
0xc2: {  	(tm) =	ssettm $0x7FFFFFFF  }
0xc3: {  	_ =	shalt  }
tec
execute0_lowered:
.L_overlay_start_1:
0x0: {  	(tag) =	ssettag $0x1  }
0x1: {  	s3 =	stileid.u32;
	s1 =	rddreg [dreg:$0x0]  }
0x2: {  	s0 =	srdreg.scid;
	s2 =	rddreg [dreg:$0x1];
	s7 =	simm.s32 $0x0  }
0x3: {  	s17 =	simm.s32 $0x3;
	s18 =	simm.s32 $0x4E20;
	s4 =	smul.u32 $0x4E20, s3  }
0x4: {  	s19 =	simm.s32 $0x9C40;
	s20 =	simm.s32 $0xC8;
	s6 =	smul.u32 $0x9E00, s3  }
0x5: {  	s21 =	simm.s32 $0xCE40;
	s0 =	sand.u32 $0x1, s0;
	s25 =	smul.u32 $0x27800, s3  }
0x6: {  	s28 =	simm.s32 $0x9B78;
	s29 =	simm.s32 $0x0;
	s5 =	smul.u32 $0x9C400, s0  }
0x7: {  	[smem:$0x7FF] =	sst s7;
	s22 =	smul.u32 $0x9E000, s0;
	s0 =	ssub.s32 $0x2, s0  }
0x8: {  	_ =	strace $0x8000004A;
	s4 =	sshrl.u32 s4, $0x3;
	s30 =	sshrl.u32 s0, $0x1  }
0x9: {  	s31 =	sshrl.u32 s25, $0x2;
	s25 =	simm.s32 $0x4D58;
	s13 =	sadd.s32 s4, s1  }
0xa: {  	s23 =	sshrl.u32 s5, $0x3;
	s24 =	sadd.s32 s6, s22;
	s0 =	ssub.s32 s0, s30  }
0xb: {  	s9 =	sadd.s32 s31, s2;
	s6 =	sadd.s32 s6, s2;
	s22 =	simm.s32 $0x1  }
0xc: {  	s14 =	sadd.s32 s23, s1;
	s26 =	sshrl.u32 s24, $0x3;
	s4 =	sadd.s32 $0x3800, s13  }
0xd: {  	s5 =	sadd.s32 $0xD440, s13;
	s7 =	sadd.s32 $0x3200, s9;
	s8 =	sadd.s32 $0x6400, s9  }
0xe: {  	s9 =	sadd.s32 $0x9600, s9;
	s12 =	sadd.s32 $0x17080, s13;
	s13 =	sadd.s32 $0x20CC0, s13  }
0xf: {  	s16 =	smax.u32 s0, $0x1;
	s24 =	simm.s32 $0x4C90;
	s1 =	sadd.s32 s26, s1  }
0x10: {  	s10 =	sadd.s32 $0x115000, s14;
	s14 =	sadd.s32 $0x13C100, s14;
	s26 =	simm.s32 $0x9AB0  }
0x11: {  	v0 =	vimm.f32 $0.0e+00;
	s23 =	simm.s32 $0x2;
	s11 =	sadd.s32 $0x163200, s1;
	s15 =	sadd.s32 $0x18AA00, s1  }
.LBB2_1:
0x12: {  	s0 =	simm.s32 $0x0  }
0x13: {  	[tilespmem:s0], [sflag:$0x3] =	stream.linear.gather [hbm4b:s4+s0], $0x4E20, $0x38;
	[tilespmem:$0x19E40] =	vst v63  }
0x14: {  	_ =	swait.ge [sflag:s17], $0x4E20  }
0x15: {  	[sflag:s17] =	ssyncset.done $0x0  }
0x16: {  	[sflag:s17] =	ssyncadd.s32 $0xFFFFB1E0  }
0x17: {  	[tilespmem:s18], [sflag:$0x3] =	stream.linear.gather [hbm4b:s5+s0], $0x4E20, $0x38;
	[tilespmem:$0x19E40] =	vst v63  }
0x18: {  	_ =	swait.ge [sflag:s17], $0x4E20  }
0x19: {  	[sflag:s17] =	ssyncset.done $0x0  }
0x1a: {  	s30 =	simm.s32 $0x100;
	s1 =	simm.s32 $0x0;
	[sflag:s17] =	ssyncadd.s32 $0xFFFFB1E0  }
.LBB2_2:
0x1b: {  	p0 =	sne.s32 s30, $0xC700;
	[tilespmem:s1+$0x9C70] =	vst v0;
	s0 =	smov.u32 s30;
	s30 =	sadd.s32 $0x100, s30  }
.Ltmp0:
0x1c: {  	[tilespmem:s1+$0x9C60] =	vst v0;
	(pc) =	sbr.rel @p0 .LBB2_2-.Ltmp0, $3  }
0x1d: {  	[tilespmem:s1+$0x9C40] =	vst v0  }
0x1e: {  	[tilespmem:s1+$0x9C50] =	vst v0;
	_ =	sdelay $0x1  }
0x1f: {  	s1 =	sshra.s32 s0, $0x2  }
0x20: {  	[tilespmem:s1+$0x9C70] =	vst v0  }
0x21: {  	[tilespmem:s1+$0x9C60] =	vst v0  }
0x22: {  	[tilespmem:s1+$0x9C40] =	vst v0  }
0x23: {  	[tilespmem:s1+$0x9C50] =	vst v0  }
0x24: {  	[spmem:s6] =	stream.linear.scatter [tilespmem:s19], [sflag:$0x3], $0x3200, $0x38;
	[tilespmem:$0x19E40] =	vst v63  }
0x25: {  	_ =	swait.ge [sflag:s17], $0x3200  }
0x26: {  	[sflag:s17] =	ssyncset.done $0x0  }
0x27: {  	[sflag:s17] =	ssyncadd.s32 $0xFFFFCE00  }
0x28: {  	[spmem:s7] =	stream.linear.scatter [tilespmem:s19], [sflag:$0x3], $0x3200, $0x38;
	[tilespmem:$0x19E40] =	vst v63  }
0x29: {  	_ =	swait.ge [sflag:s17], $0x3200  }
0x2a: {  	[sflag:s17] =	ssyncset.done $0x0  }
0x2b: {  	[sflag:s17] =	ssyncadd.s32 $0xFFFFCE00  }
0x2c: {  	[spmem:s8] =	stream.linear.scatter [tilespmem:s19], [sflag:$0x3], $0x3200, $0x38;
	[tilespmem:$0x19E40] =	vst v63  }
0x2d: {  	_ =	swait.ge [sflag:s17], $0x3200  }
0x2e: {  	[sflag:s17] =	ssyncset.done $0x0  }
0x2f: {  	[sflag:s17] =	ssyncadd.s32 $0xFFFFCE00  }
0x30: {  	[spmem:s9] =	stream.linear.scatter [tilespmem:s19], [sflag:$0x3], $0x800, $0x38;
	[tilespmem:$0x19E40] =	vst v63  }
0x31: {  	_ =	swait.ge [sflag:s17], $0x800  }
0x32: {  	[sflag:s17] =	ssyncset.done $0x0  }
0x33: {  	[sflag:s17] =	ssyncadd.s32 $0xFFFFF800  }
0x34: {  	s0 =	simm.s32 $0x0;
	[bflag:$0x0] =	sbarrier.arrive $0xFFFF  }
0x35: {  	[tilespmem:s19], [sflag:$0x1] =	stream.indirect.gather [hbm4b:s10+s20], $0x40, s0, s20, $0xb8;
	[tilespmem:$0x19E40] =	vst v63  }
0x36: {  	_ = 	snop  }
0x37: {  	[tilespmem:s21], [sflag:$0x2] =	stream.indirect.gather [hbm4b:s10+s20], $0x40, s20, s20, $0xb8;
	[tilespmem:$0x19E40] =	vst v63  }
0x38: {  	_ =	swait.ge [sflag:s22], $0x3200  }
0x39: {  	[sflag:s22] =	ssyncset.done $0x0  }
0x3a: {  	s1 =	simm.s32 $0x4E20;
	[sflag:s22] =	ssyncadd.s32 $0xFFFFCE00  }
0x3b: {  	[spmem:s2] =	stream.indirect.scatter.add.f32 [tilespmem:s19], [sflag:$0x3], $0x40, s1, s20, $0xb8;
	[tilespmem:$0x19E40] =	vst v63  }
0x3c: {  	_ =	swait.ge [sflag:s17], $0x3200  }
0x3d: {  	[sflag:s17] =	ssyncset.done $0x0  }
0x3e: {  	s3 =	simm.s32 $0x190;
	[sflag:s17] =	ssyncadd.s32 $0xFFFFCE00  }
0x3f: {  	[tilespmem:s19], [sflag:$0x1] =	stream.indirect.gather [hbm4b:s10+s20], $0x40, s3, s20, $0xb8;
	[tilespmem:$0x19E40] =	vst v63  }
0x40: {  	_ =	swait.ge [sflag:s23], $0x3200  }
0x41: {  	[sflag:s23] =	ssyncset.done $0x0  }
0x42: {  	s31 =	simm.s32 $0x4EE8;
	[sflag:s23] =	ssyncadd.s32 $0xFFFFCE00  }
0x43: {  	[spmem:s2] =	stream.indirect.scatter.add.f32 [tilespmem:s21], [sflag:$0x3], $0x40, s31, s20, $0xb8;
	[tilespmem:$0x19E40] =	vst v63  }
0x44: {  	_ =	swait.ge [sflag:s17], $0x3200  }
0x45: {  	[sflag:s17] =	ssyncset.done $0x0  }
0x46: {  	s30 =	simm.s32 $0x640;
	s0 =	simm.s32 $0x258;
	[sflag:s17] =	ssyncadd.s32 $0xFFFFCE00  }
.LBB2_4:
0x47: {  	[tilespmem:s21], [sflag:$0x2] =	stream.indirect.gather [hbm4b:s10+s20], $0x40, s0, s20, $0xb8;
	[tilespmem:$0x19E40] =	vst v63  }
0x48: {  	s0 =	smov.u32 s30;
	s30 =	sadd.s32 $0x640, s30;
	_ =	swait.ge [sflag:s22], $0x3200  }
0x49: {  	s0 =	sshra.s32 s0, $0x2;
	p0 =	sne.s32 s30, $0x12C00;
	[sflag:s22] =	ssyncset.done $0x0  }
0x4a: {  	s1 =	sadd.s32 $0x4E20, s0;
	[sflag:s22] =	ssyncadd.s32 $0xFFFFCE00  }
0x4b: {  	[spmem:s2] =	stream.indirect.scatter.add.f32 [tilespmem:s19], [sflag:$0x3], $0x40, s1, s20, $0xb8;
	[tilespmem:$0x19E40] =	vst v63  }
0x4c: {  	_ =	swait.ge [sflag:s17], $0x3200  }
0x4d: {  	[sflag:s17] =	ssyncset.done $0x0  }
0x4e: {  	s1 =	sadd.s32 $0x190, s0;
	[sflag:s17] =	ssyncadd.s32 $0xFFFFCE00  }
0x4f: {  	[tilespmem:s19], [sflag:$0x1] =	stream.indirect.gather [hbm4b:s10+s20], $0x40, s1, s20, $0xb8;
	[tilespmem:$0x19E40] =	vst v63  }
0x50: {  	_ =	swait.ge [sflag:s23], $0x3200  }
0x51: {  	[sflag:s23] =	ssyncset.done $0x0  }
.Ltmp1:
0x52: {  	s1 =	sadd.s32 $0x4EE8, s0;
	[sflag:s23] =	ssyncadd.s32 $0xFFFFCE00;
	(pc) =	sbr.rel @p0 .LBB2_4-.Ltmp1, $4  }
0x53: {  	[spmem:s2] =	stream.indirect.scatter.add.f32 [tilespmem:s21], [sflag:$0x3], $0x40, s1, s20, $0xb8;
	[tilespmem:$0x19E40] =	vst v63  }
0x54: {  	_ =	swait.ge [sflag:s17], $0x3200  }
0x55: {  	[sflag:s17] =	ssyncset.done $0x0  }
0x56: {  	s0 =	sadd.s32 $0x258, s0;
	[sflag:s17] =	ssyncadd.s32 $0xFFFFCE00  }
0x57: {  	[tilespmem:s21], [sflag:$0x2] =	stream.indirect.gather [hbm4b:s10+s20], $0x40, s0, s20, $0xb8;
	[tilespmem:$0x19E40] =	vst v63  }
0x58: {  	_ =	swait.ge [sflag:s22], $0x3200  }
0x59: {  	s3 =	sshra.s32 s30, $0x2;
	[sflag:s22] =	ssyncset.done $0x0  }
0x5a: {  	s1 =	sadd.s32 $0x4E20, s3;
	[sflag:s22] =	ssyncadd.s32 $0xFFFFCE00  }
0x5b: {  	[spmem:s2] =	stream.indirect.scatter.add.f32 [tilespmem:s19], [sflag:$0x3], $0x40, s1, s20, $0xb8;
	[tilespmem:$0x19E40] =	vst v63  }
0x5c: {  	_ =	swait.ge [sflag:s17], $0x3200  }
0x5d: {  	[sflag:s17] =	ssyncset.done $0x0  }
0x5e: {  	[sflag:s17] =	ssyncadd.s32 $0xFFFFCE00  }
0x5f: {  	[tilespmem:s19], [sflag:$0x1] =	stream.indirect.gather [hbm4b:s10+s20], $0x40, s24, s20, $0xb8;
	[tilespmem:$0x19E40] =	vst v63  }
0x60: {  	_ =	swait.ge [sflag:s23], $0x3200  }
0x61: {  	[sflag:s23] =	ssyncset.done $0x0  }
0x62: {  	s0 =	sadd.s32 $0x4EE8, s3;
	[sflag:s23] =	ssyncadd.s32 $0xFFFFCE00  }
0x63: {  	[spmem:s2] =	stream.indirect.scatter.add.f32 [tilespmem:s21], [sflag:$0x3], $0x40, s0, s20, $0xb8;
	[tilespmem:$0x19E40] =	vst v63  }
0x64: {  	_ =	swait.ge [sflag:s17], $0x3200  }
0x65: {  	[sflag:s17] =	ssyncset.done $0x0  }
0x66: {  	[sflag:s17] =	ssyncadd.s32 $0xFFFFCE00  }
0x67: {  	[tilespmem:s21], [sflag:$0x2] =	stream.indirect.gather [hbm4b:s10+s20], $0x40, s25, s20, $0xb8;
	[tilespmem:$0x19E40] =	vst v63  }
0x68: {  	_ =	swait.ge [sflag:s22], $0x3200  }
0x69: {  	[sflag:s22] =	ssyncset.done $0x0  }
0x6a: {  	[sflag:s22] =	ssyncadd.s32 $0xFFFFCE00  }
0x6b: {  	[spmem:s2] =	stream.indirect.scatter.add.f32 [tilespmem:s19], [sflag:$0x3], $0x40, s26, s20, $0xb8;
	[tilespmem:$0x19E40] =	vst v63  }
0x6c: {  	_ =	swait.ge [sflag:s17], $0x3200  }
0x6d: {  	[sflag:s17] =	ssyncset.done $0x0  }
0x6e: {  	[sflag:s17] =	ssyncadd.s32 $0xFFFFCE00  }
0x6f: {  	[tilespmem:s19], [sflag:$0x1] =	stream.indirect.gather [hbm4b:s10+s20], $0x40, s25, s20, $0xb8;
	[tilespmem:$0x19E40] =	vst v63  }
0x70: {  	_ =	swait.ge [sflag:s23], $0x3200  }
0x71: {  	[sflag:s23] =	ssyncset.done $0x0  }
0x72: {  	[sflag:s23] =	ssyncadd.s32 $0xFFFFCE00  }
0x73: {  	[spmem:s2] =	stream.indirect.scatter.add.f32 [tilespmem:s21], [sflag:$0x3], $0x40, s28, s20, $0xb8;
	[tilespmem:$0x19E40] =	vst v63  }
0x74: {  	_ =	swait.ge [sflag:s17], $0x3200  }
0x75: {  	[sflag:s17] =	ssyncset.done $0x0  }
0x76: {  	[sflag:s17] =	ssyncadd.s32 $0xFFFFCE00  }
0x77: {  	[tilespmem:s21], [sflag:$0x2] =	stream.indirect.gather [hbm4b:s10+s20], $0x40, s25, s20, $0xb8;
	[tilespmem:$0x19E40] =	vst v63  }
0x78: {  	_ =	swait.ge [sflag:s22], $0x3200  }
0x79: {  	[sflag:s22] =	ssyncset.done $0x0  }
0x7a: {  	[sflag:s22] =	ssyncadd.s32 $0xFFFFCE00  }
0x7b: {  	_ =	swait.ge [sflag:s23], $0x3200  }
0x7c: {  	s1 =	stileid.u32;
	[sflag:s23] =	ssyncset.done $0x0  }
0x7d: {  	s0 =	sshll.u32 s1, $0x6;
	[sflag:s23] =	ssyncadd.s32 $0xFFFFCE00  }
0x7e: {  	s31 =	sshrl.u32 s6, $0x3;
	s30 =	sor.u32 $0x1C03, s0;
	[bflag:$0x0] =	sbarrier.arrive $0xFFFF  }
0x7f: {  	[hbm:s11], [sflag:s30] =	dma.local [spmem:s31], $0x13C0  }
0x80: {  	_ =	swait.ge [sflag:s17], $0x13C0  }
0x81: {  	[sflag:s17] =	ssyncset.done $0x0  }
0x82: {  	[sflag:s17] =	ssyncadd.s32 $0xFFFFEC40  }
0x83: {  	s3 =	simm.s32 $0x0;
	[bflag:$0x0] =	sbarrier.arrive $0xFFFF  }
0x84: {  	[tilespmem:s3], [sflag:$0x3] =	stream.linear.gather [hbm4b:s12+s3], $0x4E20, $0x38;
	[tilespmem:$0x19E40] =	vst v63  }
0x85: {  	_ =	swait.ge [sflag:s17], $0x4E20  }
0x86: {  	[sflag:s17] =	ssyncset.done $0x0  }
0x87: {  	[sflag:s17] =	ssyncadd.s32 $0xFFFFB1E0  }
0x88: {  	[tilespmem:s18], [sflag:$0x3] =	stream.linear.gather [hbm4b:s13+s3], $0x4E20, $0x38;
	[tilespmem:$0x19E40] =	vst v63  }
0x89: {  	_ =	swait.ge [sflag:s17], $0x4E20  }
0x8a: {  	[sflag:s17] =	ssyncset.done $0x0  }
0x8b: {  	s1 =	simm.s32 $0x0;
	s0 =	simm.s32 $0x100;
	[sflag:s17] =	ssyncadd.s32 $0xFFFFB1E0  }
.LBB2_6:
0x8c: {  	p0 =	sne.s32 s0, $0xC700;
	[tilespmem:s1+$0x9C70] =	vst v0;
	s3 =	smov.u32 s0;
	s0 =	sadd.s32 $0x100, s0  }
.Ltmp2:
0x8d: {  	[tilespmem:s1+$0x9C60] =	vst v0;
	(pc) =	sbr.rel @p0 .LBB2_6-.Ltmp2, $3  }
0x8e: {  	[tilespmem:s1+$0x9C40] =	vst v0  }
0x8f: {  	[tilespmem:s1+$0x9C50] =	vst v0;
	_ =	sdelay $0x1  }
0x90: {  	s1 =	sshra.s32 s3, $0x2  }
0x91: {  	[tilespmem:s1+$0x9C70] =	vst v0  }
0x92: {  	[tilespmem:s1+$0x9C60] =	vst v0  }
0x93: {  	[tilespmem:s1+$0x9C40] =	vst v0  }
0x94: {  	[tilespmem:s1+$0x9C50] =	vst v0  }
0x95: {  	[spmem:s6] =	stream.linear.scatter [tilespmem:s19], [sflag:$0x3], $0x3200, $0x38;
	[tilespmem:$0x19E40] =	vst v63  }
0x96: {  	_ =	swait.ge [sflag:s17], $0x3200  }
0x97: {  	[sflag:s17] =	ssyncset.done $0x0  }
0x98: {  	[sflag:s17] =	ssyncadd.s32 $0xFFFFCE00  }
0x99: {  	[spmem:s7] =	stream.linear.scatter [tilespmem:s19], [sflag:$0x3], $0x3200, $0x38;
	[tilespmem:$0x19E40] =	vst v63  }
0x9a: {  	_ =	swait.ge [sflag:s17], $0x3200  }
0x9b: {  	[sflag:s17] =	ssyncset.done $0x0  }
0x9c: {  	[sflag:s17] =	ssyncadd.s32 $0xFFFFCE00  }
0x9d: {  	[spmem:s8] =	stream.linear.scatter [tilespmem:s19], [sflag:$0x3], $0x3200, $0x38;
	[tilespmem:$0x19E40] =	vst v63  }
0x9e: {  	_ =	swait.ge [sflag:s17], $0x3200  }
0x9f: {  	[sflag:s17] =	ssyncset.done $0x0  }
0xa0: {  	[sflag:s17] =	ssyncadd.s32 $0xFFFFCE00  }
0xa1: {  	[spmem:s9] =	stream.linear.scatter [tilespmem:s19], [sflag:$0x3], $0x800, $0x38;
	[tilespmem:$0x19E40] =	vst v63  }
0xa2: {  	_ =	swait.ge [sflag:s17], $0x800  }
0xa3: {  	[sflag:s17] =	ssyncset.done $0x0  }
0xa4: {  	[sflag:s17] =	ssyncadd.s32 $0xFFFFF800  }
0xa5: {  	s0 =	simm.s32 $0x0;
	[bflag:$0x0] =	sbarrier.arrive $0xFFFF  }
0xa6: {  	[tilespmem:s19], [sflag:$0x1] =	stream.indirect.gather [hbm4b:s14+s20], $0x40, s0, s20, $0xb8;
	[tilespmem:$0x19E40] =	vst v63  }
0xa7: {  	_ = 	snop  }
0xa8: {  	[tilespmem:s21], [sflag:$0x2] =	stream.indirect.gather [hbm4b:s14+s20], $0x40, s20, s20, $0xb8;
	[tilespmem:$0x19E40] =	vst v63  }
0xa9: {  	_ =	swait.ge [sflag:s22], $0x3200  }
0xaa: {  	[sflag:s22] =	ssyncset.done $0x0  }
0xab: {  	s3 =	simm.s32 $0x4E20;
	[sflag:s22] =	ssyncadd.s32 $0xFFFFCE00  }
0xac: {  	[spmem:s2] =	stream.indirect.scatter.add.f32 [tilespmem:s19], [sflag:$0x3], $0x40, s3, s20, $0xb8;
	[tilespmem:$0x19E40] =	vst v63  }
0xad: {  	_ =	swait.ge [sflag:s17], $0x3200  }
0xae: {  	[sflag:s17] =	ssyncset.done $0x0  }
0xaf: {  	s1 =	simm.s32 $0x190;
	[sflag:s17] =	ssyncadd.s32 $0xFFFFCE00  }
0xb0: {  	[tilespmem:s19], [sflag:$0x1] =	stream.indirect.gather [hbm4b:s14+s20], $0x40, s1, s20, $0xb8;
	[tilespmem:$0x19E40] =	vst v63  }
0xb1: {  	_ =	swait.ge [sflag:s23], $0x3200  }
0xb2: {  	[sflag:s23] =	ssyncset.done $0x0  }
0xb3: {  	s3 =	simm.s32 $0x4EE8;
	[sflag:s23] =	ssyncadd.s32 $0xFFFFCE00  }
0xb4: {  	[spmem:s2] =	stream.indirect.scatter.add.f32 [tilespmem:s21], [sflag:$0x3], $0x40, s3, s20, $0xb8;
	[tilespmem:$0x19E40] =	vst v63  }
0xb5: {  	_ =	swait.ge [sflag:s17], $0x3200  }
0xb6: {  	[sflag:s17] =	ssyncset.done $0x0  }
0xb7: {  	s0 =	simm.s32 $0x258;
	s1 =	simm.s32 $0x640;
	[sflag:s17] =	ssyncadd.s32 $0xFFFFCE00  }
.LBB2_8:
0xb8: {  	[tilespmem:s21], [sflag:$0x2] =	stream.indirect.gather [hbm4b:s14+s20], $0x40, s0, s20, $0xb8;
	[tilespmem:$0x19E40] =	vst v63  }
0xb9: {  	s0 =	smov.u32 s1;
	s1 =	sadd.s32 $0x640, s1;
	_ =	swait.ge [sflag:s22], $0x3200  }
0xba: {  	s0 =	sshra.s32 s0, $0x2;
	p0 =	sne.s32 s1, $0x12C00;
	[sflag:s22] =	ssyncset.done $0x0  }
0xbb: {  	s3 =	sadd.s32 $0x4E20, s0;
	[sflag:s22] =	ssyncadd.s32 $0xFFFFCE00  }
0xbc: {  	[spmem:s2] =	stream.indirect.scatter.add.f32 [tilespmem:s19], [sflag:$0x3], $0x40, s3, s20, $0xb8;
	[tilespmem:$0x19E40] =	vst v63  }
0xbd: {  	_ =	swait.ge [sflag:s17], $0x3200  }
0xbe: {  	[sflag:s17] =	ssyncset.done $0x0  }
0xbf: {  	s3 =	sadd.s32 $0x190, s0;
	[sflag:s17] =	ssyncadd.s32 $0xFFFFCE00  }
0xc0: {  	[tilespmem:s19], [sflag:$0x1] =	stream.indirect.gather [hbm4b:s14+s20], $0x40, s3, s20, $0xb8;
	[tilespmem:$0x19E40] =	vst v63  }
0xc1: {  	_ =	swait.ge [sflag:s23], $0x3200  }
0xc2: {  	[sflag:s23] =	ssyncset.done $0x0  }
.Ltmp3:
0xc3: {  	s3 =	sadd.s32 $0x4EE8, s0;
	[sflag:s23] =	ssyncadd.s32 $0xFFFFCE00;
	(pc) =	sbr.rel @p0 .LBB2_8-.Ltmp3, $4  }
0xc4: {  	[spmem:s2] =	stream.indirect.scatter.add.f32 [tilespmem:s21], [sflag:$0x3], $0x40, s3, s20, $0xb8;
	[tilespmem:$0x19E40] =	vst v63  }
0xc5: {  	_ =	swait.ge [sflag:s17], $0x3200  }
0xc6: {  	[sflag:s17] =	ssyncset.done $0x0  }
0xc7: {  	s0 =	sadd.s32 $0x258, s0;
	[sflag:s17] =	ssyncadd.s32 $0xFFFFCE00  }
0xc8: {  	[tilespmem:s21], [sflag:$0x2] =	stream.indirect.gather [hbm4b:s14+s20], $0x40, s0, s20, $0xb8;
	[tilespmem:$0x19E40] =	vst v63  }
0xc9: {  	_ =	swait.ge [sflag:s22], $0x3200  }
0xca: {  	s3 =	sshra.s32 s1, $0x2;
	[sflag:s22] =	ssyncset.done $0x0  }
0xcb: {  	s1 =	sadd.s32 $0x4E20, s3;
	[sflag:s22] =	ssyncadd.s32 $0xFFFFCE00  }
0xcc: {  	[spmem:s2] =	stream.indirect.scatter.add.f32 [tilespmem:s19], [sflag:$0x3], $0x40, s1, s20, $0xb8;
	[tilespmem:$0x19E40] =	vst v63  }
0xcd: {  	_ =	swait.ge [sflag:s17], $0x3200  }
0xce: {  	[sflag:s17] =	ssyncset.done $0x0  }
0xcf: {  	[sflag:s17] =	ssyncadd.s32 $0xFFFFCE00  }
0xd0: {  	[tilespmem:s19], [sflag:$0x1] =	stream.indirect.gather [hbm4b:s14+s20], $0x40, s24, s20, $0xb8;
	[tilespmem:$0x19E40] =	vst v63  }
0xd1: {  	_ =	swait.ge [sflag:s23], $0x3200  }
0xd2: {  	[sflag:s23] =	ssyncset.done $0x0  }
0xd3: {  	s0 =	sadd.s32 $0x4EE8, s3;
	[sflag:s23] =	ssyncadd.s32 $0xFFFFCE00  }
0xd4: {  	[spmem:s2] =	stream.indirect.scatter.add.f32 [tilespmem:s21], [sflag:$0x3], $0x40, s0, s20, $0xb8;
	[tilespmem:$0x19E40] =	vst v63  }
0xd5: {  	_ =	swait.ge [sflag:s17], $0x3200  }
0xd6: {  	[sflag:s17] =	ssyncset.done $0x0  }
0xd7: {  	[sflag:s17] =	ssyncadd.s32 $0xFFFFCE00  }
0xd8: {  	[tilespmem:s21], [sflag:$0x2] =	stream.indirect.gather [hbm4b:s14+s20], $0x40, s25, s20, $0xb8;
	[tilespmem:$0x19E40] =	vst v63  }
0xd9: {  	_ =	swait.ge [sflag:s22], $0x3200  }
0xda: {  	[sflag:s22] =	ssyncset.done $0x0  }
0xdb: {  	[sflag:s22] =	ssyncadd.s32 $0xFFFFCE00  }
0xdc: {  	[spmem:s2] =	stream.indirect.scatter.add.f32 [tilespmem:s19], [sflag:$0x3], $0x40, s26, s20, $0xb8;
	[tilespmem:$0x19E40] =	vst v63  }
0xdd: {  	_ =	swait.ge [sflag:s17], $0x3200  }
0xde: {  	[sflag:s17] =	ssyncset.done $0x0  }
0xdf: {  	[sflag:s17] =	ssyncadd.s32 $0xFFFFCE00  }
0xe0: {  	[tilespmem:s19], [sflag:$0x1] =	stream.indirect.gather [hbm4b:s14+s20], $0x40, s25, s20, $0xb8;
	[tilespmem:$0x19E40] =	vst v63  }
0xe1: {  	_ =	swait.ge [sflag:s23], $0x3200  }
0xe2: {  	[sflag:s23] =	ssyncset.done $0x0  }
0xe3: {  	[sflag:s23] =	ssyncadd.s32 $0xFFFFCE00  }
0xe4: {  	[spmem:s2] =	stream.indirect.scatter.add.f32 [tilespmem:s21], [sflag:$0x3], $0x40, s28, s20, $0xb8;
	[tilespmem:$0x19E40] =	vst v63  }
0xe5: {  	_ =	swait.ge [sflag:s17], $0x3200  }
0xe6: {  	[sflag:s17] =	ssyncset.done $0x0  }
0xe7: {  	[sflag:s17] =	ssyncadd.s32 $0xFFFFCE00  }
0xe8: {  	[tilespmem:s21], [sflag:$0x2] =	stream.indirect.gather [hbm4b:s14+s20], $0x40, s25, s20, $0xb8;
	[tilespmem:$0x19E40] =	vst v63  }
0xe9: {  	_ =	swait.ge [sflag:s22], $0x3200  }
0xea: {  	[sflag:s22] =	ssyncset.done $0x0  }
0xeb: {  	[sflag:s22] =	ssyncadd.s32 $0xFFFFCE00  }
0xec: {  	_ =	swait.ge [sflag:s23], $0x3200  }
0xed: {  	s29 =	sadd.s32 $0x1, s29;
	[sflag:s23] =	ssyncset.done $0x0  }
0xee: {  	p0 =	sne.s32 s29, s16;
	[sflag:s23] =	ssyncadd.s32 $0xFFFFCE00  }
.Ltmp4:
0xef: {  	[bflag:$0x0] =	sbarrier.arrive $0xFFFF;
	(pc) =	sbr.rel @p0 .LBB2_1-.Ltmp4, $4  }
0xf0: {  	[hbm:s15], [sflag:s30] =	dma.local [spmem:s31], $0x13C0  }
0xf1: {  	_ =	swait.ge [sflag:s17], $0x13C0  }
0xf2: {  	[sflag:s17] =	ssyncset.done $0x0  }
0xf3: {  	[sflag:s17] =	ssyncadd.s32 $0xFFFFEC40  }
0xf4: {  	_ =	sfence.sel $0x180000  }
0xf5: {  	[bflag:$0x0] =	sbarrier.arrive $0xFFFF  }
0xf6: {  	_ =	strace $0x9000004A  }
0xf7: {  	s0 =	stileid.u32;
	[bflag:$0x2] =	sbarrier.arrive $0xFFFF  }
0xf8: {  	p0 =	sne.s32 s0, $0x0;
	s0 =	rddreg [dreg:$0x2]  }
0xf9: {  	s0 =	sadd.s32 @!p0 $0x100000, s0  }
0xfa: {  	[sflag:s0] =	ssyncadd.tile.s32 @!p0 $0x1;
	_ =	shalt  }
.Lfunc_end2:
_tile_overlayer_lowered:
.L_overlay_start_2:
0xfb: {  	(tag) =	ssettag $0x2  }
0xfc: {  	s0 =	rddreg [dreg:$0x0];
	s2 =	stileid.u32  }
0xfd: {  	s1 =	rddreg [dreg:$0x1];
	p0 =	sne.s32 s2, $0x0  }
0xfe: {  	s3 =	rddreg [dreg:$0x2];
	[bflag:$0x3] =	sbarrier.arrive $0xFFFF;
	s2 =	simm.s32 @!p0 $0x1C03  }
0xff: {  	[timem:s3], [sflag:s2] =	dma.local @!p0 [hbm:s0], s1  }
0x100: {  	s0 =	simm.s32 @!p0 $0x3  }
0x101: {  	_ =	swait.ge @!p0 [sflag:s0], s1  }
0x102: {  	s1 =	ssub.s32 @!p0 $0x0, s1;
	[sflag:s0] =	ssyncset.done @!p0 $0x0  }
0x103: {  	[sflag:s0] =	ssyncadd.s32 @!p0 s1  }
0x104: {  	[bflag:$0x3] =	sbarrier.arrive $0xFFFF  }
0x105: {  	_ =	shalt  }

// kernel: kernel.14.cloned.1.call-start
scs
__scs_entry_jumppad:
0x0: {  	(pc) =	sbr.rel $0x88, $3  }
0x1: {  	(tag) =	ssettag $0x0;
	lr =	simm.s32 $0x1  }
0x2: {  	[smem:$0x3F96] =	sst lr;
	_ =	strace $0xD0000000  }
0x3: {  	_ = 	snop  }
0x4: {  	_ = 	snop  }
0x5: {  	_ = 	snop  }
0x6: {  	_ = 	snop  }
0x7: {  	_ = 	snop  }
__scs_overlays_trampoline_lowered:
0x8: {  	[smem:$0x3FA5] =	sst s0  }
0x9: {  	[smem:$0x3FA6] =	sst s1  }
0xa: {  	[smem:$0x3FA7] =	sst s2  }
0xb: {  	[smem:$0x3FA8] =	sst s3  }
0xc: {  	[smem:$0x3FA9] =	sst s4  }
0xd: {  	[smem:$0x3FAA] =	sst s5  }
0xe: {  	[smem:$0x3FAB] =	sst s6  }
0xf: {  	[smem:$0x3FAC] =	sst s7  }
0x10: {  	[smem:$0x3FAD] =	sst s8  }
0x11: {  	[smem:$0x3FAE] =	sst s9;
	s0 =	simm.s32 @!p0 $0x0  }
0x12: {  	s1 =	sld [smem:$0x3F94];
	s0 =	simm.s32 @p0 $0x1  }
0x13: {  	[smem:$0x3FAF] =	sst s0;
	s0 =	simm.s32 @!p1 $0x0  }
0x14: {  	s2 =	sld [smem:$0x3F93];
	s0 =	simm.s32 @p1 $0x1  }
0x15: {  	[smem:$0x3FB0] =	sst s0;
	s0 =	simm.s32 @!p2 $0x0  }
0x16: {  	s3 =	sld [smem:$0x3FDB];
	s0 =	simm.s32 @p2 $0x1  }
0x17: {  	s4 =	simm.s32 $0x1BF5;
	[smem:$0x3FB2] =	sst s0  }
0x18: {  	s0 =	sld [smem:$0x3F95];
	_ =	swait.ge [sflag:s4], $0x0  }
0x19: {  	s7 =	sld [smem:$0x3F96]  }
0x1a: {  	s8 =	sadd.s32 $0xFFFFE003, lr  }
0x1b: {  	s9 =	sadd.s32 $0xFFFFFEF7, lr;
	s5 =	simm.s32 $0xFFFFFFFF;
	p2 =	slt.u32 s8, $0xFFFFF086  }
0x1c: {  	p1 =	slt.u32 s9, $0xF7A;
	s5 =	simm.s32 @!p2 $0x0  }
0x1d: {  	s5 =	simm.s32 @p1 $0x1;
	p0 =	seq.s32 s7, s2  }
0x1e: {  	s7 =	smul.u32 @!p0 $0xF7A, s2;
	p2 =	seq.s32 @!p0 s5, $0x0  }
0x1f: {  	s9 =	smul.u32 $0xF7A, s1;
	s8 =	simm.s32 @!p0 $0x1BF5;
	p2 =	por !p2, p0  }
0x20: {  	[sflag:s8] =	ssyncset.s32 @!p0 $0xFFFFF086;
	s6 =	sadd.s32 @!p0 s3, s7;
	s7 =	simm.s32 @!p0 $0x108  }
0x21: {  	s3 =	sadd.s32 s3, s9;
	s6 =	sadd.s32 @!p0 $0x88, s6;
	s7 =	simm.s32 @p2 $0x1082  }
0x22: {  	[simem:s7], [sflag:s8] =	dma.local @!p0 [hbm:s6], $0xF7A  }
0x23: {  	s9 =	sor.u32 $0xD0000000, s2;
	s6 =	simm.s32 $0x108;
	_ =	swait.ge @!p0 [sflag:s8], $0x0  }
0x24: {  	s3 =	sadd.s32 $0x88, s3;
	s6 =	simm.s32 @!p1 $0x1082;
	[sflag:s4] =	ssyncset.s32 $0xFFFFF086  }
0x25: {  	[simem:s6], [sflag:s4] =	dma.local [hbm:s3], $0xF7A  }
0x26: {  	[smem:$0x3F96] =	sst s1;
	(tag) =	ssettag s2;
	_ =	strace s9  }
0x27: {  	s1 =	sld [smem:$0x3FA6]  }
0x28: {  	s2 =	sld [smem:$0x3FA7]  }
0x29: {  	s4 =	sld [smem:$0x3FA9]  }
0x2a: {  	p0 =	seq.s32 s5, $0x0;
	s5 =	sld [smem:$0x3FAA]  }
0x2b: {  	s6 =	sld [smem:$0x3FAB]  }
0x2c: {  	s7 =	sld [smem:$0x3FAC]  }
0x2d: {  	s3 =	simm.s32 $0x108;
	s8 =	sld [smem:$0x3FAD]  }
0x2e: {  	s3 =	simm.s32 @!p0 $0x1082;
	s9 =	sld [smem:$0x3FAE]  }
0x2f: {  	lr =	sadd.s32 s0, s3;
	s0 =	sld [smem:$0x3FA5]  }
0x30: {  	s3 =	sld [smem:$0x3FA8]  }
0x31: {  	[smem:$0x3FB1] =	sst s10  }
0x32: {  	s10 =	sld [smem:$0x3FAF];
	_ =	sdelay $0x3  }
0x33: {  	p0 =	seq.s32 s10, $0x1;
	s10 =	sld [smem:$0x3FB1];
	_ =	sdelay $0x3  }
0x34: {  	[smem:$0x3FB1] =	sst s10  }
0x35: {  	s10 =	sld [smem:$0x3FB0];
	_ =	sdelay $0x3  }
0x36: {  	p1 =	seq.s32 s10, $0x1;
	s10 =	sld [smem:$0x3FB1];
	_ =	sdelay $0x3  }
0x37: {  	[smem:$0x3FB1] =	sst s10  }
0x38: {  	s10 =	sld [smem:$0x3FB2]  }
0x39: {  	_ = 	snop;
	(pc) =	sbr.ind lr, $3  }
0x3a: {  	_ = 	snop  }
0x3b: {  	_ = 	snop  }
0x3c: {  	p2 =	seq.s32 s10, $0x1;
	s10 =	sld [smem:$0x3FB1]  }
0x3d: {  	_ =	shalt  }
0x3e: {  	_ =	shalt  }
0x3f: {  	_ =	shalt  }
0x40: {  	_ =	shalt  }
0x41: {  	_ =	shalt  }
0x42: {  	_ =	shalt  }
0x43: {  	_ =	shalt  }
0x44: {  	_ =	shalt  }
0x45: {  	_ =	shalt  }
0x46: {  	_ =	shalt  }
0x47: {  	_ =	shalt  }
0x48: {  	_ =	shalt  }
0x49: {  	_ =	shalt  }
0x4a: {  	_ =	shalt  }
0x4b: {  	_ =	shalt  }
0x4c: {  	_ =	shalt  }
0x4d: {  	_ =	shalt  }
0x4e: {  	_ =	shalt  }
0x4f: {  	_ =	shalt  }
0x50: {  	_ =	shalt  }
0x51: {  	_ =	shalt  }
0x52: {  	_ =	shalt  }
0x53: {  	_ =	shalt  }
0x54: {  	_ =	shalt  }
0x55: {  	_ =	shalt  }
0x56: {  	_ =	shalt  }
0x57: {  	_ =	shalt  }
0x58: {  	_ =	shalt  }
0x59: {  	_ =	shalt  }
0x5a: {  	_ =	shalt  }
0x5b: {  	_ =	shalt  }
0x5c: {  	_ =	shalt  }
0x5d: {  	_ =	shalt  }
0x5e: {  	_ =	shalt  }
0x5f: {  	_ =	shalt  }
0x60: {  	_ =	shalt  }
0x61: {  	_ =	shalt  }
0x62: {  	_ =	shalt  }
0x63: {  	_ =	shalt  }
0x64: {  	_ =	shalt  }
0x65: {  	_ =	shalt  }
0x66: {  	_ =	shalt  }
0x67: {  	_ =	shalt  }
0x68: {  	_ =	shalt  }
0x69: {  	_ =	shalt  }
0x6a: {  	_ =	shalt  }
0x6b: {  	_ =	shalt  }
0x6c: {  	_ =	shalt  }
0x6d: {  	_ =	shalt  }
0x6e: {  	_ =	shalt  }
0x6f: {  	_ =	shalt  }
0x70: {  	_ =	shalt  }
0x71: {  	_ =	shalt  }
0x72: {  	_ =	shalt  }
0x73: {  	_ =	shalt  }
0x74: {  	_ =	shalt  }
0x75: {  	_ =	shalt  }
0x76: {  	_ =	shalt  }
0x77: {  	_ =	shalt  }
0x78: {  	_ =	shalt  }
0x79: {  	_ =	shalt  }
0x7a: {  	_ =	shalt  }
0x7b: {  	_ =	shalt  }
0x7c: {  	_ =	shalt  }
0x7d: {  	_ =	shalt  }
0x7e: {  	_ =	shalt  }
0x7f: {  	_ =	shalt  }
0x80: {  	_ =	shalt  }
0x81: {  	_ =	shalt  }
0x82: {  	_ =	shalt  }
0x83: {  	_ =	shalt  }
0x84: {  	_ =	shalt  }
0x85: {  	_ =	shalt  }
0x86: {  	_ =	shalt  }
0x87: {  	_ =	shalt  }
.Lfunc_end0:
.L_simem_size_0:
called_computation.2_lowered:
.L_overlay_start_0:
0x88: {  	s2 =	sld [smem:$0x3FD9]  }
0x89: {  	s3 =	sld [smem:$0x3FFE];
	_ =	sdelay $0x1  }
0x8a: {  	s1 =	srdreg.scid  }
0x8b: {  	s0 =	sand.u32 $0x1, s1  }
0x8c: {  	s16 =	sshll.u32 s0, $0xA;
	s2 =	sadd.s32 s3, s2  }
0x8d: {  	s2 =	sadd.s32 s2, s16  }
0x8e: {  	[smem:$0x3FBD] =	sst s2  }
0x8f: {  	_ = 	snop  }
0x90: {  	(tm) =	ssettm $0x1  }
0x91: {  	s17 =	sld [smem:$0x3FFB];
	_ =	sdelay $0x3  }
0x92: {  	_ =	strace s17  }
0x93: {  	s2 =	sld [smem:$0x3FFC];
	_ =	sdelay $0x3  }
0x94: {  	_ =	strace s2  }
0x95: {  	s2 =	sld [smem:$0x3FFD];
	_ =	sdelay $0x3  }
0x96: {  	_ =	strace s2  }
0x97: {  	_ =	strace $0x8FFFFFFF  }
0x98: {  	s18 =	sld [smem:$0x3FDB];
	_ =	sdelay $0x1  }
0x99: {  	s19 =	simm.s32 $_scs_section_size  }
0x9a: {  	s4 =	simm.s32 $_size__tile_overlayer_lowered;
	s5 =	simm.s32 $_tile_overlayer_lowered  }
0x9b: {  	s22 =	simm.s32 $0x1BFF;
	s21 =	sshll.u32 s5, $0x1;
	s2 =	sadd.s32 s19, s18  }
0x9c: {  	s6 =	simm.s32 $0x0;
	s20 =	sshll.u32 s4, $0x1;
	s4 =	sadd.s32 s21, s2  }
0x9d: {  	[timem:s6], [sflag:s22] =	dma.local [hbm:s4], s20  }
0x9e: {  	_ =	swait.ge [sflag:s22], s20  }
0x9f: {  	s3 =	ssub.s32 $0x0, s20;
	[sflag:s22] =	ssyncset.done $0x0  }
0xa0: {  	[sflag:s22] =	ssyncadd.s32 s3;
	_ =	sdelay $0x1  }
0xa1: {  	s23 =	simm.s32 $0x1B8B  }
0xa2: {  	_ =	swait.ge [sflag:s23], $0x1  }
0xa3: {  	[sflag:s23] =	ssyncset.done $0x0  }
0xa4: {  	s25 =	simm.s32 $0x1B8E;
	s24 =	sld [smem:$0x3FFE];
	[sflag:s23] =	ssyncadd.s32 $0xFFFFFFFF  }
0xa5: {  	s26 =	simm.s32 $execute0_lowered;
	[smem:$0x3FD2] =	sst s25  }
0xa6: {  	s4 =	sshll.u32 s26, $0x1;
	_ =	strace $0x8000004C;
	[dreg:$0x1] =	wrdreg $0xFFFFFFFF  }
0xa7: {  	s28 =	simm.s32 $_size_execute0_lowered;
	s2 =	sadd.s32 s2, s4;
	[dreg:$0x0] =	wrdreg $0x0  }
0xa8: {  	s4 =	sshll.u32 s28, $0x1;
	[dreg:$0x2] =	wrdreg s2  }
0xa9: {  	[dreg:$0x3] =	wrdreg s4  }
0xaa: {  	[dreg:$0x4] =	wrdreg $0xC0  }
0xab: {  	_ =	task [dreg:s6], $0x5FFFF  }
0xac: {  	[dreg:$0x1] =	wrdreg $0xFFFFFFFF  }
0xad: {  	[dreg:$0x0] =	wrdreg $0x60  }
0xae: {  	[dreg:$0x2] =	wrdreg s24  }
0xaf: {  	[dreg:$0x3] =	wrdreg $0x100400  }
0xb0: {  	[dreg:$0x4] =	wrdreg $0x9  }
0xb1: {  	_ =	task.clear_ibuf [dreg:s6], $0x5FFFF;
	_ =	strace $0x9000004C  }
0xb2: {  	s29 =	simm.s32 $0x9;
	_ =	strace $0x8000004E  }
0xb3: {  	_ =	swait.ge [sflag:s29], $0x1  }
0xb4: {  	[sflag:s29] =	ssyncadd.s32 $0xFFFFFFFF  }
0xb5: {  	_ =	strace $0x9000004E  }
0xb6: {  	_ =	sfence  }
0xb7: {  	s30 =	sld [smem:$0x0];
	_ =	sdelay $0x2  }
0xb8: {  	s31 =	sshll.u32 s1, $0xD;
	s1 =	sshrl.u32 s1, $0x2  }
0xb9: {  	s3 =	sand.u32 $0x4000, s31;
	s1 =	sadd.s32 s1, s30  }
0xba: {  	s0 =	sor.u32 s3, s0;
	s1 =	sshll.u32 s1, $0x11  }
0xbb: {  	s0 =	sor.u32 s1, s0  }
0xbc: {  	s0 =	sadd.s32 $0x8F2B, s0  }
0xbd: {  	[sflag:s0] =	ssyncadd.remote.s32 $0x1  }
0xbe: {  	_ =	sfence.sel $0xFFFF  }
0xbf: {  	[dreg:$0x0] =	wrdreg $0xFFFFFFFF;
	(pc) =	sbr.abs _section_cstart, $3  }
0xc0: {  	[dreg:$0x1] =	wrdreg $0xFFFFFFFF  }
0xc1: {  	_ =	task.clear_ibuf [dreg:s6], $0x2FFFF;
	_ =	strace $0x9FFFFFFF  }
0xc2: {  	(tm) =	ssettm $0x7FFFFFFF  }
0xc3: {  	_ =	shalt  }
tec
execute0_lowered:
.L_overlay_start_1:
0x0: {  	(tag) =	ssettag $0x1  }
0x1: {  	s4 =	rddreg [dreg:$0x0]  }
0x2: {  	s0 =	srdreg.scid;
	s2 =	rddreg [dreg:$0x1]  }
0x3: {  	s1 =	rddreg [dreg:$0x2];
	s3 =	simm.s32 $0x0;
	s14 =	simm.s32 $0x4E20  }
0x4: {  	s15 =	simm.s32 $0x9C40;
	s16 =	simm.s32 $0xC8;
	s17 =	simm.s32 $0xCE40  }
0x5: {  	s18 =	simm.s32 $0x1;
	s19 =	simm.s32 $0x2;
	s5 =	sand.u32 $0x1, s0  }
0x6: {  	s20 =	simm.s32 $0x4C90;
	s0 =	stileid.u32;
	s6 =	smul.u32 $0x9C400, s5  }
0x7: {  	s21 =	simm.s32 $0x4D58;
	s22 =	simm.s32 $0x9AB0;
	s7 =	smul.u32 $0x4E20, s0  }
0x8: {  	s23 =	simm.s32 $0x9B78;
	s24 =	simm.s32 $0x0;
	s8 =	smul.u32 $0x9E00, s0  }
0x9: {  	[smem:$0x7FF] =	sst s3;
	s9 =	smul.u32 $0x9E000, s5;
	s5 =	ssub.s32 $0x2, s5  }
0xa: {  	_ =	strace $0x8000004D;
	s10 =	smul.u32 $0x27800, s0;
	s30 =	sshrl.u32 s5, $0x1  }
0xb: {  	s7 =	sadd.s32 s7, s6;
	s6 =	sshrl.u32 s6, $0x3;
	s9 =	sadd.s32 s8, s9  }
0xc: {  	s13 =	ssub.s32 s5, s30;
	s31 =	sshrl.u32 s10, $0x2;
	s7 =	sshrl.u32 s7, $0x3  }
0xd: {  	s9 =	sshrl.u32 s9, $0x3;
	s11 =	sadd.s32 s6, s4;
	s6 =	sadd.s32 s8, s2  }
0xe: {  	s7 =	sadd.s32 s7, s4;
	s12 =	sadd.s32 s9, s4;
	s9 =	sadd.s32 s31, s2  }
0xf: {  	s10 =	sadd.s32 $0xC6E00, s11;
	s4 =	sadd.s32 $0x3800, s7;
	s5 =	sadd.s32 $0xD440, s7  }
0x10: {  	s7 =	sadd.s32 $0x3200, s9;
	s8 =	sadd.s32 $0x6400, s9;
	s9 =	sadd.s32 $0x9600, s9  }
0x11: {  	v0 =	vimm.f32 $0.0e+00;
	s11 =	sadd.s32 $0xEE000, s12;
	s12 =	smax.u32 s13, $0x1;
	s13 =	simm.s32 $0x3  }
.LBB2_1:
0x12: {  	[tilespmem:s3], [sflag:$0x3] =	stream.linear.gather [hbm4b:s4+s3], $0x4E20, $0x38;
	[tilespmem:$0x19E40] =	vst v63  }
0x13: {  	_ =	swait.ge [sflag:s13], $0x4E20  }
0x14: {  	[sflag:s13] =	ssyncset.done $0x0  }
0x15: {  	[sflag:s13] =	ssyncadd.s32 $0xFFFFB1E0  }
0x16: {  	[tilespmem:s14], [sflag:$0x3] =	stream.linear.gather [hbm4b:s5+s3], $0x4E20, $0x38;
	[tilespmem:$0x19E40] =	vst v63  }
0x17: {  	_ =	swait.ge [sflag:s13], $0x4E20  }
0x18: {  	[sflag:s13] =	ssyncset.done $0x0  }
0x19: {  	s26 =	simm.s32 $0x100;
	s25 =	simm.s32 $0x0;
	[sflag:s13] =	ssyncadd.s32 $0xFFFFB1E0  }
.LBB2_2:
0x1a: {  	p0 =	sne.s32 s26, $0xC700;
	[tilespmem:s25+$0x9C70] =	vst v0;
	s28 =	smov.u32 s26;
	s26 =	sadd.s32 $0x100, s26  }
.Ltmp0:
0x1b: {  	[tilespmem:s25+$0x9C60] =	vst v0;
	(pc) =	sbr.rel @p0 .LBB2_2-.Ltmp0, $3  }
0x1c: {  	[tilespmem:s25+$0x9C40] =	vst v0  }
0x1d: {  	[tilespmem:s25+$0x9C50] =	vst v0;
	_ =	sdelay $0x1  }
0x1e: {  	s25 =	sshra.s32 s28, $0x2  }
0x1f: {  	[tilespmem:s25+$0x9C70] =	vst v0  }
0x20: {  	[tilespmem:s25+$0x9C60] =	vst v0  }
0x21: {  	[tilespmem:s25+$0x9C40] =	vst v0  }
0x22: {  	[tilespmem:s25+$0x9C50] =	vst v0  }
0x23: {  	[spmem:s6] =	stream.linear.scatter [tilespmem:s15], [sflag:$0x3], $0x3200, $0x38;
	[tilespmem:$0x19E40] =	vst v63  }
0x24: {  	_ =	swait.ge [sflag:s13], $0x3200  }
0x25: {  	[sflag:s13] =	ssyncset.done $0x0  }
0x26: {  	[sflag:s13] =	ssyncadd.s32 $0xFFFFCE00  }
0x27: {  	[spmem:s7] =	stream.linear.scatter [tilespmem:s15], [sflag:$0x3], $0x3200, $0x38;
	[tilespmem:$0x19E40] =	vst v63  }
0x28: {  	_ =	swait.ge [sflag:s13], $0x3200  }
0x29: {  	[sflag:s13] =	ssyncset.done $0x0  }
0x2a: {  	[sflag:s13] =	ssyncadd.s32 $0xFFFFCE00  }
0x2b: {  	[spmem:s8] =	stream.linear.scatter [tilespmem:s15], [sflag:$0x3], $0x3200, $0x38;
	[tilespmem:$0x19E40] =	vst v63  }
0x2c: {  	_ =	swait.ge [sflag:s13], $0x3200  }
0x2d: {  	[sflag:s13] =	ssyncset.done $0x0  }
0x2e: {  	[sflag:s13] =	ssyncadd.s32 $0xFFFFCE00  }
0x2f: {  	[spmem:s9] =	stream.linear.scatter [tilespmem:s15], [sflag:$0x3], $0x800, $0x38;
	[tilespmem:$0x19E40] =	vst v63  }
0x30: {  	_ =	swait.ge [sflag:s13], $0x800  }
0x31: {  	[sflag:s13] =	ssyncset.done $0x0  }
0x32: {  	[sflag:s13] =	ssyncadd.s32 $0xFFFFF800  }
0x33: {  	s28 =	simm.s32 $0x0;
	[bflag:$0x0] =	sbarrier.arrive $0xFFFF  }
0x34: {  	[tilespmem:s15], [sflag:$0x1] =	stream.indirect.gather [hbm4b:s10+s16], $0x40, s28, s16, $0xb8;
	[tilespmem:$0x19E40] =	vst v63  }
0x35: {  	_ = 	snop  }
0x36: {  	[tilespmem:s17], [sflag:$0x2] =	stream.indirect.gather [hbm4b:s10+s16], $0x40, s16, s16, $0xb8;
	[tilespmem:$0x19E40] =	vst v63  }
0x37: {  	_ =	swait.ge [sflag:s18], $0x3200  }
0x38: {  	[sflag:s18] =	ssyncset.done $0x0  }
0x39: {  	s29 =	simm.s32 $0x4E20;
	[sflag:s18] =	ssyncadd.s32 $0xFFFFCE00  }
0x3a: {  	[spmem:s2] =	stream.indirect.scatter.add.f32 [tilespmem:s15], [sflag:$0x3], $0x40, s29, s16, $0xb8;
	[tilespmem:$0x19E40] =	vst v63  }
0x3b: {  	_ =	swait.ge [sflag:s13], $0x3200  }
0x3c: {  	[sflag:s13] =	ssyncset.done $0x0  }
0x3d: {  	s30 =	simm.s32 $0x190;
	[sflag:s13] =	ssyncadd.s32 $0xFFFFCE00  }
0x3e: {  	[tilespmem:s15], [sflag:$0x1] =	stream.indirect.gather [hbm4b:s10+s16], $0x40, s30, s16, $0xb8;
	[tilespmem:$0x19E40] =	vst v63  }
0x3f: {  	_ =	swait.ge [sflag:s19], $0x3200  }
0x40: {  	[sflag:s19] =	ssyncset.done $0x0  }
0x41: {  	s31 =	simm.s32 $0x4EE8;
	[sflag:s19] =	ssyncadd.s32 $0xFFFFCE00  }
0x42: {  	[spmem:s2] =	stream.indirect.scatter.add.f32 [tilespmem:s17], [sflag:$0x3], $0x40, s31, s16, $0xb8;
	[tilespmem:$0x19E40] =	vst v63  }
0x43: {  	_ =	swait.ge [sflag:s13], $0x3200  }
0x44: {  	[sflag:s13] =	ssyncset.done $0x0  }
0x45: {  	s25 =	simm.s32 $0x640;
	s26 =	simm.s32 $0x258;
	[sflag:s13] =	ssyncadd.s32 $0xFFFFCE00  }
.LBB2_4:
0x46: {  	[tilespmem:s17], [sflag:$0x2] =	stream.indirect.gather [hbm4b:s10+s16], $0x40, s26, s16, $0xb8;
	[tilespmem:$0x19E40] =	vst v63  }
0x47: {  	s26 =	smov.u32 s25;
	s25 =	sadd.s32 $0x640, s25;
	_ =	swait.ge [sflag:s18], $0x3200  }
0x48: {  	s26 =	sshra.s32 s26, $0x2;
	p0 =	sne.s32 s25, $0x12C00;
	[sflag:s18] =	ssyncset.done $0x0  }
0x49: {  	s28 =	sadd.s32 $0x4E20, s26;
	[sflag:s18] =	ssyncadd.s32 $0xFFFFCE00  }
0x4a: {  	[spmem:s2] =	stream.indirect.scatter.add.f32 [tilespmem:s15], [sflag:$0x3], $0x40, s28, s16, $0xb8;
	[tilespmem:$0x19E40] =	vst v63  }
0x4b: {  	_ =	swait.ge [sflag:s13], $0x3200  }
0x4c: {  	[sflag:s13] =	ssyncset.done $0x0  }
0x4d: {  	s28 =	sadd.s32 $0x190, s26;
	[sflag:s13] =	ssyncadd.s32 $0xFFFFCE00  }
0x4e: {  	[tilespmem:s15], [sflag:$0x1] =	stream.indirect.gather [hbm4b:s10+s16], $0x40, s28, s16, $0xb8;
	[tilespmem:$0x19E40] =	vst v63  }
0x4f: {  	_ =	swait.ge [sflag:s19], $0x3200  }
0x50: {  	[sflag:s19] =	ssyncset.done $0x0  }
.Ltmp1:
0x51: {  	s28 =	sadd.s32 $0x4EE8, s26;
	[sflag:s19] =	ssyncadd.s32 $0xFFFFCE00;
	(pc) =	sbr.rel @p0 .LBB2_4-.Ltmp1, $4  }
0x52: {  	[spmem:s2] =	stream.indirect.scatter.add.f32 [tilespmem:s17], [sflag:$0x3], $0x40, s28, s16, $0xb8;
	[tilespmem:$0x19E40] =	vst v63  }
0x53: {  	_ =	swait.ge [sflag:s13], $0x3200  }
0x54: {  	[sflag:s13] =	ssyncset.done $0x0  }
0x55: {  	s26 =	sadd.s32 $0x258, s26;
	[sflag:s13] =	ssyncadd.s32 $0xFFFFCE00  }
0x56: {  	[tilespmem:s17], [sflag:$0x2] =	stream.indirect.gather [hbm4b:s10+s16], $0x40, s26, s16, $0xb8;
	[tilespmem:$0x19E40] =	vst v63  }
0x57: {  	_ =	swait.ge [sflag:s18], $0x3200  }
0x58: {  	s25 =	sshra.s32 s25, $0x2;
	[sflag:s18] =	ssyncset.done $0x0  }
0x59: {  	s29 =	sadd.s32 $0x4E20, s25;
	[sflag:s18] =	ssyncadd.s32 $0xFFFFCE00  }
0x5a: {  	[spmem:s2] =	stream.indirect.scatter.add.f32 [tilespmem:s15], [sflag:$0x3], $0x40, s29, s16, $0xb8;
	[tilespmem:$0x19E40] =	vst v63  }
0x5b: {  	_ =	swait.ge [sflag:s13], $0x3200  }
0x5c: {  	[sflag:s13] =	ssyncset.done $0x0  }
0x5d: {  	[sflag:s13] =	ssyncadd.s32 $0xFFFFCE00  }
0x5e: {  	[tilespmem:s15], [sflag:$0x1] =	stream.indirect.gather [hbm4b:s10+s16], $0x40, s20, s16, $0xb8;
	[tilespmem:$0x19E40] =	vst v63  }
0x5f: {  	_ =	swait.ge [sflag:s19], $0x3200  }
0x60: {  	[sflag:s19] =	ssyncset.done $0x0  }
0x61: {  	s25 =	sadd.s32 $0x4EE8, s25;
	[sflag:s19] =	ssyncadd.s32 $0xFFFFCE00  }
0x62: {  	[spmem:s2] =	stream.indirect.scatter.add.f32 [tilespmem:s17], [sflag:$0x3], $0x40, s25, s16, $0xb8;
	[tilespmem:$0x19E40] =	vst v63  }
0x63: {  	_ =	swait.ge [sflag:s13], $0x3200  }
0x64: {  	[sflag:s13] =	ssyncset.done $0x0  }
0x65: {  	[sflag:s13] =	ssyncadd.s32 $0xFFFFCE00  }
0x66: {  	[tilespmem:s17], [sflag:$0x2] =	stream.indirect.gather [hbm4b:s10+s16], $0x40, s21, s16, $0xb8;
	[tilespmem:$0x19E40] =	vst v63  }
0x67: {  	_ =	swait.ge [sflag:s18], $0x3200  }
0x68: {  	[sflag:s18] =	ssyncset.done $0x0  }
0x69: {  	[sflag:s18] =	ssyncadd.s32 $0xFFFFCE00  }
0x6a: {  	[spmem:s2] =	stream.indirect.scatter.add.f32 [tilespmem:s15], [sflag:$0x3], $0x40, s22, s16, $0xb8;
	[tilespmem:$0x19E40] =	vst v63  }
0x6b: {  	_ =	swait.ge [sflag:s13], $0x3200  }
0x6c: {  	[sflag:s13] =	ssyncset.done $0x0  }
0x6d: {  	[sflag:s13] =	ssyncadd.s32 $0xFFFFCE00  }
0x6e: {  	[tilespmem:s15], [sflag:$0x1] =	stream.indirect.gather [hbm4b:s10+s16], $0x40, s21, s16, $0xb8;
	[tilespmem:$0x19E40] =	vst v63  }
0x6f: {  	_ =	swait.ge [sflag:s19], $0x3200  }
0x70: {  	[sflag:s19] =	ssyncset.done $0x0  }
0x71: {  	[sflag:s19] =	ssyncadd.s32 $0xFFFFCE00  }
0x72: {  	[spmem:s2] =	stream.indirect.scatter.add.f32 [tilespmem:s17], [sflag:$0x3], $0x40, s23, s16, $0xb8;
	[tilespmem:$0x19E40] =	vst v63  }
0x73: {  	_ =	swait.ge [sflag:s13], $0x3200  }
0x74: {  	[sflag:s13] =	ssyncset.done $0x0  }
0x75: {  	[sflag:s13] =	ssyncadd.s32 $0xFFFFCE00  }
0x76: {  	[tilespmem:s17], [sflag:$0x2] =	stream.indirect.gather [hbm4b:s10+s16], $0x40, s21, s16, $0xb8;
	[tilespmem:$0x19E40] =	vst v63  }
0x77: {  	_ =	swait.ge [sflag:s18], $0x3200  }
0x78: {  	[sflag:s18] =	ssyncset.done $0x0  }
0x79: {  	[sflag:s18] =	ssyncadd.s32 $0xFFFFCE00  }
0x7a: {  	_ =	swait.ge [sflag:s19], $0x3200  }
0x7b: {  	s30 =	sshll.u32 s0, $0x6;
	s24 =	sadd.s32 $0x1, s24;
	[sflag:s19] =	ssyncset.done $0x0  }
0x7c: {  	s31 =	sshrl.u32 s6, $0x3;
	p0 =	sne.s32 s24, s12;
	[sflag:s19] =	ssyncadd.s32 $0xFFFFCE00  }
.Ltmp2:
0x7d: {  	s25 =	sor.u32 $0x1C03, s30;
	[bflag:$0x0] =	sbarrier.arrive $0xFFFF;
	(pc) =	sbr.rel @p0 .LBB2_1-.Ltmp2, $4  }
0x7e: {  	[hbm:s11], [sflag:s25] =	dma.local [spmem:s31], $0x13C0  }
0x7f: {  	_ =	swait.ge [sflag:s13], $0x13C0  }
0x80: {  	[sflag:s13] =	ssyncset.done $0x0  }
0x81: {  	[sflag:s13] =	ssyncadd.s32 $0xFFFFEC40  }
0x82: {  	_ =	sfence.sel $0x180000  }
0x83: {  	[bflag:$0x0] =	sbarrier.arrive $0xFFFF  }
0x84: {  	p0 =	sne.s32 s0, $0x0;
	_ =	strace $0x9000004D  }
0x85: {  	s0 =	sadd.s32 @!p0 $0x100000, s1;
	[bflag:$0x2] =	sbarrier.arrive $0xFFFF  }
0x86: {  	[sflag:s0] =	ssyncadd.tile.s32 @!p0 $0x1;
	_ =	shalt  }
.Lfunc_end2:
_tile_overlayer_lowered:
.L_overlay_start_2:
0x87: {  	(tag) =	ssettag $0x2  }
0x88: {  	s0 =	rddreg [dreg:$0x0];
	s2 =	stileid.u32  }
0x89: {  	s1 =	rddreg [dreg:$0x1];
	p0 =	sne.s32 s2, $0x0  }
0x8a: {  	s3 =	rddreg [dreg:$0x2];
	[bflag:$0x3] =	sbarrier.arrive $0xFFFF;
	s2 =	simm.s32 @!p0 $0x1C03  }
0x8b: {  	[timem:s3], [sflag:s2] =	dma.local @!p0 [hbm:s0], s1  }
0x8c: {  	s0 =	simm.s32 @!p0 $0x3  }
0x8d: {  	_ =	swait.ge @!p0 [sflag:s0], s1  }
0x8e: {  	s1 =	ssub.s32 @!p0 $0x0, s1;
	[sflag:s0] =	ssyncset.done @!p0 $0x0  }
0x8f: {  	[sflag:s0] =	ssyncadd.s32 @!p0 s1  }
0x90: {  	[bflag:$0x3] =	sbarrier.arrive $0xFFFF  }
0x91: {  	_ =	shalt  }

// kernel: kernel.8.cloned.1.call-start
scs
__scs_entry_jumppad:
0x0: {  	(pc) =	sbr.rel $0x88, $3  }
0x1: {  	(tag) =	ssettag $0x0;
	lr =	simm.s32 $0x1  }
0x2: {  	[smem:$0x3F96] =	sst lr;
	_ =	strace $0xD0000000  }
0x3: {  	_ = 	snop  }
0x4: {  	_ = 	snop  }
0x5: {  	_ = 	snop  }
0x6: {  	_ = 	snop  }
0x7: {  	_ = 	snop  }
__scs_overlays_trampoline_lowered:
0x8: {  	[smem:$0x3FA5] =	sst s0  }
0x9: {  	[smem:$0x3FA6] =	sst s1  }
0xa: {  	[smem:$0x3FA7] =	sst s2  }
0xb: {  	[smem:$0x3FA8] =	sst s3  }
0xc: {  	[smem:$0x3FA9] =	sst s4  }
0xd: {  	[smem:$0x3FAA] =	sst s5  }
0xe: {  	[smem:$0x3FAB] =	sst s6  }
0xf: {  	[smem:$0x3FAC] =	sst s7  }
0x10: {  	[smem:$0x3FAD] =	sst s8  }
0x11: {  	[smem:$0x3FAE] =	sst s9;
	s0 =	simm.s32 @!p0 $0x0  }
0x12: {  	s1 =	sld [smem:$0x3F94];
	s0 =	simm.s32 @p0 $0x1  }
0x13: {  	[smem:$0x3FAF] =	sst s0;
	s0 =	simm.s32 @!p1 $0x0  }
0x14: {  	s2 =	sld [smem:$0x3F93];
	s0 =	simm.s32 @p1 $0x1  }
0x15: {  	[smem:$0x3FB0] =	sst s0;
	s0 =	simm.s32 @!p2 $0x0  }
0x16: {  	s3 =	sld [smem:$0x3FDB];
	s0 =	simm.s32 @p2 $0x1  }
0x17: {  	s4 =	simm.s32 $0x1BF5;
	[smem:$0x3FB2] =	sst s0  }
0x18: {  	s0 =	sld [smem:$0x3F95];
	_ =	swait.ge [sflag:s4], $0x0  }
0x19: {  	s7 =	sld [smem:$0x3F96]  }
0x1a: {  	s8 =	sadd.s32 $0xFFFFE003, lr  }
0x1b: {  	s9 =	sadd.s32 $0xFFFFFEF7, lr;
	s5 =	simm.s32 $0xFFFFFFFF;
	p2 =	slt.u32 s8, $0xFFFFF086  }
0x1c: {  	p1 =	slt.u32 s9, $0xF7A;
	s5 =	simm.s32 @!p2 $0x0  }
0x1d: {  	s5 =	simm.s32 @p1 $0x1;
	p0 =	seq.s32 s7, s2  }
0x1e: {  	s7 =	smul.u32 @!p0 $0xF7A, s2;
	p2 =	seq.s32 @!p0 s5, $0x0  }
0x1f: {  	s9 =	smul.u32 $0xF7A, s1;
	s8 =	simm.s32 @!p0 $0x1BF5;
	p2 =	por !p2, p0  }
0x20: {  	[sflag:s8] =	ssyncset.s32 @!p0 $0xFFFFF086;
	s6 =	sadd.s32 @!p0 s3, s7;
	s7 =	simm.s32 @!p0 $0x108  }
0x21: {  	s3 =	sadd.s32 s3, s9;
	s6 =	sadd.s32 @!p0 $0x88, s6;
	s7 =	simm.s32 @p2 $0x1082  }
0x22: {  	[simem:s7], [sflag:s8] =	dma.local @!p0 [hbm:s6], $0xF7A  }
0x23: {  	s9 =	sor.u32 $0xD0000000, s2;
	s6 =	simm.s32 $0x108;
	_ =	swait.ge @!p0 [sflag:s8], $0x0  }
0x24: {  	s3 =	sadd.s32 $0x88, s3;
	s6 =	simm.s32 @!p1 $0x1082;
	[sflag:s4] =	ssyncset.s32 $0xFFFFF086  }
0x25: {  	[simem:s6], [sflag:s4] =	dma.local [hbm:s3], $0xF7A  }
0x26: {  	[smem:$0x3F96] =	sst s1;
	(tag) =	ssettag s2;
	_ =	strace s9  }
0x27: {  	s1 =	sld [smem:$0x3FA6]  }
0x28: {  	s2 =	sld [smem:$0x3FA7]  }
0x29: {  	s4 =	sld [smem:$0x3FA9]  }
0x2a: {  	p0 =	seq.s32 s5, $0x0;
	s5 =	sld [smem:$0x3FAA]  }
0x2b: {  	s6 =	sld [smem:$0x3FAB]  }
0x2c: {  	s7 =	sld [smem:$0x3FAC]  }
0x2d: {  	s3 =	simm.s32 $0x108;
	s8 =	sld [smem:$0x3FAD]  }
0x2e: {  	s3 =	simm.s32 @!p0 $0x1082;
	s9 =	sld [smem:$0x3FAE]  }
0x2f: {  	lr =	sadd.s32 s0, s3;
	s0 =	sld [smem:$0x3FA5]  }
0x30: {  	s3 =	sld [smem:$0x3FA8]  }
0x31: {  	[smem:$0x3FB1] =	sst s10  }
0x32: {  	s10 =	sld [smem:$0x3FAF];
	_ =	sdelay $0x3  }
0x33: {  	p0 =	seq.s32 s10, $0x1;
	s10 =	sld [smem:$0x3FB1];
	_ =	sdelay $0x3  }
0x34: {  	[smem:$0x3FB1] =	sst s10  }
0x35: {  	s10 =	sld [smem:$0x3FB0];
	_ =	sdelay $0x3  }
0x36: {  	p1 =	seq.s32 s10, $0x1;
	s10 =	sld [smem:$0x3FB1];
	_ =	sdelay $0x3  }
0x37: {  	[smem:$0x3FB1] =	sst s10  }
0x38: {  	s10 =	sld [smem:$0x3FB2]  }
0x39: {  	_ = 	snop;
	(pc) =	sbr.ind lr, $3  }
0x3a: {  	_ = 	snop  }
0x3b: {  	_ = 	snop  }
0x3c: {  	p2 =	seq.s32 s10, $0x1;
	s10 =	sld [smem:$0x3FB1]  }
0x3d: {  	_ =	shalt  }
0x3e: {  	_ =	shalt  }
0x3f: {  	_ =	shalt  }
0x40: {  	_ =	shalt  }
0x41: {  	_ =	shalt  }
0x42: {  	_ =	shalt  }
0x43: {  	_ =	shalt  }
0x44: {  	_ =	shalt  }
0x45: {  	_ =	shalt  }
0x46: {  	_ =	shalt  }
0x47: {  	_ =	shalt  }
0x48: {  	_ =	shalt  }
0x49: {  	_ =	shalt  }
0x4a: {  	_ =	shalt  }
0x4b: {  	_ =	shalt  }
0x4c: {  	_ =	shalt  }
0x4d: {  	_ =	shalt  }
0x4e: {  	_ =	shalt  }
0x4f: {  	_ =	shalt  }
0x50: {  	_ =	shalt  }
0x51: {  	_ =	shalt  }
0x52: {  	_ =	shalt  }
0x53: {  	_ =	shalt  }
0x54: {  	_ =	shalt  }
0x55: {  	_ =	shalt  }
0x56: {  	_ =	shalt  }
0x57: {  	_ =	shalt  }
0x58: {  	_ =	shalt  }
0x59: {  	_ =	shalt  }
0x5a: {  	_ =	shalt  }
0x5b: {  	_ =	shalt  }
0x5c: {  	_ =	shalt  }
0x5d: {  	_ =	shalt  }
0x5e: {  	_ =	shalt  }
0x5f: {  	_ =	shalt  }
0x60: {  	_ =	shalt  }
0x61: {  	_ =	shalt  }
0x62: {  	_ =	shalt  }
0x63: {  	_ =	shalt  }
0x64: {  	_ =	shalt  }
0x65: {  	_ =	shalt  }
0x66: {  	_ =	shalt  }
0x67: {  	_ =	shalt  }
0x68: {  	_ =	shalt  }
0x69: {  	_ =	shalt  }
0x6a: {  	_ =	shalt  }
0x6b: {  	_ =	shalt  }
0x6c: {  	_ =	shalt  }
0x6d: {  	_ =	shalt  }
0x6e: {  	_ =	shalt  }
0x6f: {  	_ =	shalt  }
0x70: {  	_ =	shalt  }
0x71: {  	_ =	shalt  }
0x72: {  	_ =	shalt  }
0x73: {  	_ =	shalt  }
0x74: {  	_ =	shalt  }
0x75: {  	_ =	shalt  }
0x76: {  	_ =	shalt  }
0x77: {  	_ =	shalt  }
0x78: {  	_ =	shalt  }
0x79: {  	_ =	shalt  }
0x7a: {  	_ =	shalt  }
0x7b: {  	_ =	shalt  }
0x7c: {  	_ =	shalt  }
0x7d: {  	_ =	shalt  }
0x7e: {  	_ =	shalt  }
0x7f: {  	_ =	shalt  }
0x80: {  	_ =	shalt  }
0x81: {  	_ =	shalt  }
0x82: {  	_ =	shalt  }
0x83: {  	_ =	shalt  }
0x84: {  	_ =	shalt  }
0x85: {  	_ =	shalt  }
0x86: {  	_ =	shalt  }
0x87: {  	_ =	shalt  }
.Lfunc_end0:
.L_simem_size_0:
called_computation_lowered:
.L_overlay_start_0:
0x88: {  	s2 =	sld [smem:$0x3FD9]  }
0x89: {  	s3 =	sld [smem:$0x3FFE];
	_ =	sdelay $0x1  }
0x8a: {  	s1 =	srdreg.scid  }
0x8b: {  	s0 =	sand.u32 $0x1, s1  }
0x8c: {  	s14 =	sshll.u32 s0, $0xA;
	s2 =	sadd.s32 s3, s2  }
0x8d: {  	s2 =	sadd.s32 s2, s14  }
0x8e: {  	[smem:$0x3FBD] =	sst s2  }
0x8f: {  	_ = 	snop  }
0x90: {  	s2 =	sld [smem:$0x3FD0];
	_ =	sdelay $0x2  }
0x91: {  	s15 =	simm.s32 $0xA;
	s4 =	simm.s32 $0x10  }
0x92: {  	[smem:s4], [sflag:s15] =	dma.local [hbm:s2], $0x1  }
0x93: {  	_ =	swait.eq [sflag:s15], $0x1  }
0x94: {  	[sflag:s15] =	ssyncset.done $0x0  }
0x95: {  	[sflag:s15] =	ssyncadd.s32 $0xFFFFFFFF  }
0x96: {  	s16 =	sld [smem:$0x12];
	(tm) =	ssettm $0x1  }
0x97: {  	s17 =	sld [smem:$0x3FFB];
	_ =	sdelay $0x3  }
0x98: {  	_ =	strace s17  }
0x99: {  	s3 =	sld [smem:$0x3FFC];
	_ =	sdelay $0x3  }
0x9a: {  	_ =	strace s3  }
0x9b: {  	s3 =	sld [smem:$0x3FFD];
	_ =	sdelay $0x3  }
0x9c: {  	_ =	strace s3  }
0x9d: {  	_ =	strace $0x8FFFFFFF  }
0x9e: {  	s18 =	sld [smem:$0x3FDB];
	_ =	sdelay $0x1  }
0x9f: {  	s19 =	simm.s32 $_scs_section_size  }
0xa0: {  	s5 =	simm.s32 $_size__tile_overlayer_lowered;
	s6 =	simm.s32 $_tile_overlayer_lowered  }
0xa1: {  	s22 =	simm.s32 $0x1BFF;
	s21 =	sshll.u32 s6, $0x1;
	s3 =	sadd.s32 s19, s18  }
0xa2: {  	s7 =	simm.s32 $0x0;
	s20 =	sshll.u32 s5, $0x1;
	s5 =	sadd.s32 s21, s3  }
0xa3: {  	[timem:s7], [sflag:s22] =	dma.local [hbm:s5], s20  }
0xa4: {  	_ =	swait.ge [sflag:s22], s20  }
0xa5: {  	s4 =	ssub.s32 $0x0, s20;
	[sflag:s22] =	ssyncset.done $0x0  }
0xa6: {  	[sflag:s22] =	ssyncadd.s32 s4;
	_ =	sdelay $0x1  }
0xa7: {  	s23 =	simm.s32 $0x1B8B  }
0xa8: {  	_ =	swait.ge [sflag:s23], $0x1  }
0xa9: {  	[sflag:s23] =	ssyncset.done $0x0  }
0xaa: {  	s25 =	simm.s32 $0x1B8E;
	s24 =	sld [smem:$0x3FFE];
	[sflag:s23] =	ssyncadd.s32 $0xFFFFFFFF  }
0xab: {  	s26 =	simm.s32 $execute0_lowered;
	[smem:$0x3FD2] =	sst s25  }
0xac: {  	s5 =	sshll.u32 s26, $0x1;
	_ =	strace $0x80000046;
	[dreg:$0x1] =	wrdreg $0xFFFFFFFF  }
0xad: {  	s28 =	simm.s32 $_size_execute0_lowered;
	s3 =	sadd.s32 s3, s5;
	[dreg:$0x0] =	wrdreg $0x0  }
0xae: {  	s5 =	sshll.u32 s28, $0x1;
	[dreg:$0x2] =	wrdreg s3  }
0xaf: {  	[dreg:$0x3] =	wrdreg s5  }
0xb0: {  	[dreg:$0x4] =	wrdreg $0xC0  }
0xb1: {  	_ =	task [dreg:s7], $0x5FFFF  }
0xb2: {  	[dreg:$0x1] =	wrdreg $0xFFFFFFFF  }
0xb3: {  	[dreg:$0x0] =	wrdreg $0x60  }
0xb4: {  	[dreg:$0x2] =	wrdreg s24  }
0xb5: {  	[dreg:$0x3] =	wrdreg s16  }
0xb6: {  	[dreg:$0x4] =	wrdreg $0x9  }
0xb7: {  	_ =	task.clear_ibuf [dreg:s7], $0x5FFFF;
	_ =	strace $0x90000046  }
0xb8: {  	s29 =	simm.s32 $0x9;
	_ =	strace $0x80000048  }
0xb9: {  	_ =	swait.ge [sflag:s29], $0x1  }
0xba: {  	[sflag:s29] =	ssyncadd.s32 $0xFFFFFFFF  }
0xbb: {  	_ =	strace $0x90000048  }
0xbc: {  	_ =	sfence  }
0xbd: {  	s30 =	sld [smem:$0x0];
	_ =	sdelay $0x2  }
0xbe: {  	s31 =	sshll.u32 s1, $0xD;
	s1 =	sshrl.u32 s1, $0x2  }
0xbf: {  	s3 =	sand.u32 $0x4000, s31;
	s1 =	sadd.s32 s1, s30  }
0xc0: {  	s0 =	sor.u32 s3, s0;
	s1 =	sshll.u32 s1, $0x11  }
0xc1: {  	s0 =	sor.u32 s1, s0  }
0xc2: {  	s0 =	sadd.s32 $0x8F2B, s0  }
0xc3: {  	[sflag:s0] =	ssyncadd.remote.s32 $0x1  }
0xc4: {  	_ =	sfence.sel $0xFFFF  }
0xc5: {  	[dreg:$0x0] =	wrdreg $0xFFFFFFFF;
	(pc) =	sbr.abs _section_cstart, $3  }
0xc6: {  	[dreg:$0x1] =	wrdreg $0xFFFFFFFF  }
0xc7: {  	_ =	task.clear_ibuf [dreg:s7], $0x2FFFF;
	_ =	strace $0x9FFFFFFF  }
0xc8: {  	(tm) =	ssettm $0x7FFFFFFF  }
0xc9: {  	_ =	shalt  }
tec
execute0_lowered:
.L_overlay_start_1:
0x0: {  	(tag) =	ssettag $0x1  }
0x1: {  	s0 =	srdreg.scid  }
0x2: {  	s4 =	sand.u32 $0x1, s0  }
0x3: {  	s0 =	stileid.u32;
	s5 =	smul.u32 $0x9C400, s4  }
0x4: {  	s3 =	rddreg [dreg:$0x0];
	s7 =	smul.u32 $0x4E20, s0  }
0x5: {  	s6 =	rddreg [dreg:$0x1];
	s2 =	simm.s32 $0x0;
	s8 =	smul.u32 $0x27800, s4  }
0x6: {  	[smem:$0x7FF] =	sst s2;
	s9 =	smul.u32 $0x2780, s0;
	s4 =	ssub.s32 $0x2, s4  }
0x7: {  	s1 =	rddreg [dreg:$0x2];
	_ =	strace $0x80000047;
	s30 =	sshrl.u32 s4, $0x1  }
0x8: {  	s5 =	sadd.s32 s5, s7;
	s29 =	sadd.s32 s9, s8;
	s8 =	ssub.s32 s4, s30  }
0x9: {  	s7 =	simm.s32 $0x4E20;
	s5 =	sshrl.u32 s5, $0x3;
	s31 =	sshrl.u32 s29, $0x3  }
0xa: {  	s3 =	sadd.s32 s3, s5;
	s4 =	sadd.s32 s6, s31;
	s5 =	smax.u32 s8, $0x1  }
0xb: {  	v0 =	vimm.f32 $0.0e+00;
	v1 =	vimm.f32 $1.000000000e+00;
	s6 =	simm.s32 $0x1;
	s8 =	simm.s32 $0x0;
	s3 =	sadd.s32 $0xD440, s3  }
.LBB2_1:
0xc: {  	[tilespmem:s2], [sflag:$0x1] =	stream.linear.gather [hbm4b:s3+s2], $0x4E20, $0x38;
	[tilespmem:$0x75A0] =	vst v63  }
0xd: {  	_ =	swait.ge [sflag:s6], $0x4E20  }
0xe: {  	[sflag:s6] =	ssyncset.done $0x0  }
0xf: {  	s9 =	simm.s32 $0x0;
	[sflag:s6] =	ssyncadd.s32 $0xFFFFB1E0  }
.LBB2_2:
0x10: {  	p0 =	sne.s32 s9, $0x9DC0  }
.Ltmp0:
0x11: {  	_ = 	snop;
	(pc) =	sbr.rel @p0 .LBB2_2-.Ltmp0, $3  }
0x12: {  	_ =	sdelay $0x1  }
0x13: {  	s10 =	sshra.s32 s9, $0x2  }
0x14: {  	s9 =	sadd.s32 $0x40, s9;
	[tilespmem:s10+$0x4E20] =	vst v0  }
0x15: {  	s9 =	simm.s32 $0x0  }
.LBB2_4:
0x16: {  	s10 =	sshra.s32 s9, $0x2  }
0x17: {  	v2 =	vld [tilespmem:s10+$0x0];
	_ =	sdelay $0x7  }
0x18: {  	[tilespmem:v2+s7+$0x0] =	vst.idx.add.f32.msk $0xffff, v1  }
0x19: {  	v2 =	vld [tilespmem:s10+$0x10];
	_ =	sdelay $0x7  }
0x1a: {  	[tilespmem:v2+s7+$0x0] =	vst.idx.add.f32.msk $0xffff, v1  }
0x1b: {  	v2 =	vld [tilespmem:s10+$0x20];
	_ =	sdelay $0x7  }
0x1c: {  	[tilespmem:v2+s7+$0x0] =	vst.idx.add.f32.msk $0xffff, v1  }
0x1d: {  	v2 =	vld [tilespmem:s10+$0x30];
	_ =	sdelay $0x7  }
0x1e: {  	[tilespmem:v2+s7+$0x0] =	vst.idx.add.f32.msk $0xffff, v1  }
0x1f: {  	v2 =	vld [tilespmem:s10+$0x40];
	_ =	sdelay $0x2  }
0x20: {  	p0 =	sne.s32 s9, $0x13740  }
.Ltmp1:
0x21: {  	_ = 	snop;
	(pc) =	sbr.rel @p0 .LBB2_4-.Ltmp1, $2  }
0x22: {  	_ =	sdelay $0x2  }
0x23: {  	s9 =	sadd.s32 $0x140, s9;
	[tilespmem:v2+s7+$0x0] =	vst.idx.add.f32.msk $0xffff, v1  }
0x24: {  	s8 =	sadd.s32 $0x1, s8  }
0x25: {  	p0 =	sne.s32 s8, s5  }
.Ltmp2:
0x26: {  	_ = 	snop;
	(pc) =	sbr.rel @p0 .LBB2_1-.Ltmp2, $4  }
0x27: {  	[hbm4b:s4+s2] =	stream.linear.scatter [tilespmem:s7], [sflag:$0x1], $0x2780, $0x38;
	[tilespmem:$0x75A0] =	vst v63  }
0x28: {  	_ =	swait.ge [sflag:s6], $0x2780  }
0x29: {  	[sflag:s6] =	ssyncset.done $0x0  }
0x2a: {  	[sflag:s6] =	ssyncadd.s32 $0xFFFFD880  }
0x2b: {  	_ =	sfence.sel $0x180000  }
0x2c: {  	[bflag:$0x0] =	sbarrier.arrive $0xFFFF  }
0x2d: {  	p0 =	sne.s32 s0, $0x0;
	_ =	strace $0x90000047  }
0x2e: {  	s0 =	sadd.s32 @!p0 $0x100000, s1;
	[bflag:$0x2] =	sbarrier.arrive $0xFFFF  }
0x2f: {  	[sflag:s0] =	ssyncadd.tile.s32 @!p0 $0x1;
	_ =	shalt  }
.Lfunc_end2:
_tile_overlayer_lowered:
.L_overlay_start_2:
0x30: {  	(tag) =	ssettag $0x2  }
0x31: {  	s0 =	rddreg [dreg:$0x0];
	s2 =	stileid.u32  }
0x32: {  	s1 =	rddreg [dreg:$0x1];
	p0 =	sne.s32 s2, $0x0  }
0x33: {  	s3 =	rddreg [dreg:$0x2];
	[bflag:$0x3] =	sbarrier.arrive $0xFFFF;
	s2 =	simm.s32 @!p0 $0x1C01  }
0x34: {  	[timem:s3], [sflag:s2] =	dma.local @!p0 [hbm:s0], s1  }
0x35: {  	s0 =	simm.s32 @!p0 $0x1  }
0x36: {  	_ =	swait.ge @!p0 [sflag:s0], s1  }
0x37: {  	s1 =	ssub.s32 @!p0 $0x0, s1;
	[sflag:s0] =	ssyncset.done @!p0 $0x0  }
0x38: {  	[sflag:s0] =	ssyncadd.s32 @!p0 s1  }
0x39: {  	[bflag:$0x3] =	sbarrier.arrive $0xFFFF  }
0x3a: {  	_ =	shalt  }

</sc_bundles>
